<compile_context>
chip_gen: v7x
topology: tpu7x:2x2x1
jax: 0.10.2.dev20260603
libtpu: 0.0.44.dev20260713+nightly
codegen_flags: <defaults>
</compile_context>

<pallas_src>
import functools

import jax
import jax.numpy as jnp
from jax import lax
from jax.experimental import pallas as pl
from jax.experimental.pallas import tpu as pltpu
from jax.experimental.pallas import tpu_sc as plsc

N = 10000
NP = 10008
NG = 64
E = 320000
CH = 128
NC, NS = 2, 16
KCH = 80
EP = NC * NS * KCH * CH
EROWS = EP // CH
F = 32


def _mesh():
    return plsc.VectorSubcoreMesh(
        core_axis_name="c", subcore_axis_name="s",
        num_cores=NC, num_subcores=NS)



_SC_PARAMS = pltpu.CompilerParams(use_tc_tiling_on_sc=False)


@functools.partial(
    pl.kernel,
    out_type=jax.ShapeDtypeStruct((NC, NP), jnp.float32),
    mesh=_mesh(),
    compiler_params=_SC_PARAMS,
    scratch_types=[
        pltpu.VMEM((KCH, CH), jnp.int32),
        pltpu.VMEM((CH,), jnp.float32),
        pltpu.VMEM_SHARED((NP,), jnp.float32),
        pltpu.SemaphoreType.DMA,
        pltpu.SemaphoreType.DMA,
        pltpu.SemaphoreType.DMA,
        pltpu.SemaphoreType.DMA,
    ],
)
def _sc_degree(dst_hbm, ones_hbm, zeros_hbm, out_hbm, idx_d, ones_v, deg_sh,
               dsem0, dsem1, dsem2, dsem3):
    cid = lax.axis_index("c")
    sid = lax.axis_index("s")
    wid = cid * NS + sid
    pltpu.sync_copy(ones_hbm, ones_v)
    pltpu.sync_copy(dst_hbm.at[pl.ds(wid * KCH, KCH)], idx_d)

    @pl.when(sid == 0)
    def _():
        pltpu.sync_copy(zeros_hbm, deg_sh)

    plsc.subcore_barrier()

    dsems = (dsem0, dsem1, dsem2, dsem3)
    for b in range(4):
        pltpu.async_copy(ones_v, deg_sh.at[idx_d.at[b]], dsems[b], add=True)

    def body(i, carry):
        base = 4 * i
        for b in range(4):
            c = base + b
            pltpu.make_async_copy(ones_v, deg_sh.at[idx_d.at[c]],
                                  dsems[b]).wait()

            @pl.when(c + 4 < KCH)
            def _():
                pltpu.async_copy(ones_v, deg_sh.at[idx_d.at[c + 4]],
                                 dsems[b], add=True)
        return carry

    lax.fori_loop(0, KCH // 4, body, 0)
    plsc.subcore_barrier()

    @pl.when(sid == 0)
    def _():
        pltpu.sync_copy(deg_sh, out_hbm.at[cid])


@functools.partial(
    pl.kernel,
    out_type=jax.ShapeDtypeStruct((NC, NP, F), jnp.float32),
    mesh=_mesh(),
    compiler_params=_SC_PARAMS,
    scratch_types=[
        pltpu.VMEM((KCH, CH), jnp.int32),
        pltpu.VMEM((KCH, CH), jnp.int32),
        pltpu.VMEM((CH, F), jnp.float32),
        pltpu.VMEM((CH, F), jnp.float32),
        pltpu.VMEM((CH, F), jnp.float32),
        pltpu.VMEM((CH, F), jnp.float32),
        pltpu.VMEM_SHARED((NP, F), jnp.float32),
        pltpu.VMEM_SHARED((NP, F), jnp.float32),
        pltpu.SemaphoreType.DMA,
        pltpu.SemaphoreType.DMA,
        pltpu.SemaphoreType.DMA,
        pltpu.SemaphoreType.DMA,
        pltpu.SemaphoreType.DMA,
        pltpu.SemaphoreType.DMA,
        pltpu.SemaphoreType.DMA,
        pltpu.SemaphoreType.DMA,
    ],
)
def _sc_agg(y_hbm, src_hbm, dst_hbm, zeros_hbm, out_hbm,
            idx_s, idx_d, rows0, rows1, rows2, rows3, agg_sh, y_sh,
            sem0, sem1, sem2, sem3, ssem0, ssem1, ssem2, ssem3):
    cid = lax.axis_index("c")
    sid = lax.axis_index("s")
    wid = cid * NS + sid
    bufs = (rows0, rows1, rows2, rows3)
    sems = (sem0, sem1, sem2, sem3)
    ssems = (ssem0, ssem1, ssem2, ssem3)
    pltpu.sync_copy(src_hbm.at[pl.ds(wid * KCH, KCH)], idx_s)
    pltpu.sync_copy(dst_hbm.at[pl.ds(wid * KCH, KCH)], idx_d)

    zc = 1248
    acc_src = zeros_hbm

    @pl.when((sid < 8) & (cid == 0))
    def _():
        pltpu.sync_copy(y_hbm.at[pl.ds(sid * zc, zc)],
                        agg_sh.at[pl.ds(sid * zc, zc)])

    @pl.when((sid == 0) & (cid == 0))
    def _():
        pltpu.sync_copy(y_hbm.at[pl.ds(8 * zc, NP - 8 * zc)],
                        agg_sh.at[pl.ds(8 * zc, NP - 8 * zc)])

    @pl.when((sid < 8) & (cid == 1))
    def _():
        pltpu.sync_copy(acc_src.at[pl.ds(sid * zc, zc)],
                        agg_sh.at[pl.ds(sid * zc, zc)])

    @pl.when((sid == 0) & (cid == 1))
    def _():
        pltpu.sync_copy(acc_src.at[pl.ds(8 * zc, NP - 8 * zc)],
                        agg_sh.at[pl.ds(8 * zc, NP - 8 * zc)])

    @pl.when(sid >= 8)
    def _():
        t = sid - 8
        pltpu.sync_copy(y_hbm.at[pl.ds(t * zc, zc)],
                        y_sh.at[pl.ds(t * zc, zc)])

    @pl.when(sid == 8)
    def _():
        pltpu.sync_copy(y_hbm.at[pl.ds(8 * zc, NP - 8 * zc)],
                        y_sh.at[pl.ds(8 * zc, NP - 8 * zc)])

    plsc.subcore_barrier()

    for b in range(3):
        pltpu.async_copy(y_sh.at[idx_s.at[b]], bufs[b], sems[b])

    def body(i, carry):
        base = 4 * i
        for b in range(4):
            c = base + b
            nb = (b + 3) % 4
            pltpu.make_async_copy(y_sh.at[idx_s.at[c]], bufs[b],
                                  sems[b]).wait()
            pltpu.async_copy(bufs[b], agg_sh.at[idx_d.at[c]], ssems[b],
                             add=True)

            @pl.when(c + 3 < KCH)
            def _():
                @pl.when(c > 0)
                def _():
                    pltpu.make_async_copy(
                        bufs[nb], agg_sh.at[idx_d.at[c - 1]],
                        ssems[nb]).wait()

                pltpu.async_copy(y_sh.at[idx_s.at[c + 3]], bufs[nb],
                                 sems[nb])
        return carry

    lax.fori_loop(0, KCH // 4, body, 0)
    for b in range(4):
        pltpu.make_async_copy(bufs[b], agg_sh.at[idx_d.at[KCH - 4 + b]],
                              ssems[b]).wait()
    plsc.subcore_barrier()

    @pl.when(sid < 8)
    def _():
        pltpu.sync_copy(agg_sh.at[pl.ds(sid * zc, zc)],
                        out_hbm.at[cid, pl.ds(sid * zc, zc)])

    @pl.when(sid == 8)
    def _():
        pltpu.sync_copy(agg_sh.at[pl.ds(8 * zc, NP - 8 * zc)],
                        out_hbm.at[cid, pl.ds(8 * zc, NP - 8 * zc)])



def _tc_layer1_body(x_ref, w_ref, degp_ref, y_ref, dinv_ref):
    deg = degp_ref[0, :] + degp_ref[1, :] + 1.0
    dinv = lax.rsqrt(deg).reshape(NP, 1)
    xw = jnp.dot(x_ref[...], w_ref[...], preferred_element_type=jnp.float32)
    y_ref[:N, :] = xw * dinv[:N, :]
    y_ref[N:, :] = jnp.zeros((NP - N, F), jnp.float32)
    dinv_ref[...] = dinv


_tc_layer1 = pl.pallas_call(
    _tc_layer1_body,
    out_shape=(jax.ShapeDtypeStruct((NP, F), jnp.float32),
               jax.ShapeDtypeStruct((NP, 1), jnp.float32)),
)


def _tc_combine_body(aggp_ref, dinv_ref, b_ref, w_ref, out_ref):
    dinv = dinv_ref[...]
    h = jnp.maximum((aggp_ref[0] + aggp_ref[1]) * dinv + b_ref[...], 0.0)
    hw = jnp.dot(h, w_ref[...], preferred_element_type=jnp.float32)
    row = lax.broadcasted_iota(jnp.int32, (NP, 1), 0)
    out_ref[...] = jnp.where(row < N, hw * dinv, 0.0)


_tc_combine = pl.pallas_call(
    _tc_combine_body,
    out_shape=jax.ShapeDtypeStruct((NP, F), jnp.float32),
)


def _tc_final_body(aggp_ref, dinv_ref, b_ref, bt_ref,
                   wfc_ref, bfc_ref, out_ref):
    agg = aggp_ref[0, :N, :] + aggp_ref[1, :N, :]
    h3 = agg * dinv_ref[:N, :] + b_ref[...]
    gid = lax.broadcasted_iota(jnp.int32, (NG, N), 0)
    oh = (bt_ref[...] == gid).astype(jnp.float32)
    sums = jnp.dot(oh, h3, preferred_element_type=jnp.float32)
    counts = jnp.dot(oh, jnp.ones((N, 1), jnp.float32),
                     preferred_element_type=jnp.float32)
    pooled = sums / jnp.maximum(counts, 1.0)
    out_ref[...] = jnp.dot(pooled, wfc_ref[...],
                           preferred_element_type=jnp.float32) + bfc_ref[...]


_tc_final = pl.pallas_call(
    _tc_final_body,
    out_shape=jax.ShapeDtypeStruct((NG, 10), jnp.float32),
)



def kernel(x, edge_index, batch, W1, b1, W2, b2, W3, b3, Wfc, bfc):
    f32 = jnp.float32
    ei = edge_index.astype(jnp.int32)
    pad = jnp.full((EP - E,), N, jnp.int32)
    src2 = jnp.concatenate([ei[0], pad]).reshape(EROWS, CH)
    dst2 = jnp.concatenate([ei[1], pad]).reshape(EROWS, CH)
    bt = batch.astype(jnp.int32).reshape(1, N)
    zeros2 = jnp.zeros((NP, F), f32)
    zeros1 = jnp.zeros((NP,), f32)
    ones_c = jnp.ones((CH,), f32)

    degp = _sc_degree(dst2, ones_c, zeros1)
    y1, dinv = _tc_layer1(x, W1, degp)
    a1 = _sc_agg(y1, src2, dst2, zeros2)
    y2 = _tc_combine(a1, dinv, b1.reshape(1, F), W2)
    a2 = _sc_agg(y2, src2, dst2, zeros2)
    y3 = _tc_combine(a2, dinv, b2.reshape(1, F), W3)
    a3 = _sc_agg(y3, src2, dst2, zeros2)
    out = _tc_final(a3, dinv, b3.reshape(1, F), bt, Wfc, bfc.reshape(1, 10))
    return out

# --- scband reference (transcript-rebuilt; emitter-appended) ---
"""Pipeline reference for scband-gcn-37744172597774 (READ-ONLY COPY).

The authoritative reference and input builder live on the scoring server;
editing this copy changes nothing except your own understanding.
"""

import jax, jax.numpy as jnp
import numpy as np

N_NODES = 10000
NUM_GRAPHS = 64


def gcn_conv(x, src, dst, W, b, n_nodes):
    # add self loops (PyG GCNConv default: add_self_loops=True)
    loop = jnp.arange(n_nodes, dtype=src.dtype)
    src2 = jnp.concatenate([src, loop])
    dst2 = jnp.concatenate([dst, loop])
    # symmetric normalization D^{-1/2} (A+I) D^{-1/2}
    deg = jnp.zeros((n_nodes,), dtype=x.dtype).at[dst2].add(1.0)
    dinv = jnp.where(deg > 0, deg ** -0.5, 0.0)
    norm = dinv[src2] * dinv[dst2]
    xw = x @ W
    msgs = jnp.take(xw, src2, axis=0) * norm[:, None]
    out = jnp.zeros((n_nodes, W.shape[1]), dtype=x.dtype).at[dst2].add(msgs)
    return out + b


def setup_inputs(seed: int = 0) -> dict:
    key = jax.random.key(seed)
    k = jax.random.split(key, 12)
    x = jax.random.normal(k[0], (N_NODES, 128), dtype=jnp.float32)
    edge_index = jax.random.randint(k[1], (2, 320000), 0, N_NODES, dtype=jnp.int64)
    batch = jnp.sort(jax.random.randint(k[2], (N_NODES,), 0, NUM_GRAPHS, dtype=jnp.int64))
    # parameters (glorot-ish scaling)
    W1 = jax.random.normal(k[3], (128, 32), dtype=jnp.float32) * (1.0 / np.sqrt(128))
    b1 = jnp.zeros((32,), dtype=jnp.float32)
    W2 = jax.random.normal(k[4], (32, 32), dtype=jnp.float32) * (1.0 / np.sqrt(32))
    b2 = jnp.zeros((32,), dtype=jnp.float32)
    W3 = jax.random.normal(k[5], (32, 32), dtype=jnp.float32) * (1.0 / np.sqrt(32))
    b3 = jnp.zeros((32,), dtype=jnp.float32)
    Wfc = jax.random.normal(k[6], (32, 10), dtype=jnp.float32) * (1.0 / np.sqrt(32))
    bfc = jnp.zeros((10,), dtype=jnp.float32)
    return {"x": x, "edge_index": edge_index, "batch": batch,
            "W1": W1, "b1": b1, "W2": W2, "b2": b2, "W3": W3, "b3": b3,
            "Wfc": Wfc, "bfc": bfc}


def reference(x, edge_index, batch, W1, b1, W2, b2, W3, b3, Wfc, bfc):
    n = x.shape[0]
    src, dst = edge_index[0], edge_index[1]
    h = gcn_conv(x, src, dst, W1, b1, n)
    h = jax.nn.relu(h)
    # dropout p=0.5 is identity in eval mode
    h = gcn_conv(h, src, dst, W2, b2, n)
    h = jax.nn.relu(h)
    h = gcn_conv(h, src, dst, W3, b3, n)
    # global mean pool over batch segment ids
    sums = jax.ops.segment_sum(h, batch, num_segments=NUM_GRAPHS)
    counts = jax.ops.segment_sum(jnp.ones((n,), dtype=h.dtype), batch, num_segments=NUM_GRAPHS)
    pooled = sums / jnp.clip(counts, 1.0)[:, None]
    out = pooled @ Wfc + bfc
    return out

if __name__ == "__main__":
    import jax
    _d = setup_inputs()
    print(jax.jit(kernel)(*tuple(_d.values())))

</pallas_src>

<mosaic_0001>
#map = affine_map<(d0, d1) -> (0, 0)>
#map1 = affine_map<(d0, d1) -> (0, 0, 0)>
module attributes {stable_mosaic.version = 14 : i64} {
  func.func @_sc_agg(%arg0: i32, %arg1: i32, %arg2: memref<10008x32xf32, #tpu.memory_space<hbm>>, %arg3: memref<2560x128xi32, #tpu.memory_space<hbm>>, %arg4: memref<2560x128xi32, #tpu.memory_space<hbm>>, %arg5: memref<10008x32xf32, #tpu.memory_space<hbm>>, %arg6: memref<2x10008x32xf32, #tpu.memory_space<hbm>>, %arg7: memref<80x128xi32, #tpu.memory_space<vmem>>, %arg8: memref<80x128xi32, #tpu.memory_space<vmem>>, %arg9: memref<128x32xf32, #tpu.memory_space<vmem>>, %arg10: memref<128x32xf32, #tpu.memory_space<vmem>>, %arg11: memref<128x32xf32, #tpu.memory_space<vmem>>, %arg12: memref<128x32xf32, #tpu.memory_space<vmem>>, %arg13: memref<10008x32xf32, #tpu.memory_space<vmem_shared>>, %arg14: memref<10008x32xf32, #tpu.memory_space<vmem_shared>>, %arg15: memref<!tpu.dma_semaphore, #tpu.memory_space<semaphore_mem>>, %arg16: memref<!tpu.dma_semaphore, #tpu.memory_space<semaphore_mem>>, %arg17: memref<!tpu.dma_semaphore, #tpu.memory_space<semaphore_mem>>, %arg18: memref<!tpu.dma_semaphore, #tpu.memory_space<semaphore_mem>>, %arg19: memref<!tpu.dma_semaphore, #tpu.memory_space<semaphore_mem>>, %arg20: memref<!tpu.dma_semaphore, #tpu.memory_space<semaphore_mem>>, %arg21: memref<!tpu.dma_semaphore, #tpu.memory_space<semaphore_mem>>, %arg22: memref<!tpu.dma_semaphore, #tpu.memory_space<semaphore_mem>>) attributes {dimension_semantics = [#tpu.dimension_semantics<core_parallel>, #tpu.dimension_semantics<subcore_parallel>], iteration_bounds = array<i64: 2, 16>, scalar_prefetch = 0 : i64, scratch_operands = 16 : i64, tpu.core_type = #tpu.core_type<sc_vector_subcore>, window_params = [{transform_indices = #map}, {transform_indices = #map}, {transform_indices = #map}, {transform_indices = #map}, {transform_indices = #map1}]} {
    %mul3A = arith.constant 16 : i32
    %mul3A_0 = arith.muli %arg0, %mul3A : i32
    %add3A = arith.addi %mul3A_0, %arg1 : i32
    %mul3A_1 = arith.constant 80 : i32
    %mul3A_2 = arith.muli %add3A, %mul3A_1 : i32
    "tpu.region"() ({
      %run_scoped3A = tpu.sem_alloc : memref<!tpu.dma_semaphore, #tpu.memory_space<semaphore_mem>>
      %dma_start3A_104 = arith.constant 0 : i32
      %dma_start3A_105 = tpu.memref_slice %arg3[%mul3A_2, %dma_start3A_104] : memref<2560x128xi32, #tpu.memory_space<hbm>> -> memref<80x128xi32, #tpu.memory_space<hbm>>
      %dma_start3A_106 = arith.constant 0 : i32
      %dma_start3A_107 = tpu.memref_slice %arg3[%mul3A_2, %dma_start3A_106] : memref<2560x128xi32, #tpu.memory_space<hbm>> -> memref<80x128xi32, #tpu.memory_space<hbm>>
      tpu.enqueue_dma source(%dma_start3A_107 : memref<80x128xi32, #tpu.memory_space<hbm>>) target(%arg7 : memref<80x128xi32, #tpu.memory_space<vmem>>) target_semaphore(%run_scoped3A : memref<!tpu.dma_semaphore, #tpu.memory_space<semaphore_mem>>)
      %dma_wait3A_108 = arith.constant 0 : i32
      %dma_wait3A_109 = tpu.memref_slice %arg3[%mul3A_2, %dma_wait3A_108] : memref<2560x128xi32, #tpu.memory_space<hbm>> -> memref<80x128xi32, #tpu.memory_space<hbm>>
      %dma_wait3A_110 = arith.constant 0 : i32
      %dma_wait3A_111 = tpu.memref_slice %arg3[%mul3A_2, %dma_wait3A_110] : memref<2560x128xi32, #tpu.memory_space<hbm>> -> memref<80x128xi32, #tpu.memory_space<hbm>>
      tpu.wait_dma2 semaphore(%run_scoped3A : memref<!tpu.dma_semaphore, #tpu.memory_space<semaphore_mem>>) src(%dma_wait3A_111 : memref<80x128xi32, #tpu.memory_space<hbm>>) dst(%arg7 : memref<80x128xi32, #tpu.memory_space<vmem>>)
      tpu.yield
    }) : () -> ()
    %mul3A_3 = arith.constant 80 : i32
    %mul3A_4 = arith.muli %add3A, %mul3A_3 : i32
    "tpu.region"() ({
      %run_scoped3A = tpu.sem_alloc : memref<!tpu.dma_semaphore, #tpu.memory_space<semaphore_mem>>
      %dma_start3A_104 = arith.constant 0 : i32
      %dma_start3A_105 = tpu.memref_slice %arg4[%mul3A_4, %dma_start3A_104] : memref<2560x128xi32, #tpu.memory_space<hbm>> -> memref<80x128xi32, #tpu.memory_space<hbm>>
      %dma_start3A_106 = arith.constant 0 : i32
      %dma_start3A_107 = tpu.memref_slice %arg4[%mul3A_4, %dma_start3A_106] : memref<2560x128xi32, #tpu.memory_space<hbm>> -> memref<80x128xi32, #tpu.memory_space<hbm>>
      tpu.enqueue_dma source(%dma_start3A_107 : memref<80x128xi32, #tpu.memory_space<hbm>>) target(%arg8 : memref<80x128xi32, #tpu.memory_space<vmem>>) target_semaphore(%run_scoped3A : memref<!tpu.dma_semaphore, #tpu.memory_space<semaphore_mem>>)
      %dma_wait3A_108 = arith.constant 0 : i32
      %dma_wait3A_109 = tpu.memref_slice %arg4[%mul3A_4, %dma_wait3A_108] : memref<2560x128xi32, #tpu.memory_space<hbm>> -> memref<80x128xi32, #tpu.memory_space<hbm>>
      %dma_wait3A_110 = arith.constant 0 : i32
      %dma_wait3A_111 = tpu.memref_slice %arg4[%mul3A_4, %dma_wait3A_110] : memref<2560x128xi32, #tpu.memory_space<hbm>> -> memref<80x128xi32, #tpu.memory_space<hbm>>
      tpu.wait_dma2 semaphore(%run_scoped3A : memref<!tpu.dma_semaphore, #tpu.memory_space<semaphore_mem>>) src(%dma_wait3A_111 : memref<80x128xi32, #tpu.memory_space<hbm>>) dst(%arg8 : memref<80x128xi32, #tpu.memory_space<vmem>>)
      tpu.yield
    }) : () -> ()
    %lt3A = arith.constant 8 : i32
    %lt3A_5 = arith.cmpi slt, %arg1, %lt3A : i32
    %eq3A = arith.constant 0 : i32
    %eq3A_6 = arith.cmpi eq, %arg0, %eq3A : i32
    %and3A = arith.andi %lt3A_5, %eq3A_6 : i1
    %convert_element_type3A = arith.extui %and3A : i1 to i32
    %cond3A = arith.constant 0 : i32
    %cond3A_7 = arith.cmpi ne, %convert_element_type3A, %cond3A : i32
    scf.if %cond3A_7 {
      %mul3A_104 = arith.constant 1248 : i32
      %mul3A_105 = arith.muli %arg1, %mul3A_104 : i32
      %mul3A_106 = arith.constant 1248 : i32
      %mul3A_107 = arith.muli %arg1, %mul3A_106 : i32
      "tpu.region"() ({
        %run_scoped3A = tpu.sem_alloc : memref<!tpu.dma_semaphore, #tpu.memory_space<semaphore_mem>>
        %dma_start3A_108 = arith.constant 0 : i32
        %dma_start3A_109 = tpu.memref_slice %arg13[%mul3A_107, %dma_start3A_108] : memref<10008x32xf32, #tpu.memory_space<vmem_shared>> -> memref<1248x32xf32, #tpu.memory_space<vmem_shared>>
        %dma_start3A_110 = arith.constant 0 : i32
        %dma_start3A_111 = tpu.memref_slice %arg2[%mul3A_105, %dma_start3A_110] : memref<10008x32xf32, #tpu.memory_space<hbm>> -> memref<1248x32xf32, #tpu.memory_space<hbm>>
        tpu.enqueue_dma source(%dma_start3A_111 : memref<1248x32xf32, #tpu.memory_space<hbm>>) target(%dma_start3A_109 : memref<1248x32xf32, #tpu.memory_space<vmem_shared>>) target_semaphore(%run_scoped3A : memref<!tpu.dma_semaphore, #tpu.memory_space<semaphore_mem>>)
        %dma_wait3A_112 = arith.constant 0 : i32
        %dma_wait3A_113 = tpu.memref_slice %arg13[%mul3A_107, %dma_wait3A_112] : memref<10008x32xf32, #tpu.memory_space<vmem_shared>> -> memref<1248x32xf32, #tpu.memory_space<vmem_shared>>
        %dma_wait3A_114 = arith.constant 0 : i32
        %dma_wait3A_115 = tpu.memref_slice %arg2[%mul3A_105, %dma_wait3A_114] : memref<10008x32xf32, #tpu.memory_space<hbm>> -> memref<1248x32xf32, #tpu.memory_space<hbm>>
        tpu.wait_dma2 semaphore(%run_scoped3A : memref<!tpu.dma_semaphore, #tpu.memory_space<semaphore_mem>>) src(%dma_wait3A_115 : memref<1248x32xf32, #tpu.memory_space<hbm>>) dst(%dma_wait3A_113 : memref<1248x32xf32, #tpu.memory_space<vmem_shared>>)
        tpu.yield
      }) : () -> ()
    } else {
    }
    %eq3A_8 = arith.constant 0 : i32
    %eq3A_9 = arith.cmpi eq, %arg1, %eq3A_8 : i32
    %eq3A_10 = arith.constant 0 : i32
    %eq3A_11 = arith.cmpi eq, %arg0, %eq3A_10 : i32
    %and3A_12 = arith.andi %eq3A_9, %eq3A_11 : i1
    %convert_element_type3A_13 = arith.extui %and3A_12 : i1 to i32
    %cond3A_14 = arith.constant 0 : i32
    %cond3A_15 = arith.cmpi ne, %convert_element_type3A_13, %cond3A_14 : i32
    scf.if %cond3A_15 {
      "tpu.region"() ({
        %run_scoped3A = tpu.sem_alloc : memref<!tpu.dma_semaphore, #tpu.memory_space<semaphore_mem>>
        %dma_start3A_104 = arith.constant 9984 : i32
        %dma_start3A_105 = arith.constant 0 : i32
        %dma_start3A_106 = tpu.memref_slice %arg13[%dma_start3A_104, %dma_start3A_105] : memref<10008x32xf32, #tpu.memory_space<vmem_shared>> -> memref<24x32xf32, #tpu.memory_space<vmem_shared>>
        %dma_start3A_107 = arith.constant 9984 : i32
        %dma_start3A_108 = arith.constant 0 : i32
        %dma_start3A_109 = tpu.memref_slice %arg2[%dma_start3A_107, %dma_start3A_108] : memref<10008x32xf32, #tpu.memory_space<hbm>> -> memref<24x32xf32, #tpu.memory_space<hbm>>
        tpu.enqueue_dma source(%dma_start3A_109 : memref<24x32xf32, #tpu.memory_space<hbm>>) target(%dma_start3A_106 : memref<24x32xf32, #tpu.memory_space<vmem_shared>>) target_semaphore(%run_scoped3A : memref<!tpu.dma_semaphore, #tpu.memory_space<semaphore_mem>>)
        %dma_wait3A_110 = arith.constant 9984 : i32
        %dma_wait3A_111 = arith.constant 0 : i32
        %dma_wait3A_112 = tpu.memref_slice %arg13[%dma_wait3A_110, %dma_wait3A_111] : memref<10008x32xf32, #tpu.memory_space<vmem_shared>> -> memref<24x32xf32, #tpu.memory_space<vmem_shared>>
        %dma_wait3A_113 = arith.constant 9984 : i32
        %dma_wait3A_114 = arith.constant 0 : i32
        %dma_wait3A_115 = tpu.memref_slice %arg2[%dma_wait3A_113, %dma_wait3A_114] : memref<10008x32xf32, #tpu.memory_space<hbm>> -> memref<24x32xf32, #tpu.memory_space<hbm>>
        tpu.wait_dma2 semaphore(%run_scoped3A : memref<!tpu.dma_semaphore, #tpu.memory_space<semaphore_mem>>) src(%dma_wait3A_115 : memref<24x32xf32, #tpu.memory_space<hbm>>) dst(%dma_wait3A_112 : memref<24x32xf32, #tpu.memory_space<vmem_shared>>)
        tpu.yield
      }) : () -> ()
    } else {
    }
    %lt3A_16 = arith.constant 8 : i32
    %lt3A_17 = arith.cmpi slt, %arg1, %lt3A_16 : i32
    %eq3A_18 = arith.constant 1 : i32
    %eq3A_19 = arith.cmpi eq, %arg0, %eq3A_18 : i32
    %and3A_20 = arith.andi %lt3A_17, %eq3A_19 : i1
    %convert_element_type3A_21 = arith.extui %and3A_20 : i1 to i32
    %cond3A_22 = arith.constant 0 : i32
    %cond3A_23 = arith.cmpi ne, %convert_element_type3A_21, %cond3A_22 : i32
    scf.if %cond3A_23 {
      %mul3A_104 = arith.constant 1248 : i32
      %mul3A_105 = arith.muli %arg1, %mul3A_104 : i32
      %mul3A_106 = arith.constant 1248 : i32
      %mul3A_107 = arith.muli %arg1, %mul3A_106 : i32
      "tpu.region"() ({
        %run_scoped3A = tpu.sem_alloc : memref<!tpu.dma_semaphore, #tpu.memory_space<semaphore_mem>>
        %dma_start3A_108 = arith.constant 0 : i32
        %dma_start3A_109 = tpu.memref_slice %arg13[%mul3A_107, %dma_start3A_108] : memref<10008x32xf32, #tpu.memory_space<vmem_shared>> -> memref<1248x32xf32, #tpu.memory_space<vmem_shared>>
        %dma_start3A_110 = arith.constant 0 : i32
        %dma_start3A_111 = tpu.memref_slice %arg5[%mul3A_105, %dma_start3A_110] : memref<10008x32xf32, #tpu.memory_space<hbm>> -> memref<1248x32xf32, #tpu.memory_space<hbm>>
        tpu.enqueue_dma source(%dma_start3A_111 : memref<1248x32xf32, #tpu.memory_space<hbm>>) target(%dma_start3A_109 : memref<1248x32xf32, #tpu.memory_space<vmem_shared>>) target_semaphore(%run_scoped3A : memref<!tpu.dma_semaphore, #tpu.memory_space<semaphore_mem>>)
        %dma_wait3A_112 = arith.constant 0 : i32
        %dma_wait3A_113 = tpu.memref_slice %arg13[%mul3A_107, %dma_wait3A_112] : memref<10008x32xf32, #tpu.memory_space<vmem_shared>> -> memref<1248x32xf32, #tpu.memory_space<vmem_shared>>
        %dma_wait3A_114 = arith.constant 0 : i32
        %dma_wait3A_115 = tpu.memref_slice %arg5[%mul3A_105, %dma_wait3A_114] : memref<10008x32xf32, #tpu.memory_space<hbm>> -> memref<1248x32xf32, #tpu.memory_space<hbm>>
        tpu.wait_dma2 semaphore(%run_scoped3A : memref<!tpu.dma_semaphore, #tpu.memory_space<semaphore_mem>>) src(%dma_wait3A_115 : memref<1248x32xf32, #tpu.memory_space<hbm>>) dst(%dma_wait3A_113 : memref<1248x32xf32, #tpu.memory_space<vmem_shared>>)
        tpu.yield
      }) : () -> ()
    } else {
    }
    %eq3A_24 = arith.constant 0 : i32
    %eq3A_25 = arith.cmpi eq, %arg1, %eq3A_24 : i32
    %eq3A_26 = arith.constant 1 : i32
    %eq3A_27 = arith.cmpi eq, %arg0, %eq3A_26 : i32
    %and3A_28 = arith.andi %eq3A_25, %eq3A_27 : i1
    %convert_element_type3A_29 = arith.extui %and3A_28 : i1 to i32
    %cond3A_30 = arith.constant 0 : i32
    %cond3A_31 = arith.cmpi ne, %convert_element_type3A_29, %cond3A_30 : i32
    scf.if %cond3A_31 {
      "tpu.region"() ({
        %run_scoped3A = tpu.sem_alloc : memref<!tpu.dma_semaphore, #tpu.memory_space<semaphore_mem>>
        %dma_start3A_104 = arith.constant 9984 : i32
        %dma_start3A_105 = arith.constant 0 : i32
        %dma_start3A_106 = tpu.memref_slice %arg13[%dma_start3A_104, %dma_start3A_105] : memref<10008x32xf32, #tpu.memory_space<vmem_shared>> -> memref<24x32xf32, #tpu.memory_space<vmem_shared>>
        %dma_start3A_107 = arith.constant 9984 : i32
        %dma_start3A_108 = arith.constant 0 : i32
        %dma_start3A_109 = tpu.memref_slice %arg5[%dma_start3A_107, %dma_start3A_108] : memref<10008x32xf32, #tpu.memory_space<hbm>> -> memref<24x32xf32, #tpu.memory_space<hbm>>
        tpu.enqueue_dma source(%dma_start3A_109 : memref<24x32xf32, #tpu.memory_space<hbm>>) target(%dma_start3A_106 : memref<24x32xf32, #tpu.memory_space<vmem_shared>>) target_semaphore(%run_scoped3A : memref<!tpu.dma_semaphore, #tpu.memory_space<semaphore_mem>>)
        %dma_wait3A_110 = arith.constant 9984 : i32
        %dma_wait3A_111 = arith.constant 0 : i32
        %dma_wait3A_112 = tpu.memref_slice %arg13[%dma_wait3A_110, %dma_wait3A_111] : memref<10008x32xf32, #tpu.memory_space<vmem_shared>> -> memref<24x32xf32, #tpu.memory_space<vmem_shared>>
        %dma_wait3A_113 = arith.constant 9984 : i32
        %dma_wait3A_114 = arith.constant 0 : i32
        %dma_wait3A_115 = tpu.memref_slice %arg5[%dma_wait3A_113, %dma_wait3A_114] : memref<10008x32xf32, #tpu.memory_space<hbm>> -> memref<24x32xf32, #tpu.memory_space<hbm>>
        tpu.wait_dma2 semaphore(%run_scoped3A : memref<!tpu.dma_semaphore, #tpu.memory_space<semaphore_mem>>) src(%dma_wait3A_115 : memref<24x32xf32, #tpu.memory_space<hbm>>) dst(%dma_wait3A_112 : memref<24x32xf32, #tpu.memory_space<vmem_shared>>)
        tpu.yield
      }) : () -> ()
    } else {
    }
    %ge3A = arith.constant 8 : i32
    %ge3A_32 = arith.cmpi sge, %arg1, %ge3A : i32
    %convert_element_type3A_33 = arith.extui %ge3A_32 : i1 to i32
    %cond3A_34 = arith.constant 0 : i32
    %cond3A_35 = arith.cmpi ne, %convert_element_type3A_33, %cond3A_34 : i32
    scf.if %cond3A_35 {
      %sub3A = arith.constant 8 : i32
      %sub3A_104 = arith.subi %arg1, %sub3A : i32
      %mul3A_105 = arith.constant 1248 : i32
      %mul3A_106 = arith.muli %sub3A_104, %mul3A_105 : i32
      %mul3A_107 = arith.constant 1248 : i32
      %mul3A_108 = arith.muli %sub3A_104, %mul3A_107 : i32
      "tpu.region"() ({
        %run_scoped3A = tpu.sem_alloc : memref<!tpu.dma_semaphore, #tpu.memory_space<semaphore_mem>>
        %dma_start3A_109 = arith.constant 0 : i32
        %dma_start3A_110 = tpu.memref_slice %arg14[%mul3A_108, %dma_start3A_109] : memref<10008x32xf32, #tpu.memory_space<vmem_shared>> -> memref<1248x32xf32, #tpu.memory_space<vmem_shared>>
        %dma_start3A_111 = arith.constant 0 : i32
        %dma_start3A_112 = tpu.memref_slice %arg2[%mul3A_106, %dma_start3A_111] : memref<10008x32xf32, #tpu.memory_space<hbm>> -> memref<1248x32xf32, #tpu.memory_space<hbm>>
        tpu.enqueue_dma source(%dma_start3A_112 : memref<1248x32xf32, #tpu.memory_space<hbm>>) target(%dma_start3A_110 : memref<1248x32xf32, #tpu.memory_space<vmem_shared>>) target_semaphore(%run_scoped3A : memref<!tpu.dma_semaphore, #tpu.memory_space<semaphore_mem>>)
        %dma_wait3A_113 = arith.constant 0 : i32
        %dma_wait3A_114 = tpu.memref_slice %arg14[%mul3A_108, %dma_wait3A_113] : memref<10008x32xf32, #tpu.memory_space<vmem_shared>> -> memref<1248x32xf32, #tpu.memory_space<vmem_shared>>
        %dma_wait3A_115 = arith.constant 0 : i32
        %dma_wait3A_116 = tpu.memref_slice %arg2[%mul3A_106, %dma_wait3A_115] : memref<10008x32xf32, #tpu.memory_space<hbm>> -> memref<1248x32xf32, #tpu.memory_space<hbm>>
        tpu.wait_dma2 semaphore(%run_scoped3A : memref<!tpu.dma_semaphore, #tpu.memory_space<semaphore_mem>>) src(%dma_wait3A_116 : memref<1248x32xf32, #tpu.memory_space<hbm>>) dst(%dma_wait3A_114 : memref<1248x32xf32, #tpu.memory_space<vmem_shared>>)
        tpu.yield
      }) : () -> ()
    } else {
    }
    %eq3A_36 = arith.constant 8 : i32
    %eq3A_37 = arith.cmpi eq, %arg1, %eq3A_36 : i32
    %convert_element_type3A_38 = arith.extui %eq3A_37 : i1 to i32
    %cond3A_39 = arith.constant 0 : i32
    %cond3A_40 = arith.cmpi ne, %convert_element_type3A_38, %cond3A_39 : i32
    scf.if %cond3A_40 {
      "tpu.region"() ({
        %run_scoped3A = tpu.sem_alloc : memref<!tpu.dma_semaphore, #tpu.memory_space<semaphore_mem>>
        %dma_start3A_104 = arith.constant 9984 : i32
        %dma_start3A_105 = arith.constant 0 : i32
        %dma_start3A_106 = tpu.memref_slice %arg14[%dma_start3A_104, %dma_start3A_105] : memref<10008x32xf32, #tpu.memory_space<vmem_shared>> -> memref<24x32xf32, #tpu.memory_space<vmem_shared>>
        %dma_start3A_107 = arith.constant 9984 : i32
        %dma_start3A_108 = arith.constant 0 : i32
        %dma_start3A_109 = tpu.memref_slice %arg2[%dma_start3A_107, %dma_start3A_108] : memref<10008x32xf32, #tpu.memory_space<hbm>> -> memref<24x32xf32, #tpu.memory_space<hbm>>
        tpu.enqueue_dma source(%dma_start3A_109 : memref<24x32xf32, #tpu.memory_space<hbm>>) target(%dma_start3A_106 : memref<24x32xf32, #tpu.memory_space<vmem_shared>>) target_semaphore(%run_scoped3A : memref<!tpu.dma_semaphore, #tpu.memory_space<semaphore_mem>>)
        %dma_wait3A_110 = arith.constant 9984 : i32
        %dma_wait3A_111 = arith.constant 0 : i32
        %dma_wait3A_112 = tpu.memref_slice %arg14[%dma_wait3A_110, %dma_wait3A_111] : memref<10008x32xf32, #tpu.memory_space<vmem_shared>> -> memref<24x32xf32, #tpu.memory_space<vmem_shared>>
        %dma_wait3A_113 = arith.constant 9984 : i32
        %dma_wait3A_114 = arith.constant 0 : i32
        %dma_wait3A_115 = tpu.memref_slice %arg2[%dma_wait3A_113, %dma_wait3A_114] : memref<10008x32xf32, #tpu.memory_space<hbm>> -> memref<24x32xf32, #tpu.memory_space<hbm>>
        tpu.wait_dma2 semaphore(%run_scoped3A : memref<!tpu.dma_semaphore, #tpu.memory_space<semaphore_mem>>) src(%dma_wait3A_115 : memref<24x32xf32, #tpu.memory_space<hbm>>) dst(%dma_wait3A_112 : memref<24x32xf32, #tpu.memory_space<vmem_shared>>)
        tpu.yield
      }) : () -> ()
    } else {
    }
    %barrier3A = arith.constant 0 : index
    tpu.barrier barrier_id(%barrier3A)
    %dma_start3A = arith.constant 0 : i32
    %dma_start3A_41 = arith.constant 0 : i32
    %dma_start3A_42 = tpu.memref_slice %arg7[%dma_start3A, %dma_start3A_41] : memref<80x128xi32, #tpu.memory_space<vmem>> -> memref<1x128xi32, #tpu.memory_space<vmem>>
    %dma_start3A_43 = tpu.memref_squeeze %dma_start3A_42 : memref<1x128xi32, #tpu.memory_space<vmem>> -> memref<128xi32, #tpu.memory_space<vmem>>
    %dma_start3A_44 = arith.constant 0 : i32
    %dma_start3A_45 = arith.constant 0 : i32
    %dma_start3A_46 = tpu.memref_slice %arg14[%dma_start3A_44, %dma_start3A_45] : memref<10008x32xf32, #tpu.memory_space<vmem_shared>> -> memref<10008x32xf32, #tpu.memory_space<vmem_shared>>
    tpu.enqueue_indirect_dma source(%dma_start3A_46 : memref<10008x32xf32, #tpu.memory_space<vmem_shared>>) target(%arg9 : memref<128x32xf32, #tpu.memory_space<vmem>>) offsets(%dma_start3A_43 : memref<128xi32, #tpu.memory_space<vmem>>) semaphore(%arg15 : memref<!tpu.dma_semaphore, #tpu.memory_space<semaphore_mem>>)
    %dma_start3A_47 = arith.constant 1 : i32
    %dma_start3A_48 = arith.constant 0 : i32
    %dma_start3A_49 = tpu.memref_slice %arg7[%dma_start3A_47, %dma_start3A_48] : memref<80x128xi32, #tpu.memory_space<vmem>> -> memref<1x128xi32, #tpu.memory_space<vmem>>
    %dma_start3A_50 = tpu.memref_squeeze %dma_start3A_49 : memref<1x128xi32, #tpu.memory_space<vmem>> -> memref<128xi32, #tpu.memory_space<vmem>>
    %dma_start3A_51 = arith.constant 0 : i32
    %dma_start3A_52 = arith.constant 0 : i32
    %dma_start3A_53 = tpu.memref_slice %arg14[%dma_start3A_51, %dma_start3A_52] : memref<10008x32xf32, #tpu.memory_space<vmem_shared>> -> memref<10008x32xf32, #tpu.memory_space<vmem_shared>>
    tpu.enqueue_indirect_dma source(%dma_start3A_53 : memref<10008x32xf32, #tpu.memory_space<vmem_shared>>) target(%arg10 : memref<128x32xf32, #tpu.memory_space<vmem>>) offsets(%dma_start3A_50 : memref<128xi32, #tpu.memory_space<vmem>>) semaphore(%arg16 : memref<!tpu.dma_semaphore, #tpu.memory_space<semaphore_mem>>)
    %dma_start3A_54 = arith.constant 2 : i32
    %dma_start3A_55 = arith.constant 0 : i32
    %dma_start3A_56 = tpu.memref_slice %arg7[%dma_start3A_54, %dma_start3A_55] : memref<80x128xi32, #tpu.memory_space<vmem>> -> memref<1x128xi32, #tpu.memory_space<vmem>>
    %dma_start3A_57 = tpu.memref_squeeze %dma_start3A_56 : memref<1x128xi32, #tpu.memory_space<vmem>> -> memref<128xi32, #tpu.memory_space<vmem>>
    %dma_start3A_58 = arith.constant 0 : i32
    %dma_start3A_59 = arith.constant 0 : i32
    %dma_start3A_60 = tpu.memref_slice %arg14[%dma_start3A_58, %dma_start3A_59] : memref<10008x32xf32, #tpu.memory_space<vmem_shared>> -> memref<10008x32xf32, #tpu.memory_space<vmem_shared>>
    tpu.enqueue_indirect_dma source(%dma_start3A_60 : memref<10008x32xf32, #tpu.memory_space<vmem_shared>>) target(%arg11 : memref<128x32xf32, #tpu.memory_space<vmem>>) offsets(%dma_start3A_57 : memref<128xi32, #tpu.memory_space<vmem>>) semaphore(%arg17 : memref<!tpu.dma_semaphore, #tpu.memory_space<semaphore_mem>>)
    %scan3A = arith.constant 0 : i32
    %scan3A_61 = arith.constant 0 : i32
    %scan3A_62 = arith.constant 20 : i32
    %scan3A_63 = arith.addi %scan3A_61, %scan3A_62 : i32
    %scan3A_64 = arith.constant 1 : i32
    scf.for %scan3A_104 = %scan3A_61 to %scan3A_63 step %scan3A_64  : i32 {
      %mul3A_105 = arith.constant 4 : i32
      %mul3A_106 = arith.muli %mul3A_105, %scan3A_104 : i32
      %add3A_107 = arith.constant 0 : i32
      %add3A_108 = arith.addi %mul3A_106, %add3A_107 : i32
      %dma_wait3A_109 = arith.constant 0 : i32
      %dma_wait3A_110 = tpu.memref_slice %arg7[%add3A_108, %dma_wait3A_109] : memref<80x128xi32, #tpu.memory_space<vmem>> -> memref<1x128xi32, #tpu.memory_space<vmem>>
      %dma_wait3A_111 = tpu.memref_squeeze %dma_wait3A_110 : memref<1x128xi32, #tpu.memory_space<vmem>> -> memref<128xi32, #tpu.memory_space<vmem>>
      %dma_wait3A_112 = arith.constant 0 : i32
      %dma_wait3A_113 = arith.constant 0 : i32
      %dma_wait3A_114 = tpu.memref_slice %arg14[%dma_wait3A_112, %dma_wait3A_113] : memref<10008x32xf32, #tpu.memory_space<vmem_shared>> -> memref<10008x32xf32, #tpu.memory_space<vmem_shared>>
      tpu.wait_indirect_dma semaphore(%arg15 : memref<!tpu.dma_semaphore, #tpu.memory_space<semaphore_mem>>) src(%dma_wait3A_114 : memref<10008x32xf32, #tpu.memory_space<vmem_shared>>) dst(%arg9 : memref<128x32xf32, #tpu.memory_space<vmem>>)
      %dma_start3A_115 = arith.constant 0 : i32
      %dma_start3A_116 = tpu.memref_slice %arg8[%add3A_108, %dma_start3A_115] : memref<80x128xi32, #tpu.memory_space<vmem>> -> memref<1x128xi32, #tpu.memory_space<vmem>>
      %dma_start3A_117 = tpu.memref_squeeze %dma_start3A_116 : memref<1x128xi32, #tpu.memory_space<vmem>> -> memref<128xi32, #tpu.memory_space<vmem>>
      %dma_start3A_118 = arith.constant 0 : i32
      %dma_start3A_119 = arith.constant 0 : i32
      %dma_start3A_120 = tpu.memref_slice %arg13[%dma_start3A_118, %dma_start3A_119] : memref<10008x32xf32, #tpu.memory_space<vmem_shared>> -> memref<10008x32xf32, #tpu.memory_space<vmem_shared>>
      tpu.enqueue_indirect_dma source(%arg9 : memref<128x32xf32, #tpu.memory_space<vmem>>) target(%dma_start3A_120 : memref<10008x32xf32, #tpu.memory_space<vmem_shared>>) offsets(%dma_start3A_117 : memref<128xi32, #tpu.memory_space<vmem>>) semaphore(%arg19 : memref<!tpu.dma_semaphore, #tpu.memory_space<semaphore_mem>>) {add = true}
      %add3A_121 = arith.constant 3 : i32
      %add3A_122 = arith.addi %add3A_108, %add3A_121 : i32
      %lt3A_123 = arith.constant 80 : i32
      %lt3A_124 = arith.cmpi slt, %add3A_122, %lt3A_123 : i32
      %convert_element_type3A_125 = arith.extui %lt3A_124 : i1 to i32
      %cond3A_126 = arith.constant 0 : i32
      %cond3A_127 = arith.cmpi ne, %convert_element_type3A_125, %cond3A_126 : i32
      scf.if %cond3A_127 {
        %gt3A = arith.constant 0 : i32
        %gt3A_191 = arith.cmpi sgt, %add3A_108, %gt3A : i32
        %convert_element_type3A_192 = arith.extui %gt3A_191 : i1 to i32
        %cond3A_193 = arith.constant 0 : i32
        %cond3A_194 = arith.cmpi ne, %convert_element_type3A_192, %cond3A_193 : i32
        scf.if %cond3A_194 {
          %sub3A = arith.constant 1 : i32
          %sub3A_203 = arith.subi %add3A_108, %sub3A : i32
          %dma_wait3A_204 = arith.constant 0 : i32
          %dma_wait3A_205 = tpu.memref_slice %arg8[%sub3A_203, %dma_wait3A_204] : memref<80x128xi32, #tpu.memory_space<vmem>> -> memref<1x128xi32, #tpu.memory_space<vmem>>
          %dma_wait3A_206 = tpu.memref_squeeze %dma_wait3A_205 : memref<1x128xi32, #tpu.memory_space<vmem>> -> memref<128xi32, #tpu.memory_space<vmem>>
          %dma_wait3A_207 = arith.constant 0 : i32
          %dma_wait3A_208 = arith.constant 0 : i32
          %dma_wait3A_209 = tpu.memref_slice %arg13[%dma_wait3A_207, %dma_wait3A_208] : memref<10008x32xf32, #tpu.memory_space<vmem_shared>> -> memref<10008x32xf32, #tpu.memory_space<vmem_shared>>
          tpu.wait_indirect_dma semaphore(%arg22 : memref<!tpu.dma_semaphore, #tpu.memory_space<semaphore_mem>>) src(%arg12 : memref<128x32xf32, #tpu.memory_space<vmem>>) dst(%dma_wait3A_209 : memref<10008x32xf32, #tpu.memory_space<vmem_shared>>)
        } else {
        }
        %add3A_195 = arith.constant 3 : i32
        %add3A_196 = arith.addi %add3A_108, %add3A_195 : i32
        %dma_start3A_197 = arith.constant 0 : i32
        %dma_start3A_198 = tpu.memref_slice %arg7[%add3A_196, %dma_start3A_197] : memref<80x128xi32, #tpu.memory_space<vmem>> -> memref<1x128xi32, #tpu.memory_space<vmem>>
        %dma_start3A_199 = tpu.memref_squeeze %dma_start3A_198 : memref<1x128xi32, #tpu.memory_space<vmem>> -> memref<128xi32, #tpu.memory_space<vmem>>
        %dma_start3A_200 = arith.constant 0 : i32
        %dma_start3A_201 = arith.constant 0 : i32
        %dma_start3A_202 = tpu.memref_slice %arg14[%dma_start3A_200, %dma_start3A_201] : memref<10008x32xf32, #tpu.memory_space<vmem_shared>> -> memref<10008x32xf32, #tpu.memory_space<vmem_shared>>
        tpu.enqueue_indirect_dma source(%dma_start3A_202 : memref<10008x32xf32, #tpu.memory_space<vmem_shared>>) target(%arg12 : memref<128x32xf32, #tpu.memory_space<vmem>>) offsets(%dma_start3A_199 : memref<128xi32, #tpu.memory_space<vmem>>) semaphore(%arg18 : memref<!tpu.dma_semaphore, #tpu.memory_space<semaphore_mem>>)
      } else {
      }
      %add3A_128 = arith.constant 1 : i32
      %add3A_129 = arith.addi %mul3A_106, %add3A_128 : i32
      %dma_wait3A_130 = arith.constant 0 : i32
      %dma_wait3A_131 = tpu.memref_slice %arg7[%add3A_129, %dma_wait3A_130] : memref<80x128xi32, #tpu.memory_space<vmem>> -> memref<1x128xi32, #tpu.memory_space<vmem>>
      %dma_wait3A_132 = tpu.memref_squeeze %dma_wait3A_131 : memref<1x128xi32, #tpu.memory_space<vmem>> -> memref<128xi32, #tpu.memory_space<vmem>>
      %dma_wait3A_133 = arith.constant 0 : i32
      %dma_wait3A_134 = arith.constant 0 : i32
      %dma_wait3A_135 = tpu.memref_slice %arg14[%dma_wait3A_133, %dma_wait3A_134] : memref<10008x32xf32, #tpu.memory_space<vmem_shared>> -> memref<10008x32xf32, #tpu.memory_space<vmem_shared>>
      tpu.wait_indirect_dma semaphore(%arg16 : memref<!tpu.dma_semaphore, #tpu.memory_space<semaphore_mem>>) src(%dma_wait3A_135 : memref<10008x32xf32, #tpu.memory_space<vmem_shared>>) dst(%arg10 : memref<128x32xf32, #tpu.memory_space<vmem>>)
      %dma_start3A_136 = arith.constant 0 : i32
      %dma_start3A_137 = tpu.memref_slice %arg8[%add3A_129, %dma_start3A_136] : memref<80x128xi32, #tpu.memory_space<vmem>> -> memref<1x128xi32, #tpu.memory_space<vmem>>
      %dma_start3A_138 = tpu.memref_squeeze %dma_start3A_137 : memref<1x128xi32, #tpu.memory_space<vmem>> -> memref<128xi32, #tpu.memory_space<vmem>>
      %dma_start3A_139 = arith.constant 0 : i32
      %dma_start3A_140 = arith.constant 0 : i32
      %dma_start3A_141 = tpu.memref_slice %arg13[%dma_start3A_139, %dma_start3A_140] : memref<10008x32xf32, #tpu.memory_space<vmem_shared>> -> memref<10008x32xf32, #tpu.memory_space<vmem_shared>>
      tpu.enqueue_indirect_dma source(%arg10 : memref<128x32xf32, #tpu.memory_space<vmem>>) target(%dma_start3A_141 : memref<10008x32xf32, #tpu.memory_space<vmem_shared>>) offsets(%dma_start3A_138 : memref<128xi32, #tpu.memory_space<vmem>>) semaphore(%arg20 : memref<!tpu.dma_semaphore, #tpu.memory_space<semaphore_mem>>) {add = true}
      %add3A_142 = arith.constant 3 : i32
      %add3A_143 = arith.addi %add3A_129, %add3A_142 : i32
      %lt3A_144 = arith.constant 80 : i32
      %lt3A_145 = arith.cmpi slt, %add3A_143, %lt3A_144 : i32
      %convert_element_type3A_146 = arith.extui %lt3A_145 : i1 to i32
      %cond3A_147 = arith.constant 0 : i32
      %cond3A_148 = arith.cmpi ne, %convert_element_type3A_146, %cond3A_147 : i32
      scf.if %cond3A_148 {
        %gt3A = arith.constant 0 : i32
        %gt3A_191 = arith.cmpi sgt, %add3A_129, %gt3A : i32
        %convert_element_type3A_192 = arith.extui %gt3A_191 : i1 to i32
        %cond3A_193 = arith.constant 0 : i32
        %cond3A_194 = arith.cmpi ne, %convert_element_type3A_192, %cond3A_193 : i32
        scf.if %cond3A_194 {
          %sub3A = arith.constant 1 : i32
          %sub3A_203 = arith.subi %add3A_129, %sub3A : i32
          %dma_wait3A_204 = arith.constant 0 : i32
          %dma_wait3A_205 = tpu.memref_slice %arg8[%sub3A_203, %dma_wait3A_204] : memref<80x128xi32, #tpu.memory_space<vmem>> -> memref<1x128xi32, #tpu.memory_space<vmem>>
          %dma_wait3A_206 = tpu.memref_squeeze %dma_wait3A_205 : memref<1x128xi32, #tpu.memory_space<vmem>> -> memref<128xi32, #tpu.memory_space<vmem>>
          %dma_wait3A_207 = arith.constant 0 : i32
          %dma_wait3A_208 = arith.constant 0 : i32
          %dma_wait3A_209 = tpu.memref_slice %arg13[%dma_wait3A_207, %dma_wait3A_208] : memref<10008x32xf32, #tpu.memory_space<vmem_shared>> -> memref<10008x32xf32, #tpu.memory_space<vmem_shared>>
          tpu.wait_indirect_dma semaphore(%arg19 : memref<!tpu.dma_semaphore, #tpu.memory_space<semaphore_mem>>) src(%arg9 : memref<128x32xf32, #tpu.memory_space<vmem>>) dst(%dma_wait3A_209 : memref<10008x32xf32, #tpu.memory_space<vmem_shared>>)
        } else {
        }
        %add3A_195 = arith.constant 3 : i32
        %add3A_196 = arith.addi %add3A_129, %add3A_195 : i32
        %dma_start3A_197 = arith.constant 0 : i32
        %dma_start3A_198 = tpu.memref_slice %arg7[%add3A_196, %dma_start3A_197] : memref<80x128xi32, #tpu.memory_space<vmem>> -> memref<1x128xi32, #tpu.memory_space<vmem>>
        %dma_start3A_199 = tpu.memref_squeeze %dma_start3A_198 : memref<1x128xi32, #tpu.memory_space<vmem>> -> memref<128xi32, #tpu.memory_space<vmem>>
        %dma_start3A_200 = arith.constant 0 : i32
        %dma_start3A_201 = arith.constant 0 : i32
        %dma_start3A_202 = tpu.memref_slice %arg14[%dma_start3A_200, %dma_start3A_201] : memref<10008x32xf32, #tpu.memory_space<vmem_shared>> -> memref<10008x32xf32, #tpu.memory_space<vmem_shared>>
        tpu.enqueue_indirect_dma source(%dma_start3A_202 : memref<10008x32xf32, #tpu.memory_space<vmem_shared>>) target(%arg9 : memref<128x32xf32, #tpu.memory_space<vmem>>) offsets(%dma_start3A_199 : memref<128xi32, #tpu.memory_space<vmem>>) semaphore(%arg15 : memref<!tpu.dma_semaphore, #tpu.memory_space<semaphore_mem>>)
      } else {
      }
      %add3A_149 = arith.constant 2 : i32
      %add3A_150 = arith.addi %mul3A_106, %add3A_149 : i32
      %dma_wait3A_151 = arith.constant 0 : i32
      %dma_wait3A_152 = tpu.memref_slice %arg7[%add3A_150, %dma_wait3A_151] : memref<80x128xi32, #tpu.memory_space<vmem>> -> memref<1x128xi32, #tpu.memory_space<vmem>>
      %dma_wait3A_153 = tpu.memref_squeeze %dma_wait3A_152 : memref<1x128xi32, #tpu.memory_space<vmem>> -> memref<128xi32, #tpu.memory_space<vmem>>
      %dma_wait3A_154 = arith.constant 0 : i32
      %dma_wait3A_155 = arith.constant 0 : i32
      %dma_wait3A_156 = tpu.memref_slice %arg14[%dma_wait3A_154, %dma_wait3A_155] : memref<10008x32xf32, #tpu.memory_space<vmem_shared>> -> memref<10008x32xf32, #tpu.memory_space<vmem_shared>>
      tpu.wait_indirect_dma semaphore(%arg17 : memref<!tpu.dma_semaphore, #tpu.memory_space<semaphore_mem>>) src(%dma_wait3A_156 : memref<10008x32xf32, #tpu.memory_space<vmem_shared>>) dst(%arg11 : memref<128x32xf32, #tpu.memory_space<vmem>>)
      %dma_start3A_157 = arith.constant 0 : i32
      %dma_start3A_158 = tpu.memref_slice %arg8[%add3A_150, %dma_start3A_157] : memref<80x128xi32, #tpu.memory_space<vmem>> -> memref<1x128xi32, #tpu.memory_space<vmem>>
      %dma_start3A_159 = tpu.memref_squeeze %dma_start3A_158 : memref<1x128xi32, #tpu.memory_space<vmem>> -> memref<128xi32, #tpu.memory_space<vmem>>
      %dma_start3A_160 = arith.constant 0 : i32
      %dma_start3A_161 = arith.constant 0 : i32
      %dma_start3A_162 = tpu.memref_slice %arg13[%dma_start3A_160, %dma_start3A_161] : memref<10008x32xf32, #tpu.memory_space<vmem_shared>> -> memref<10008x32xf32, #tpu.memory_space<vmem_shared>>
      tpu.enqueue_indirect_dma source(%arg11 : memref<128x32xf32, #tpu.memory_space<vmem>>) target(%dma_start3A_162 : memref<10008x32xf32, #tpu.memory_space<vmem_shared>>) offsets(%dma_start3A_159 : memref<128xi32, #tpu.memory_space<vmem>>) semaphore(%arg21 : memref<!tpu.dma_semaphore, #tpu.memory_space<semaphore_mem>>) {add = true}
      %add3A_163 = arith.constant 3 : i32
      %add3A_164 = arith.addi %add3A_150, %add3A_163 : i32
      %lt3A_165 = arith.constant 80 : i32
      %lt3A_166 = arith.cmpi slt, %add3A_164, %lt3A_165 : i32
      %convert_element_type3A_167 = arith.extui %lt3A_166 : i1 to i32
      %cond3A_168 = arith.constant 0 : i32
      %cond3A_169 = arith.cmpi ne, %convert_element_type3A_167, %cond3A_168 : i32
      scf.if %cond3A_169 {
        %gt3A = arith.constant 0 : i32
        %gt3A_191 = arith.cmpi sgt, %add3A_150, %gt3A : i32
        %convert_element_type3A_192 = arith.extui %gt3A_191 : i1 to i32
        %cond3A_193 = arith.constant 0 : i32
        %cond3A_194 = arith.cmpi ne, %convert_element_type3A_192, %cond3A_193 : i32
        scf.if %cond3A_194 {
          %sub3A = arith.constant 1 : i32
          %sub3A_203 = arith.subi %add3A_150, %sub3A : i32
          %dma_wait3A_204 = arith.constant 0 : i32
          %dma_wait3A_205 = tpu.memref_slice %arg8[%sub3A_203, %dma_wait3A_204] : memref<80x128xi32, #tpu.memory_space<vmem>> -> memref<1x128xi32, #tpu.memory_space<vmem>>
          %dma_wait3A_206 = tpu.memref_squeeze %dma_wait3A_205 : memref<1x128xi32, #tpu.memory_space<vmem>> -> memref<128xi32, #tpu.memory_space<vmem>>
          %dma_wait3A_207 = arith.constant 0 : i32
          %dma_wait3A_208 = arith.constant 0 : i32
          %dma_wait3A_209 = tpu.memref_slice %arg13[%dma_wait3A_207, %dma_wait3A_208] : memref<10008x32xf32, #tpu.memory_space<vmem_shared>> -> memref<10008x32xf32, #tpu.memory_space<vmem_shared>>
          tpu.wait_indirect_dma semaphore(%arg20 : memref<!tpu.dma_semaphore, #tpu.memory_space<semaphore_mem>>) src(%arg10 : memref<128x32xf32, #tpu.memory_space<vmem>>) dst(%dma_wait3A_209 : memref<10008x32xf32, #tpu.memory_space<vmem_shared>>)
        } else {
        }
        %add3A_195 = arith.constant 3 : i32
        %add3A_196 = arith.addi %add3A_150, %add3A_195 : i32
        %dma_start3A_197 = arith.constant 0 : i32
        %dma_start3A_198 = tpu.memref_slice %arg7[%add3A_196, %dma_start3A_197] : memref<80x128xi32, #tpu.memory_space<vmem>> -> memref<1x128xi32, #tpu.memory_space<vmem>>
        %dma_start3A_199 = tpu.memref_squeeze %dma_start3A_198 : memref<1x128xi32, #tpu.memory_space<vmem>> -> memref<128xi32, #tpu.memory_space<vmem>>
        %dma_start3A_200 = arith.constant 0 : i32
        %dma_start3A_201 = arith.constant 0 : i32
        %dma_start3A_202 = tpu.memref_slice %arg14[%dma_start3A_200, %dma_start3A_201] : memref<10008x32xf32, #tpu.memory_space<vmem_shared>> -> memref<10008x32xf32, #tpu.memory_space<vmem_shared>>
        tpu.enqueue_indirect_dma source(%dma_start3A_202 : memref<10008x32xf32, #tpu.memory_space<vmem_shared>>) target(%arg10 : memref<128x32xf32, #tpu.memory_space<vmem>>) offsets(%dma_start3A_199 : memref<128xi32, #tpu.memory_space<vmem>>) semaphore(%arg16 : memref<!tpu.dma_semaphore, #tpu.memory_space<semaphore_mem>>)
      } else {
      }
      %add3A_170 = arith.constant 3 : i32
      %add3A_171 = arith.addi %mul3A_106, %add3A_170 : i32
      %dma_wait3A_172 = arith.constant 0 : i32
      %dma_wait3A_173 = tpu.memref_slice %arg7[%add3A_171, %dma_wait3A_172] : memref<80x128xi32, #tpu.memory_space<vmem>> -> memref<1x128xi32, #tpu.memory_space<vmem>>
      %dma_wait3A_174 = tpu.memref_squeeze %dma_wait3A_173 : memref<1x128xi32, #tpu.memory_space<vmem>> -> memref<128xi32, #tpu.memory_space<vmem>>
      %dma_wait3A_175 = arith.constant 0 : i32
      %dma_wait3A_176 = arith.constant 0 : i32
      %dma_wait3A_177 = tpu.memref_slice %arg14[%dma_wait3A_175, %dma_wait3A_176] : memref<10008x32xf32, #tpu.memory_space<vmem_shared>> -> memref<10008x32xf32, #tpu.memory_space<vmem_shared>>
      tpu.wait_indirect_dma semaphore(%arg18 : memref<!tpu.dma_semaphore, #tpu.memory_space<semaphore_mem>>) src(%dma_wait3A_177 : memref<10008x32xf32, #tpu.memory_space<vmem_shared>>) dst(%arg12 : memref<128x32xf32, #tpu.memory_space<vmem>>)
      %dma_start3A_178 = arith.constant 0 : i32
      %dma_start3A_179 = tpu.memref_slice %arg8[%add3A_171, %dma_start3A_178] : memref<80x128xi32, #tpu.memory_space<vmem>> -> memref<1x128xi32, #tpu.memory_space<vmem>>
      %dma_start3A_180 = tpu.memref_squeeze %dma_start3A_179 : memref<1x128xi32, #tpu.memory_space<vmem>> -> memref<128xi32, #tpu.memory_space<vmem>>
      %dma_start3A_181 = arith.constant 0 : i32
      %dma_start3A_182 = arith.constant 0 : i32
      %dma_start3A_183 = tpu.memref_slice %arg13[%dma_start3A_181, %dma_start3A_182] : memref<10008x32xf32, #tpu.memory_space<vmem_shared>> -> memref<10008x32xf32, #tpu.memory_space<vmem_shared>>
      tpu.enqueue_indirect_dma source(%arg12 : memref<128x32xf32, #tpu.memory_space<vmem>>) target(%dma_start3A_183 : memref<10008x32xf32, #tpu.memory_space<vmem_shared>>) offsets(%dma_start3A_180 : memref<128xi32, #tpu.memory_space<vmem>>) semaphore(%arg22 : memref<!tpu.dma_semaphore, #tpu.memory_space<semaphore_mem>>) {add = true}
      %add3A_184 = arith.constant 3 : i32
      %add3A_185 = arith.addi %add3A_171, %add3A_184 : i32
      %lt3A_186 = arith.constant 80 : i32
      %lt3A_187 = arith.cmpi slt, %add3A_185, %lt3A_186 : i32
      %convert_element_type3A_188 = arith.extui %lt3A_187 : i1 to i32
      %cond3A_189 = arith.constant 0 : i32
      %cond3A_190 = arith.cmpi ne, %convert_element_type3A_188, %cond3A_189 : i32
      scf.if %cond3A_190 {
        %gt3A = arith.constant 0 : i32
        %gt3A_191 = arith.cmpi sgt, %add3A_171, %gt3A : i32
        %convert_element_type3A_192 = arith.extui %gt3A_191 : i1 to i32
        %cond3A_193 = arith.constant 0 : i32
        %cond3A_194 = arith.cmpi ne, %convert_element_type3A_192, %cond3A_193 : i32
        scf.if %cond3A_194 {
          %sub3A = arith.constant 1 : i32
          %sub3A_203 = arith.subi %add3A_171, %sub3A : i32
          %dma_wait3A_204 = arith.constant 0 : i32
          %dma_wait3A_205 = tpu.memref_slice %arg8[%sub3A_203, %dma_wait3A_204] : memref<80x128xi32, #tpu.memory_space<vmem>> -> memref<1x128xi32, #tpu.memory_space<vmem>>
          %dma_wait3A_206 = tpu.memref_squeeze %dma_wait3A_205 : memref<1x128xi32, #tpu.memory_space<vmem>> -> memref<128xi32, #tpu.memory_space<vmem>>
          %dma_wait3A_207 = arith.constant 0 : i32
          %dma_wait3A_208 = arith.constant 0 : i32
          %dma_wait3A_209 = tpu.memref_slice %arg13[%dma_wait3A_207, %dma_wait3A_208] : memref<10008x32xf32, #tpu.memory_space<vmem_shared>> -> memref<10008x32xf32, #tpu.memory_space<vmem_shared>>
          tpu.wait_indirect_dma semaphore(%arg21 : memref<!tpu.dma_semaphore, #tpu.memory_space<semaphore_mem>>) src(%arg11 : memref<128x32xf32, #tpu.memory_space<vmem>>) dst(%dma_wait3A_209 : memref<10008x32xf32, #tpu.memory_space<vmem_shared>>)
        } else {
        }
        %add3A_195 = arith.constant 3 : i32
        %add3A_196 = arith.addi %add3A_171, %add3A_195 : i32
        %dma_start3A_197 = arith.constant 0 : i32
        %dma_start3A_198 = tpu.memref_slice %arg7[%add3A_196, %dma_start3A_197] : memref<80x128xi32, #tpu.memory_space<vmem>> -> memref<1x128xi32, #tpu.memory_space<vmem>>
        %dma_start3A_199 = tpu.memref_squeeze %dma_start3A_198 : memref<1x128xi32, #tpu.memory_space<vmem>> -> memref<128xi32, #tpu.memory_space<vmem>>
        %dma_start3A_200 = arith.constant 0 : i32
        %dma_start3A_201 = arith.constant 0 : i32
        %dma_start3A_202 = tpu.memref_slice %arg14[%dma_start3A_200, %dma_start3A_201] : memref<10008x32xf32, #tpu.memory_space<vmem_shared>> -> memref<10008x32xf32, #tpu.memory_space<vmem_shared>>
        tpu.enqueue_indirect_dma source(%dma_start3A_202 : memref<10008x32xf32, #tpu.memory_space<vmem_shared>>) target(%arg11 : memref<128x32xf32, #tpu.memory_space<vmem>>) offsets(%dma_start3A_199 : memref<128xi32, #tpu.memory_space<vmem>>) semaphore(%arg17 : memref<!tpu.dma_semaphore, #tpu.memory_space<semaphore_mem>>)
      } else {
      }
    }
    %scan3A_65 = arith.constant 20 : i32
    %dma_wait3A = arith.constant 76 : i32
    %dma_wait3A_66 = arith.constant 0 : i32
    %dma_wait3A_67 = tpu.memref_slice %arg8[%dma_wait3A, %dma_wait3A_66] : memref<80x128xi32, #tpu.memory_space<vmem>> -> memref<1x128xi32, #tpu.memory_space<vmem>>
    %dma_wait3A_68 = tpu.memref_squeeze %dma_wait3A_67 : memref<1x128xi32, #tpu.memory_space<vmem>> -> memref<128xi32, #tpu.memory_space<vmem>>
    %dma_wait3A_69 = arith.constant 0 : i32
    %dma_wait3A_70 = arith.constant 0 : i32
    %dma_wait3A_71 = tpu.memref_slice %arg13[%dma_wait3A_69, %dma_wait3A_70] : memref<10008x32xf32, #tpu.memory_space<vmem_shared>> -> memref<10008x32xf32, #tpu.memory_space<vmem_shared>>
    tpu.wait_indirect_dma semaphore(%arg19 : memref<!tpu.dma_semaphore, #tpu.memory_space<semaphore_mem>>) src(%arg9 : memref<128x32xf32, #tpu.memory_space<vmem>>) dst(%dma_wait3A_71 : memref<10008x32xf32, #tpu.memory_space<vmem_shared>>)
    %dma_wait3A_72 = arith.constant 77 : i32
    %dma_wait3A_73 = arith.constant 0 : i32
    %dma_wait3A_74 = tpu.memref_slice %arg8[%dma_wait3A_72, %dma_wait3A_73] : memref<80x128xi32, #tpu.memory_space<vmem>> -> memref<1x128xi32, #tpu.memory_space<vmem>>
    %dma_wait3A_75 = tpu.memref_squeeze %dma_wait3A_74 : memref<1x128xi32, #tpu.memory_space<vmem>> -> memref<128xi32, #tpu.memory_space<vmem>>
    %dma_wait3A_76 = arith.constant 0 : i32
    %dma_wait3A_77 = arith.constant 0 : i32
    %dma_wait3A_78 = tpu.memref_slice %arg13[%dma_wait3A_76, %dma_wait3A_77] : memref<10008x32xf32, #tpu.memory_space<vmem_shared>> -> memref<10008x32xf32, #tpu.memory_space<vmem_shared>>
    tpu.wait_indirect_dma semaphore(%arg20 : memref<!tpu.dma_semaphore, #tpu.memory_space<semaphore_mem>>) src(%arg10 : memref<128x32xf32, #tpu.memory_space<vmem>>) dst(%dma_wait3A_78 : memref<10008x32xf32, #tpu.memory_space<vmem_shared>>)
    %dma_wait3A_79 = arith.constant 78 : i32
    %dma_wait3A_80 = arith.constant 0 : i32
    %dma_wait3A_81 = tpu.memref_slice %arg8[%dma_wait3A_79, %dma_wait3A_80] : memref<80x128xi32, #tpu.memory_space<vmem>> -> memref<1x128xi32, #tpu.memory_space<vmem>>
    %dma_wait3A_82 = tpu.memref_squeeze %dma_wait3A_81 : memref<1x128xi32, #tpu.memory_space<vmem>> -> memref<128xi32, #tpu.memory_space<vmem>>
    %dma_wait3A_83 = arith.constant 0 : i32
    %dma_wait3A_84 = arith.constant 0 : i32
    %dma_wait3A_85 = tpu.memref_slice %arg13[%dma_wait3A_83, %dma_wait3A_84] : memref<10008x32xf32, #tpu.memory_space<vmem_shared>> -> memref<10008x32xf32, #tpu.memory_space<vmem_shared>>
    tpu.wait_indirect_dma semaphore(%arg21 : memref<!tpu.dma_semaphore, #tpu.memory_space<semaphore_mem>>) src(%arg11 : memref<128x32xf32, #tpu.memory_space<vmem>>) dst(%dma_wait3A_85 : memref<10008x32xf32, #tpu.memory_space<vmem_shared>>)
    %dma_wait3A_86 = arith.constant 79 : i32
    %dma_wait3A_87 = arith.constant 0 : i32
    %dma_wait3A_88 = tpu.memref_slice %arg8[%dma_wait3A_86, %dma_wait3A_87] : memref<80x128xi32, #tpu.memory_space<vmem>> -> memref<1x128xi32, #tpu.memory_space<vmem>>
    %dma_wait3A_89 = tpu.memref_squeeze %dma_wait3A_88 : memref<1x128xi32, #tpu.memory_space<vmem>> -> memref<128xi32, #tpu.memory_space<vmem>>
    %dma_wait3A_90 = arith.constant 0 : i32
    %dma_wait3A_91 = arith.constant 0 : i32
    %dma_wait3A_92 = tpu.memref_slice %arg13[%dma_wait3A_90, %dma_wait3A_91] : memref<10008x32xf32, #tpu.memory_space<vmem_shared>> -> memref<10008x32xf32, #tpu.memory_space<vmem_shared>>
    tpu.wait_indirect_dma semaphore(%arg22 : memref<!tpu.dma_semaphore, #tpu.memory_space<semaphore_mem>>) src(%arg12 : memref<128x32xf32, #tpu.memory_space<vmem>>) dst(%dma_wait3A_92 : memref<10008x32xf32, #tpu.memory_space<vmem_shared>>)
    %barrier3A_93 = arith.constant 0 : index
    tpu.barrier barrier_id(%barrier3A_93)
    %lt3A_94 = arith.constant 8 : i32
    %lt3A_95 = arith.cmpi slt, %arg1, %lt3A_94 : i32
    %convert_element_type3A_96 = arith.extui %lt3A_95 : i1 to i32
    %cond3A_97 = arith.constant 0 : i32
    %cond3A_98 = arith.cmpi ne, %convert_element_type3A_96, %cond3A_97 : i32
    scf.if %cond3A_98 {
      %mul3A_104 = arith.constant 1248 : i32
      %mul3A_105 = arith.muli %arg1, %mul3A_104 : i32
      %mul3A_106 = arith.constant 1248 : i32
      %mul3A_107 = arith.muli %arg1, %mul3A_106 : i32
      "tpu.region"() ({
        %run_scoped3A = tpu.sem_alloc : memref<!tpu.dma_semaphore, #tpu.memory_space<semaphore_mem>>
        %dma_start3A_108 = arith.constant 0 : i32
        %dma_start3A_109 = tpu.memref_slice %arg6[%arg0, %mul3A_107, %dma_start3A_108] : memref<2x10008x32xf32, #tpu.memory_space<hbm>> -> memref<1x1248x32xf32, #tpu.memory_space<hbm>>
        %dma_start3A_110 = tpu.memref_squeeze %dma_start3A_109 : memref<1x1248x32xf32, #tpu.memory_space<hbm>> -> memref<1248x32xf32, #tpu.memory_space<hbm>>
        %dma_start3A_111 = arith.constant 0 : i32
        %dma_start3A_112 = tpu.memref_slice %arg13[%mul3A_105, %dma_start3A_111] : memref<10008x32xf32, #tpu.memory_space<vmem_shared>> -> memref<1248x32xf32, #tpu.memory_space<vmem_shared>>
        tpu.enqueue_dma source(%dma_start3A_112 : memref<1248x32xf32, #tpu.memory_space<vmem_shared>>) target(%dma_start3A_110 : memref<1248x32xf32, #tpu.memory_space<hbm>>) target_semaphore(%run_scoped3A : memref<!tpu.dma_semaphore, #tpu.memory_space<semaphore_mem>>)
        %dma_wait3A_113 = arith.constant 0 : i32
        %dma_wait3A_114 = tpu.memref_slice %arg6[%arg0, %mul3A_107, %dma_wait3A_113] : memref<2x10008x32xf32, #tpu.memory_space<hbm>> -> memref<1x1248x32xf32, #tpu.memory_space<hbm>>
        %dma_wait3A_115 = tpu.memref_squeeze %dma_wait3A_114 : memref<1x1248x32xf32, #tpu.memory_space<hbm>> -> memref<1248x32xf32, #tpu.memory_space<hbm>>
        %dma_wait3A_116 = arith.constant 0 : i32
        %dma_wait3A_117 = tpu.memref_slice %arg13[%mul3A_105, %dma_wait3A_116] : memref<10008x32xf32, #tpu.memory_space<vmem_shared>> -> memref<1248x32xf32, #tpu.memory_space<vmem_shared>>
        tpu.wait_dma2 semaphore(%run_scoped3A : memref<!tpu.dma_semaphore, #tpu.memory_space<semaphore_mem>>) src(%dma_wait3A_117 : memref<1248x32xf32, #tpu.memory_space<vmem_shared>>) dst(%dma_wait3A_115 : memref<1248x32xf32, #tpu.memory_space<hbm>>)
        tpu.yield
      }) : () -> ()
    } else {
    }
    %eq3A_99 = arith.constant 8 : i32
    %eq3A_100 = arith.cmpi eq, %arg1, %eq3A_99 : i32
    %convert_element_type3A_101 = arith.extui %eq3A_100 : i1 to i32
    %cond3A_102 = arith.constant 0 : i32
    %cond3A_103 = arith.cmpi ne, %convert_element_type3A_101, %cond3A_102 : i32
    scf.if %cond3A_103 {
      "tpu.region"() ({
        %run_scoped3A = tpu.sem_alloc : memref<!tpu.dma_semaphore, #tpu.memory_space<semaphore_mem>>
        %dma_start3A_104 = arith.constant 9984 : i32
        %dma_start3A_105 = arith.constant 0 : i32
        %dma_start3A_106 = tpu.memref_slice %arg6[%arg0, %dma_start3A_104, %dma_start3A_105] : memref<2x10008x32xf32, #tpu.memory_space<hbm>> -> memref<1x24x32xf32, #tpu.memory_space<hbm>>
        %dma_start3A_107 = tpu.memref_squeeze %dma_start3A_106 : memref<1x24x32xf32, #tpu.memory_space<hbm>> -> memref<24x32xf32, #tpu.memory_space<hbm>>
        %dma_start3A_108 = arith.constant 9984 : i32
        %dma_start3A_109 = arith.constant 0 : i32
        %dma_start3A_110 = tpu.memref_slice %arg13[%dma_start3A_108, %dma_start3A_109] : memref<10008x32xf32, #tpu.memory_space<vmem_shared>> -> memref<24x32xf32, #tpu.memory_space<vmem_shared>>
        tpu.enqueue_dma source(%dma_start3A_110 : memref<24x32xf32, #tpu.memory_space<vmem_shared>>) target(%dma_start3A_107 : memref<24x32xf32, #tpu.memory_space<hbm>>) target_semaphore(%run_scoped3A : memref<!tpu.dma_semaphore, #tpu.memory_space<semaphore_mem>>)
        %dma_wait3A_111 = arith.constant 9984 : i32
        %dma_wait3A_112 = arith.constant 0 : i32
        %dma_wait3A_113 = tpu.memref_slice %arg6[%arg0, %dma_wait3A_111, %dma_wait3A_112] : memref<2x10008x32xf32, #tpu.memory_space<hbm>> -> memref<1x24x32xf32, #tpu.memory_space<hbm>>
        %dma_wait3A_114 = tpu.memref_squeeze %dma_wait3A_113 : memref<1x24x32xf32, #tpu.memory_space<hbm>> -> memref<24x32xf32, #tpu.memory_space<hbm>>
        %dma_wait3A_115 = arith.constant 9984 : i32
        %dma_wait3A_116 = arith.constant 0 : i32
        %dma_wait3A_117 = tpu.memref_slice %arg13[%dma_wait3A_115, %dma_wait3A_116] : memref<10008x32xf32, #tpu.memory_space<vmem_shared>> -> memref<24x32xf32, #tpu.memory_space<vmem_shared>>
        tpu.wait_dma2 semaphore(%run_scoped3A : memref<!tpu.dma_semaphore, #tpu.memory_space<semaphore_mem>>) src(%dma_wait3A_117 : memref<24x32xf32, #tpu.memory_space<vmem_shared>>) dst(%dma_wait3A_114 : memref<24x32xf32, #tpu.memory_space<hbm>>)
        tpu.yield
      }) : () -> ()
    } else {
    }
    return
  }
}

#map = affine_map<(d0, d1) -> (0, 0)>
#map1 = affine_map<(d0, d1) -> (0, 0, 0)>
module attributes {stable_mosaic.version = 14 : i64} {
  func.func @_sc_agg(%arg0: i32, %arg1: i32, %arg2: memref<10008x32xf32, #tpu.memory_space<hbm>>, %arg3: memref<2560x128xi32, #tpu.memory_space<hbm>>, %arg4: memref<2560x128xi32, #tpu.memory_space<hbm>>, %arg5: memref<10008x32xf32, #tpu.memory_space<hbm>>, %arg6: memref<2x10008x32xf32, #tpu.memory_space<hbm>>, %arg7: memref<80x128xi32, #tpu.memory_space<vmem>>, %arg8: memref<80x128xi32, #tpu.memory_space<vmem>>, %arg9: memref<128x32xf32, #tpu.memory_space<vmem>>, %arg10: memref<128x32xf32, #tpu.memory_space<vmem>>, %arg11: memref<128x32xf32, #tpu.memory_space<vmem>>, %arg12: memref<128x32xf32, #tpu.memory_space<vmem>>, %arg13: memref<10008x32xf32, #tpu.memory_space<vmem_shared>>, %arg14: memref<10008x32xf32, #tpu.memory_space<vmem_shared>>, %arg15: memref<!tpu.dma_semaphore, #tpu.memory_space<semaphore_mem>>, %arg16: memref<!tpu.dma_semaphore, #tpu.memory_space<semaphore_mem>>, %arg17: memref<!tpu.dma_semaphore, #tpu.memory_space<semaphore_mem>>, %arg18: memref<!tpu.dma_semaphore, #tpu.memory_space<semaphore_mem>>, %arg19: memref<!tpu.dma_semaphore, #tpu.memory_space<semaphore_mem>>, %arg20: memref<!tpu.dma_semaphore, #tpu.memory_space<semaphore_mem>>, %arg21: memref<!tpu.dma_semaphore, #tpu.memory_space<semaphore_mem>>, %arg22: memref<!tpu.dma_semaphore, #tpu.memory_space<semaphore_mem>>) attributes {dimension_semantics = [#tpu.dimension_semantics<core_parallel>, #tpu.dimension_semantics<subcore_parallel>], iteration_bounds = array<i64: 2, 16>, scalar_prefetch = 0 : i64, scratch_operands = 16 : i64, tpu.core_type = #tpu.core_type<sc_vector_subcore>, window_params = [{transform_indices = #map}, {transform_indices = #map}, {transform_indices = #map}, {transform_indices = #map}, {transform_indices = #map1}]} {
    %mul3A = arith.constant 16 : i32
    %mul3A_0 = arith.muli %arg0, %mul3A : i32
    %add3A = arith.addi %mul3A_0, %arg1 : i32
    %mul3A_1 = arith.constant 80 : i32
    %mul3A_2 = arith.muli %add3A, %mul3A_1 : i32
    "tpu.region"() ({
      %run_scoped3A = tpu.sem_alloc : memref<!tpu.dma_semaphore, #tpu.memory_space<semaphore_mem>>
      %dma_start3A_104 = arith.constant 0 : i32
      %dma_start3A_105 = tpu.memref_slice %arg3[%mul3A_2, %dma_start3A_104] : memref<2560x128xi32, #tpu.memory_space<hbm>> -> memref<80x128xi32, #tpu.memory_space<hbm>>
      %dma_start3A_106 = arith.constant 0 : i32
      %dma_start3A_107 = tpu.memref_slice %arg3[%mul3A_2, %dma_start3A_106] : memref<2560x128xi32, #tpu.memory_space<hbm>> -> memref<80x128xi32, #tpu.memory_space<hbm>>
      tpu.enqueue_dma source(%dma_start3A_107 : memref<80x128xi32, #tpu.memory_space<hbm>>) target(%arg7 : memref<80x128xi32, #tpu.memory_space<vmem>>) target_semaphore(%run_scoped3A : memref<!tpu.dma_semaphore, #tpu.memory_space<semaphore_mem>>)
      %dma_wait3A_108 = arith.constant 0 : i32
      %dma_wait3A_109 = tpu.memref_slice %arg3[%mul3A_2, %dma_wait3A_108] : memref<2560x128xi32, #tpu.memory_space<hbm>> -> memref<80x128xi32, #tpu.memory_space<hbm>>
      %dma_wait3A_110 = arith.constant 0 : i32
      %dma_wait3A_111 = tpu.memref_slice %arg3[%mul3A_2, %dma_wait3A_110] : memref<2560x128xi32, #tpu.memory_space<hbm>> -> memref<80x128xi32, #tpu.memory_space<hbm>>
      tpu.wait_dma2 semaphore(%run_scoped3A : memref<!tpu.dma_semaphore, #tpu.memory_space<semaphore_mem>>) src(%dma_wait3A_111 : memref<80x128xi32, #tpu.memory_space<hbm>>) dst(%arg7 : memref<80x128xi32, #tpu.memory_space<vmem>>)
      tpu.yield
    }) : () -> ()
    %mul3A_3 = arith.constant 80 : i32
    %mul3A_4 = arith.muli %add3A, %mul3A_3 : i32
    "tpu.region"() ({
      %run_scoped3A = tpu.sem_alloc : memref<!tpu.dma_semaphore, #tpu.memory_space<semaphore_mem>>
      %dma_start3A_104 = arith.constant 0 : i32
      %dma_start3A_105 = tpu.memref_slice %arg4[%mul3A_4, %dma_start3A_104] : memref<2560x128xi32, #tpu.memory_space<hbm>> -> memref<80x128xi32, #tpu.memory_space<hbm>>
      %dma_start3A_106 = arith.constant 0 : i32
      %dma_start3A_107 = tpu.memref_slice %arg4[%mul3A_4, %dma_start3A_106] : memref<2560x128xi32, #tpu.memory_space<hbm>> -> memref<80x128xi32, #tpu.memory_space<hbm>>
      tpu.enqueue_dma source(%dma_start3A_107 : memref<80x128xi32, #tpu.memory_space<hbm>>) target(%arg8 : memref<80x128xi32, #tpu.memory_space<vmem>>) target_semaphore(%run_scoped3A : memref<!tpu.dma_semaphore, #tpu.memory_space<semaphore_mem>>)
      %dma_wait3A_108 = arith.constant 0 : i32
      %dma_wait3A_109 = tpu.memref_slice %arg4[%mul3A_4, %dma_wait3A_108] : memref<2560x128xi32, #tpu.memory_space<hbm>> -> memref<80x128xi32, #tpu.memory_space<hbm>>
      %dma_wait3A_110 = arith.constant 0 : i32
      %dma_wait3A_111 = tpu.memref_slice %arg4[%mul3A_4, %dma_wait3A_110] : memref<2560x128xi32, #tpu.memory_space<hbm>> -> memref<80x128xi32, #tpu.memory_space<hbm>>
      tpu.wait_dma2 semaphore(%run_scoped3A : memref<!tpu.dma_semaphore, #tpu.memory_space<semaphore_mem>>) src(%dma_wait3A_111 : memref<80x128xi32, #tpu.memory_space<hbm>>) dst(%arg8 : memref<80x128xi32, #tpu.memory_space<vmem>>)
      tpu.yield
    }) : () -> ()
    %lt3A = arith.constant 8 : i32
    %lt3A_5 = arith.cmpi slt, %arg1, %lt3A : i32
    %eq3A = arith.constant 0 : i32
    %eq3A_6 = arith.cmpi eq, %arg0, %eq3A : i32
    %and3A = arith.andi %lt3A_5, %eq3A_6 : i1
    %convert_element_type3A = arith.extui %and3A : i1 to i32
    %cond3A = arith.constant 0 : i32
    %cond3A_7 = arith.cmpi ne, %convert_element_type3A, %cond3A : i32
    scf.if %cond3A_7 {
      %mul3A_104 = arith.constant 1248 : i32
      %mul3A_105 = arith.muli %arg1, %mul3A_104 : i32
      %mul3A_106 = arith.constant 1248 : i32
      %mul3A_107 = arith.muli %arg1, %mul3A_106 : i32
      "tpu.region"() ({
        %run_scoped3A = tpu.sem_alloc : memref<!tpu.dma_semaphore, #tpu.memory_space<semaphore_mem>>
        %dma_start3A_108 = arith.constant 0 : i32
        %dma_start3A_109 = tpu.memref_slice %arg13[%mul3A_107, %dma_start3A_108] : memref<10008x32xf32, #tpu.memory_space<vmem_shared>> -> memref<1248x32xf32, #tpu.memory_space<vmem_shared>>
        %dma_start3A_110 = arith.constant 0 : i32
        %dma_start3A_111 = tpu.memref_slice %arg2[%mul3A_105, %dma_start3A_110] : memref<10008x32xf32, #tpu.memory_space<hbm>> -> memref<1248x32xf32, #tpu.memory_space<hbm>>
        tpu.enqueue_dma source(%dma_start3A_111 : memref<1248x32xf32, #tpu.memory_space<hbm>>) target(%dma_start3A_109 : memref<1248x32xf32, #tpu.memory_space<vmem_shared>>) target_semaphore(%run_scoped3A : memref<!tpu.dma_semaphore, #tpu.memory_space<semaphore_mem>>)
        %dma_wait3A_112 = arith.constant 0 : i32
        %dma_wait3A_113 = tpu.memref_slice %arg13[%mul3A_107, %dma_wait3A_112] : memref<10008x32xf32, #tpu.memory_space<vmem_shared>> -> memref<1248x32xf32, #tpu.memory_space<vmem_shared>>
        %dma_wait3A_114 = arith.constant 0 : i32
        %dma_wait3A_115 = tpu.memref_slice %arg2[%mul3A_105, %dma_wait3A_114] : memref<10008x32xf32, #tpu.memory_space<hbm>> -> memref<1248x32xf32, #tpu.memory_space<hbm>>
        tpu.wait_dma2 semaphore(%run_scoped3A : memref<!tpu.dma_semaphore, #tpu.memory_space<semaphore_mem>>) src(%dma_wait3A_115 : memref<1248x32xf32, #tpu.memory_space<hbm>>) dst(%dma_wait3A_113 : memref<1248x32xf32, #tpu.memory_space<vmem_shared>>)
        tpu.yield
      }) : () -> ()
    } else {
    }
    %eq3A_8 = arith.constant 0 : i32
    %eq3A_9 = arith.cmpi eq, %arg1, %eq3A_8 : i32
    %eq3A_10 = arith.constant 0 : i32
    %eq3A_11 = arith.cmpi eq, %arg0, %eq3A_10 : i32
    %and3A_12 = arith.andi %eq3A_9, %eq3A_11 : i1
    %convert_element_type3A_13 = arith.extui %and3A_12 : i1 to i32
    %cond3A_14 = arith.constant 0 : i32
    %cond3A_15 = arith.cmpi ne, %convert_element_type3A_13, %cond3A_14 : i32
    scf.if %cond3A_15 {
      "tpu.region"() ({
        %run_scoped3A = tpu.sem_alloc : memref<!tpu.dma_semaphore, #tpu.memory_space<semaphore_mem>>
        %dma_start3A_104 = arith.constant 9984 : i32
        %dma_start3A_105 = arith.constant 0 : i32
        %dma_start3A_106 = tpu.memref_slice %arg13[%dma_start3A_104, %dma_start3A_105] : memref<10008x32xf32, #tpu.memory_space<vmem_shared>> -> memref<24x32xf32, #tpu.memory_space<vmem_shared>>
        %dma_start3A_107 = arith.constant 9984 : i32
        %dma_start3A_108 = arith.constant 0 : i32
        %dma_start3A_109 = tpu.memref_slice %arg2[%dma_start3A_107, %dma_start3A_108] : memref<10008x32xf32, #tpu.memory_space<hbm>> -> memref<24x32xf32, #tpu.memory_space<hbm>>
        tpu.enqueue_dma source(%dma_start3A_109 : memref<24x32xf32, #tpu.memory_space<hbm>>) target(%dma_start3A_106 : memref<24x32xf32, #tpu.memory_space<vmem_shared>>) target_semaphore(%run_scoped3A : memref<!tpu.dma_semaphore, #tpu.memory_space<semaphore_mem>>)
        %dma_wait3A_110 = arith.constant 9984 : i32
        %dma_wait3A_111 = arith.constant 0 : i32
        %dma_wait3A_112 = tpu.memref_slice %arg13[%dma_wait3A_110, %dma_wait3A_111] : memref<10008x32xf32, #tpu.memory_space<vmem_shared>> -> memref<24x32xf32, #tpu.memory_space<vmem_shared>>
        %dma_wait3A_113 = arith.constant 9984 : i32
        %dma_wait3A_114 = arith.constant 0 : i32
        %dma_wait3A_115 = tpu.memref_slice %arg2[%dma_wait3A_113, %dma_wait3A_114] : memref<10008x32xf32, #tpu.memory_space<hbm>> -> memref<24x32xf32, #tpu.memory_space<hbm>>
        tpu.wait_dma2 semaphore(%run_scoped3A : memref<!tpu.dma_semaphore, #tpu.memory_space<semaphore_mem>>) src(%dma_wait3A_115 : memref<24x32xf32, #tpu.memory_space<hbm>>) dst(%dma_wait3A_112 : memref<24x32xf32, #tpu.memory_space<vmem_shared>>)
        tpu.yield
      }) : () -> ()
    } else {
    }
    %lt3A_16 = arith.constant 8 : i32
    %lt3A_17 = arith.cmpi slt, %arg1, %lt3A_16 : i32
    %eq3A_18 = arith.constant 1 : i32
    %eq3A_19 = arith.cmpi eq, %arg0, %eq3A_18 : i32
    %and3A_20 = arith.andi %lt3A_17, %eq3A_19 : i1
    %convert_element_type3A_21 = arith.extui %and3A_20 : i1 to i32
    %cond3A_22 = arith.constant 0 : i32
    %cond3A_23 = arith.cmpi ne, %convert_element_type3A_21, %cond3A_22 : i32
    scf.if %cond3A_23 {
      %mul3A_104 = arith.constant 1248 : i32
      %mul3A_105 = arith.muli %arg1, %mul3A_104 : i32
      %mul3A_106 = arith.constant 1248 : i32
      %mul3A_107 = arith.muli %arg1, %mul3A_106 : i32
      "tpu.region"() ({
        %run_scoped3A = tpu.sem_alloc : memref<!tpu.dma_semaphore, #tpu.memory_space<semaphore_mem>>
        %dma_start3A_108 = arith.constant 0 : i32
        %dma_start3A_109 = tpu.memref_slice %arg13[%mul3A_107, %dma_start3A_108] : memref<10008x32xf32, #tpu.memory_space<vmem_shared>> -> memref<1248x32xf32, #tpu.memory_space<vmem_shared>>
        %dma_start3A_110 = arith.constant 0 : i32
        %dma_start3A_111 = tpu.memref_slice %arg5[%mul3A_105, %dma_start3A_110] : memref<10008x32xf32, #tpu.memory_space<hbm>> -> memref<1248x32xf32, #tpu.memory_space<hbm>>
        tpu.enqueue_dma source(%dma_start3A_111 : memref<1248x32xf32, #tpu.memory_space<hbm>>) target(%dma_start3A_109 : memref<1248x32xf32, #tpu.memory_space<vmem_shared>>) target_semaphore(%run_scoped3A : memref<!tpu.dma_semaphore, #tpu.memory_space<semaphore_mem>>)
        %dma_wait3A_112 = arith.constant 0 : i32
        %dma_wait3A_113 = tpu.memref_slice %arg13[%mul3A_107, %dma_wait3A_112] : memref<10008x32xf32, #tpu.memory_space<vmem_shared>> -> memref<1248x32xf32, #tpu.memory_space<vmem_shared>>
        %dma_wait3A_114 = arith.constant 0 : i32
        %dma_wait3A_115 = tpu.memref_slice %arg5[%mul3A_105, %dma_wait3A_114] : memref<10008x32xf32, #tpu.memory_space<hbm>> -> memref<1248x32xf32, #tpu.memory_space<hbm>>
        tpu.wait_dma2 semaphore(%run_scoped3A : memref<!tpu.dma_semaphore, #tpu.memory_space<semaphore_mem>>) src(%dma_wait3A_115 : memref<1248x32xf32, #tpu.memory_space<hbm>>) dst(%dma_wait3A_113 : memref<1248x32xf32, #tpu.memory_space<vmem_shared>>)
        tpu.yield
      }) : () -> ()
    } else {
    }
    %eq3A_24 = arith.constant 0 : i32
    %eq3A_25 = arith.cmpi eq, %arg1, %eq3A_24 : i32
    %eq3A_26 = arith.constant 1 : i32
    %eq3A_27 = arith.cmpi eq, %arg0, %eq3A_26 : i32
    %and3A_28 = arith.andi %eq3A_25, %eq3A_27 : i1
    %convert_element_type3A_29 = arith.extui %and3A_28 : i1 to i32
    %cond3A_30 = arith.constant 0 : i32
    %cond3A_31 = arith.cmpi ne, %convert_element_type3A_29, %cond3A_30 : i32
    scf.if %cond3A_31 {
      "tpu.region"() ({
        %run_scoped3A = tpu.sem_alloc : memref<!tpu.dma_semaphore, #tpu.memory_space<semaphore_mem>>
        %dma_start3A_104 = arith.constant 9984 : i32
        %dma_start3A_105 = arith.constant 0 : i32
        %dma_start3A_106 = tpu.memref_slice %arg13[%dma_start3A_104, %dma_start3A_105] : memref<10008x32xf32, #tpu.memory_space<vmem_shared>> -> memref<24x32xf32, #tpu.memory_space<vmem_shared>>
        %dma_start3A_107 = arith.constant 9984 : i32
        %dma_start3A_108 = arith.constant 0 : i32
        %dma_start3A_109 = tpu.memref_slice %arg5[%dma_start3A_107, %dma_start3A_108] : memref<10008x32xf32, #tpu.memory_space<hbm>> -> memref<24x32xf32, #tpu.memory_space<hbm>>
        tpu.enqueue_dma source(%dma_start3A_109 : memref<24x32xf32, #tpu.memory_space<hbm>>) target(%dma_start3A_106 : memref<24x32xf32, #tpu.memory_space<vmem_shared>>) target_semaphore(%run_scoped3A : memref<!tpu.dma_semaphore, #tpu.memory_space<semaphore_mem>>)
        %dma_wait3A_110 = arith.constant 9984 : i32
        %dma_wait3A_111 = arith.constant 0 : i32
        %dma_wait3A_112 = tpu.memref_slice %arg13[%dma_wait3A_110, %dma_wait3A_111] : memref<10008x32xf32, #tpu.memory_space<vmem_shared>> -> memref<24x32xf32, #tpu.memory_space<vmem_shared>>
        %dma_wait3A_113 = arith.constant 9984 : i32
        %dma_wait3A_114 = arith.constant 0 : i32
        %dma_wait3A_115 = tpu.memref_slice %arg5[%dma_wait3A_113, %dma_wait3A_114] : memref<10008x32xf32, #tpu.memory_space<hbm>> -> memref<24x32xf32, #tpu.memory_space<hbm>>
        tpu.wait_dma2 semaphore(%run_scoped3A : memref<!tpu.dma_semaphore, #tpu.memory_space<semaphore_mem>>) src(%dma_wait3A_115 : memref<24x32xf32, #tpu.memory_space<hbm>>) dst(%dma_wait3A_112 : memref<24x32xf32, #tpu.memory_space<vmem_shared>>)
        tpu.yield
      }) : () -> ()
    } else {
    }
    %ge3A = arith.constant 8 : i32
    %ge3A_32 = arith.cmpi sge, %arg1, %ge3A : i32
    %convert_element_type3A_33 = arith.extui %ge3A_32 : i1 to i32
    %cond3A_34 = arith.constant 0 : i32
    %cond3A_35 = arith.cmpi ne, %convert_element_type3A_33, %cond3A_34 : i32
    scf.if %cond3A_35 {
      %sub3A = arith.constant 8 : i32
      %sub3A_104 = arith.subi %arg1, %sub3A : i32
      %mul3A_105 = arith.constant 1248 : i32
      %mul3A_106 = arith.muli %sub3A_104, %mul3A_105 : i32
      %mul3A_107 = arith.constant 1248 : i32
      %mul3A_108 = arith.muli %sub3A_104, %mul3A_107 : i32
      "tpu.region"() ({
        %run_scoped3A = tpu.sem_alloc : memref<!tpu.dma_semaphore, #tpu.memory_space<semaphore_mem>>
        %dma_start3A_109 = arith.constant 0 : i32
        %dma_start3A_110 = tpu.memref_slice %arg14[%mul3A_108, %dma_start3A_109] : memref<10008x32xf32, #tpu.memory_space<vmem_shared>> -> memref<1248x32xf32, #tpu.memory_space<vmem_shared>>
        %dma_start3A_111 = arith.constant 0 : i32
        %dma_start3A_112 = tpu.memref_slice %arg2[%mul3A_106, %dma_start3A_111] : memref<10008x32xf32, #tpu.memory_space<hbm>> -> memref<1248x32xf32, #tpu.memory_space<hbm>>
        tpu.enqueue_dma source(%dma_start3A_112 : memref<1248x32xf32, #tpu.memory_space<hbm>>) target(%dma_start3A_110 : memref<1248x32xf32, #tpu.memory_space<vmem_shared>>) target_semaphore(%run_scoped3A : memref<!tpu.dma_semaphore, #tpu.memory_space<semaphore_mem>>)
        %dma_wait3A_113 = arith.constant 0 : i32
        %dma_wait3A_114 = tpu.memref_slice %arg14[%mul3A_108, %dma_wait3A_113] : memref<10008x32xf32, #tpu.memory_space<vmem_shared>> -> memref<1248x32xf32, #tpu.memory_space<vmem_shared>>
        %dma_wait3A_115 = arith.constant 0 : i32
        %dma_wait3A_116 = tpu.memref_slice %arg2[%mul3A_106, %dma_wait3A_115] : memref<10008x32xf32, #tpu.memory_space<hbm>> -> memref<1248x32xf32, #tpu.memory_space<hbm>>
        tpu.wait_dma2 semaphore(%run_scoped3A : memref<!tpu.dma_semaphore, #tpu.memory_space<semaphore_mem>>) src(%dma_wait3A_116 : memref<1248x32xf32, #tpu.memory_space<hbm>>) dst(%dma_wait3A_114 : memref<1248x32xf32, #tpu.memory_space<vmem_shared>>)
        tpu.yield
      }) : () -> ()
    } else {
    }
    %eq3A_36 = arith.constant 8 : i32
    %eq3A_37 = arith.cmpi eq, %arg1, %eq3A_36 : i32
    %convert_element_type3A_38 = arith.extui %eq3A_37 : i1 to i32
    %cond3A_39 = arith.constant 0 : i32
    %cond3A_40 = arith.cmpi ne, %convert_element_type3A_38, %cond3A_39 : i32
    scf.if %cond3A_40 {
      "tpu.region"() ({
        %run_scoped3A = tpu.sem_alloc : memref<!tpu.dma_semaphore, #tpu.memory_space<semaphore_mem>>
        %dma_start3A_104 = arith.constant 9984 : i32
        %dma_start3A_105 = arith.constant 0 : i32
        %dma_start3A_106 = tpu.memref_slice %arg14[%dma_start3A_104, %dma_start3A_105] : memref<10008x32xf32, #tpu.memory_space<vmem_shared>> -> memref<24x32xf32, #tpu.memory_space<vmem_shared>>
        %dma_start3A_107 = arith.constant 9984 : i32
        %dma_start3A_108 = arith.constant 0 : i32
        %dma_start3A_109 = tpu.memref_slice %arg2[%dma_start3A_107, %dma_start3A_108] : memref<10008x32xf32, #tpu.memory_space<hbm>> -> memref<24x32xf32, #tpu.memory_space<hbm>>
        tpu.enqueue_dma source(%dma_start3A_109 : memref<24x32xf32, #tpu.memory_space<hbm>>) target(%dma_start3A_106 : memref<24x32xf32, #tpu.memory_space<vmem_shared>>) target_semaphore(%run_scoped3A : memref<!tpu.dma_semaphore, #tpu.memory_space<semaphore_mem>>)
        %dma_wait3A_110 = arith.constant 9984 : i32
        %dma_wait3A_111 = arith.constant 0 : i32
        %dma_wait3A_112 = tpu.memref_slice %arg14[%dma_wait3A_110, %dma_wait3A_111] : memref<10008x32xf32, #tpu.memory_space<vmem_shared>> -> memref<24x32xf32, #tpu.memory_space<vmem_shared>>
        %dma_wait3A_113 = arith.constant 9984 : i32
        %dma_wait3A_114 = arith.constant 0 : i32
        %dma_wait3A_115 = tpu.memref_slice %arg2[%dma_wait3A_113, %dma_wait3A_114] : memref<10008x32xf32, #tpu.memory_space<hbm>> -> memref<24x32xf32, #tpu.memory_space<hbm>>
        tpu.wait_dma2 semaphore(%run_scoped3A : memref<!tpu.dma_semaphore, #tpu.memory_space<semaphore_mem>>) src(%dma_wait3A_115 : memref<24x32xf32, #tpu.memory_space<hbm>>) dst(%dma_wait3A_112 : memref<24x32xf32, #tpu.memory_space<vmem_shared>>)
        tpu.yield
      }) : () -> ()
    } else {
    }
    %barrier3A = arith.constant 0 : index
    tpu.barrier barrier_id(%barrier3A)
    %dma_start3A = arith.constant 0 : i32
    %dma_start3A_41 = arith.constant 0 : i32
    %dma_start3A_42 = tpu.memref_slice %arg7[%dma_start3A, %dma_start3A_41] : memref<80x128xi32, #tpu.memory_space<vmem>> -> memref<1x128xi32, #tpu.memory_space<vmem>>
    %dma_start3A_43 = tpu.memref_squeeze %dma_start3A_42 : memref<1x128xi32, #tpu.memory_space<vmem>> -> memref<128xi32, #tpu.memory_space<vmem>>
    %dma_start3A_44 = arith.constant 0 : i32
    %dma_start3A_45 = arith.constant 0 : i32
    %dma_start3A_46 = tpu.memref_slice %arg14[%dma_start3A_44, %dma_start3A_45] : memref<10008x32xf32, #tpu.memory_space<vmem_shared>> -> memref<10008x32xf32, #tpu.memory_space<vmem_shared>>
    tpu.enqueue_indirect_dma source(%dma_start3A_46 : memref<10008x32xf32, #tpu.memory_space<vmem_shared>>) target(%arg9 : memref<128x32xf32, #tpu.memory_space<vmem>>) offsets(%dma_start3A_43 : memref<128xi32, #tpu.memory_space<vmem>>) semaphore(%arg15 : memref<!tpu.dma_semaphore, #tpu.memory_space<semaphore_mem>>)
    %dma_start3A_47 = arith.constant 1 : i32
    %dma_start3A_48 = arith.constant 0 : i32
    %dma_start3A_49 = tpu.memref_slice %arg7[%dma_start3A_47, %dma_start3A_48] : memref<80x128xi32, #tpu.memory_space<vmem>> -> memref<1x128xi32, #tpu.memory_space<vmem>>
    %dma_start3A_50 = tpu.memref_squeeze %dma_start3A_49 : memref<1x128xi32, #tpu.memory_space<vmem>> -> memref<128xi32, #tpu.memory_space<vmem>>
    %dma_start3A_51 = arith.constant 0 : i32
    %dma_start3A_52 = arith.constant 0 : i32
    %dma_start3A_53 = tpu.memref_slice %arg14[%dma_start3A_51, %dma_start3A_52] : memref<10008x32xf32, #tpu.memory_space<vmem_shared>> -> memref<10008x32xf32, #tpu.memory_space<vmem_shared>>
    tpu.enqueue_indirect_dma source(%dma_start3A_53 : memref<10008x32xf32, #tpu.memory_space<vmem_shared>>) target(%arg10 : memref<128x32xf32, #tpu.memory_space<vmem>>) offsets(%dma_start3A_50 : memref<128xi32, #tpu.memory_space<vmem>>) semaphore(%arg16 : memref<!tpu.dma_semaphore, #tpu.memory_space<semaphore_mem>>)
    %dma_start3A_54 = arith.constant 2 : i32
    %dma_start3A_55 = arith.constant 0 : i32
    %dma_start3A_56 = tpu.memref_slice %arg7[%dma_start3A_54, %dma_start3A_55] : memref<80x128xi32, #tpu.memory_space<vmem>> -> memref<1x128xi32, #tpu.memory_space<vmem>>
    %dma_start3A_57 = tpu.memref_squeeze %dma_start3A_56 : memref<1x128xi32, #tpu.memory_space<vmem>> -> memref<128xi32, #tpu.memory_space<vmem>>
    %dma_start3A_58 = arith.constant 0 : i32
    %dma_start3A_59 = arith.constant 0 : i32
    %dma_start3A_60 = tpu.memref_slice %arg14[%dma_start3A_58, %dma_start3A_59] : memref<10008x32xf32, #tpu.memory_space<vmem_shared>> -> memref<10008x32xf32, #tpu.memory_space<vmem_shared>>
    tpu.enqueue_indirect_dma source(%dma_start3A_60 : memref<10008x32xf32, #tpu.memory_space<vmem_shared>>) target(%arg11 : memref<128x32xf32, #tpu.memory_space<vmem>>) offsets(%dma_start3A_57 : memref<128xi32, #tpu.memory_space<vmem>>) semaphore(%arg17 : memref<!tpu.dma_semaphore, #tpu.memory_space<semaphore_mem>>)
    %scan3A = arith.constant 0 : i32
    %scan3A_61 = arith.constant 0 : i32
    %scan3A_62 = arith.constant 20 : i32
    %scan3A_63 = arith.addi %scan3A_61, %scan3A_62 : i32
    %scan3A_64 = arith.constant 1 : i32
    scf.for %scan3A_104 = %scan3A_61 to %scan3A_63 step %scan3A_64  : i32 {
      %mul3A_105 = arith.constant 4 : i32
      %mul3A_106 = arith.muli %mul3A_105, %scan3A_104 : i32
      %add3A_107 = arith.constant 0 : i32
      %add3A_108 = arith.addi %mul3A_106, %add3A_107 : i32
      %dma_wait3A_109 = arith.constant 0 : i32
      %dma_wait3A_110 = tpu.memref_slice %arg7[%add3A_108, %dma_wait3A_109] : memref<80x128xi32, #tpu.memory_space<vmem>> -> memref<1x128xi32, #tpu.memory_space<vmem>>
      %dma_wait3A_111 = tpu.memref_squeeze %dma_wait3A_110 : memref<1x128xi32, #tpu.memory_space<vmem>> -> memref<128xi32, #tpu.memory_space<vmem>>
      %dma_wait3A_112 = arith.constant 0 : i32
      %dma_wait3A_113 = arith.constant 0 : i32
      %dma_wait3A_114 = tpu.memref_slice %arg14[%dma_wait3A_112, %dma_wait3A_113] : memref<10008x32xf32, #tpu.memory_space<vmem_shared>> -> memref<10008x32xf32, #tpu.memory_space<vmem_shared>>
      tpu.wait_indirect_dma semaphore(%arg15 : memref<!tpu.dma_semaphore, #tpu.memory_space<semaphore_mem>>) src(%dma_wait3A_114 : memref<10008x32xf32, #tpu.memory_space<vmem_shared>>) dst(%arg9 : memref<128x32xf32, #tpu.memory_space<vmem>>)
      %dma_start3A_115 = arith.constant 0 : i32
      %dma_start3A_116 = tpu.memref_slice %arg8[%add3A_108, %dma_start3A_115] : memref<80x128xi32, #tpu.memory_space<vmem>> -> memref<1x128xi32, #tpu.memory_space<vmem>>
      %dma_start3A_117 = tpu.memref_squeeze %dma_start3A_116 : memref<1x128xi32, #tpu.memory_space<vmem>> -> memref<128xi32, #tpu.memory_space<vmem>>
      %dma_start3A_118 = arith.constant 0 : i32
      %dma_start3A_119 = arith.constant 0 : i32
      %dma_start3A_120 = tpu.memref_slice %arg13[%dma_start3A_118, %dma_start3A_119] : memref<10008x32xf32, #tpu.memory_space<vmem_shared>> -> memref<10008x32xf32, #tpu.memory_space<vmem_shared>>
      tpu.enqueue_indirect_dma source(%arg9 : memref<128x32xf32, #tpu.memory_space<vmem>>) target(%dma_start3A_120 : memref<10008x32xf32, #tpu.memory_space<vmem_shared>>) offsets(%dma_start3A_117 : memref<128xi32, #tpu.memory_space<vmem>>) semaphore(%arg19 : memref<!tpu.dma_semaphore, #tpu.memory_space<semaphore_mem>>) {add = true}
      %add3A_121 = arith.constant 3 : i32
      %add3A_122 = arith.addi %add3A_108, %add3A_121 : i32
      %lt3A_123 = arith.constant 80 : i32
      %lt3A_124 = arith.cmpi slt, %add3A_122, %lt3A_123 : i32
      %convert_element_type3A_125 = arith.extui %lt3A_124 : i1 to i32
      %cond3A_126 = arith.constant 0 : i32
      %cond3A_127 = arith.cmpi ne, %convert_element_type3A_125, %cond3A_126 : i32
      scf.if %cond3A_127 {
        %gt3A = arith.constant 0 : i32
        %gt3A_191 = arith.cmpi sgt, %add3A_108, %gt3A : i32
        %convert_element_type3A_192 = arith.extui %gt3A_191 : i1 to i32
        %cond3A_193 = arith.constant 0 : i32
        %cond3A_194 = arith.cmpi ne, %convert_element_type3A_192, %cond3A_193 : i32
        scf.if %cond3A_194 {
          %sub3A = arith.constant 1 : i32
          %sub3A_203 = arith.subi %add3A_108, %sub3A : i32
          %dma_wait3A_204 = arith.constant 0 : i32
          %dma_wait3A_205 = tpu.memref_slice %arg8[%sub3A_203, %dma_wait3A_204] : memref<80x128xi32, #tpu.memory_space<vmem>> -> memref<1x128xi32, #tpu.memory_space<vmem>>
          %dma_wait3A_206 = tpu.memref_squeeze %dma_wait3A_205 : memref<1x128xi32, #tpu.memory_space<vmem>> -> memref<128xi32, #tpu.memory_space<vmem>>
          %dma_wait3A_207 = arith.constant 0 : i32
          %dma_wait3A_208 = arith.constant 0 : i32
          %dma_wait3A_209 = tpu.memref_slice %arg13[%dma_wait3A_207, %dma_wait3A_208] : memref<10008x32xf32, #tpu.memory_space<vmem_shared>> -> memref<10008x32xf32, #tpu.memory_space<vmem_shared>>
          tpu.wait_indirect_dma semaphore(%arg22 : memref<!tpu.dma_semaphore, #tpu.memory_space<semaphore_mem>>) src(%arg12 : memref<128x32xf32, #tpu.memory_space<vmem>>) dst(%dma_wait3A_209 : memref<10008x32xf32, #tpu.memory_space<vmem_shared>>)
        } else {
        }
        %add3A_195 = arith.constant 3 : i32
        %add3A_196 = arith.addi %add3A_108, %add3A_195 : i32
        %dma_start3A_197 = arith.constant 0 : i32
        %dma_start3A_198 = tpu.memref_slice %arg7[%add3A_196, %dma_start3A_197] : memref<80x128xi32, #tpu.memory_space<vmem>> -> memref<1x128xi32, #tpu.memory_space<vmem>>
        %dma_start3A_199 = tpu.memref_squeeze %dma_start3A_198 : memref<1x128xi32, #tpu.memory_space<vmem>> -> memref<128xi32, #tpu.memory_space<vmem>>
        %dma_start3A_200 = arith.constant 0 : i32
        %dma_start3A_201 = arith.constant 0 : i32
        %dma_start3A_202 = tpu.memref_slice %arg14[%dma_start3A_200, %dma_start3A_201] : memref<10008x32xf32, #tpu.memory_space<vmem_shared>> -> memref<10008x32xf32, #tpu.memory_space<vmem_shared>>
        tpu.enqueue_indirect_dma source(%dma_start3A_202 : memref<10008x32xf32, #tpu.memory_space<vmem_shared>>) target(%arg12 : memref<128x32xf32, #tpu.memory_space<vmem>>) offsets(%dma_start3A_199 : memref<128xi32, #tpu.memory_space<vmem>>) semaphore(%arg18 : memref<!tpu.dma_semaphore, #tpu.memory_space<semaphore_mem>>)
      } else {
      }
      %add3A_128 = arith.constant 1 : i32
      %add3A_129 = arith.addi %mul3A_106, %add3A_128 : i32
      %dma_wait3A_130 = arith.constant 0 : i32
      %dma_wait3A_131 = tpu.memref_slice %arg7[%add3A_129, %dma_wait3A_130] : memref<80x128xi32, #tpu.memory_space<vmem>> -> memref<1x128xi32, #tpu.memory_space<vmem>>
      %dma_wait3A_132 = tpu.memref_squeeze %dma_wait3A_131 : memref<1x128xi32, #tpu.memory_space<vmem>> -> memref<128xi32, #tpu.memory_space<vmem>>
      %dma_wait3A_133 = arith.constant 0 : i32
      %dma_wait3A_134 = arith.constant 0 : i32
      %dma_wait3A_135 = tpu.memref_slice %arg14[%dma_wait3A_133, %dma_wait3A_134] : memref<10008x32xf32, #tpu.memory_space<vmem_shared>> -> memref<10008x32xf32, #tpu.memory_space<vmem_shared>>
      tpu.wait_indirect_dma semaphore(%arg16 : memref<!tpu.dma_semaphore, #tpu.memory_space<semaphore_mem>>) src(%dma_wait3A_135 : memref<10008x32xf32, #tpu.memory_space<vmem_shared>>) dst(%arg10 : memref<128x32xf32, #tpu.memory_space<vmem>>)
      %dma_start3A_136 = arith.constant 0 : i32
      %dma_start3A_137 = tpu.memref_slice %arg8[%add3A_129, %dma_start3A_136] : memref<80x128xi32, #tpu.memory_space<vmem>> -> memref<1x128xi32, #tpu.memory_space<vmem>>
      %dma_start3A_138 = tpu.memref_squeeze %dma_start3A_137 : memref<1x128xi32, #tpu.memory_space<vmem>> -> memref<128xi32, #tpu.memory_space<vmem>>
      %dma_start3A_139 = arith.constant 0 : i32
      %dma_start3A_140 = arith.constant 0 : i32
      %dma_start3A_141 = tpu.memref_slice %arg13[%dma_start3A_139, %dma_start3A_140] : memref<10008x32xf32, #tpu.memory_space<vmem_shared>> -> memref<10008x32xf32, #tpu.memory_space<vmem_shared>>
      tpu.enqueue_indirect_dma source(%arg10 : memref<128x32xf32, #tpu.memory_space<vmem>>) target(%dma_start3A_141 : memref<10008x32xf32, #tpu.memory_space<vmem_shared>>) offsets(%dma_start3A_138 : memref<128xi32, #tpu.memory_space<vmem>>) semaphore(%arg20 : memref<!tpu.dma_semaphore, #tpu.memory_space<semaphore_mem>>) {add = true}
      %add3A_142 = arith.constant 3 : i32
      %add3A_143 = arith.addi %add3A_129, %add3A_142 : i32
      %lt3A_144 = arith.constant 80 : i32
      %lt3A_145 = arith.cmpi slt, %add3A_143, %lt3A_144 : i32
      %convert_element_type3A_146 = arith.extui %lt3A_145 : i1 to i32
      %cond3A_147 = arith.constant 0 : i32
      %cond3A_148 = arith.cmpi ne, %convert_element_type3A_146, %cond3A_147 : i32
      scf.if %cond3A_148 {
        %gt3A = arith.constant 0 : i32
        %gt3A_191 = arith.cmpi sgt, %add3A_129, %gt3A : i32
        %convert_element_type3A_192 = arith.extui %gt3A_191 : i1 to i32
        %cond3A_193 = arith.constant 0 : i32
        %cond3A_194 = arith.cmpi ne, %convert_element_type3A_192, %cond3A_193 : i32
        scf.if %cond3A_194 {
          %sub3A = arith.constant 1 : i32
          %sub3A_203 = arith.subi %add3A_129, %sub3A : i32
          %dma_wait3A_204 = arith.constant 0 : i32
          %dma_wait3A_205 = tpu.memref_slice %arg8[%sub3A_203, %dma_wait3A_204] : memref<80x128xi32, #tpu.memory_space<vmem>> -> memref<1x128xi32, #tpu.memory_space<vmem>>
          %dma_wait3A_206 = tpu.memref_squeeze %dma_wait3A_205 : memref<1x128xi32, #tpu.memory_space<vmem>> -> memref<128xi32, #tpu.memory_space<vmem>>
          %dma_wait3A_207 = arith.constant 0 : i32
          %dma_wait3A_208 = arith.constant 0 : i32
          %dma_wait3A_209 = tpu.memref_slice %arg13[%dma_wait3A_207, %dma_wait3A_208] : memref<10008x32xf32, #tpu.memory_space<vmem_shared>> -> memref<10008x32xf32, #tpu.memory_space<vmem_shared>>
          tpu.wait_indirect_dma semaphore(%arg19 : memref<!tpu.dma_semaphore, #tpu.memory_space<semaphore_mem>>) src(%arg9 : memref<128x32xf32, #tpu.memory_space<vmem>>) dst(%dma_wait3A_209 : memref<10008x32xf32, #tpu.memory_space<vmem_shared>>)
        } else {
        }
        %add3A_195 = arith.constant 3 : i32
        %add3A_196 = arith.addi %add3A_129, %add3A_195 : i32
        %dma_start3A_197 = arith.constant 0 : i32
        %dma_start3A_198 = tpu.memref_slice %arg7[%add3A_196, %dma_start3A_197] : memref<80x128xi32, #tpu.memory_space<vmem>> -> memref<1x128xi32, #tpu.memory_space<vmem>>
        %dma_start3A_199 = tpu.memref_squeeze %dma_start3A_198 : memref<1x128xi32, #tpu.memory_space<vmem>> -> memref<128xi32, #tpu.memory_space<vmem>>
        %dma_start3A_200 = arith.constant 0 : i32
        %dma_start3A_201 = arith.constant 0 : i32
        %dma_start3A_202 = tpu.memref_slice %arg14[%dma_start3A_200, %dma_start3A_201] : memref<10008x32xf32, #tpu.memory_space<vmem_shared>> -> memref<10008x32xf32, #tpu.memory_space<vmem_shared>>
        tpu.enqueue_indirect_dma source(%dma_start3A_202 : memref<10008x32xf32, #tpu.memory_space<vmem_shared>>) target(%arg9 : memref<128x32xf32, #tpu.memory_space<vmem>>) offsets(%dma_start3A_199 : memref<128xi32, #tpu.memory_space<vmem>>) semaphore(%arg15 : memref<!tpu.dma_semaphore, #tpu.memory_space<semaphore_mem>>)
      } else {
      }
      %add3A_149 = arith.constant 2 : i32
      %add3A_150 = arith.addi %mul3A_106, %add3A_149 : i32
      %dma_wait3A_151 = arith.constant 0 : i32
      %dma_wait3A_152 = tpu.memref_slice %arg7[%add3A_150, %dma_wait3A_151] : memref<80x128xi32, #tpu.memory_space<vmem>> -> memref<1x128xi32, #tpu.memory_space<vmem>>
      %dma_wait3A_153 = tpu.memref_squeeze %dma_wait3A_152 : memref<1x128xi32, #tpu.memory_space<vmem>> -> memref<128xi32, #tpu.memory_space<vmem>>
      %dma_wait3A_154 = arith.constant 0 : i32
      %dma_wait3A_155 = arith.constant 0 : i32
      %dma_wait3A_156 = tpu.memref_slice %arg14[%dma_wait3A_154, %dma_wait3A_155] : memref<10008x32xf32, #tpu.memory_space<vmem_shared>> -> memref<10008x32xf32, #tpu.memory_space<vmem_shared>>
      tpu.wait_indirect_dma semaphore(%arg17 : memref<!tpu.dma_semaphore, #tpu.memory_space<semaphore_mem>>) src(%dma_wait3A_156 : memref<10008x32xf32, #tpu.memory_space<vmem_shared>>) dst(%arg11 : memref<128x32xf32, #tpu.memory_space<vmem>>)
      %dma_start3A_157 = arith.constant 0 : i32
      %dma_start3A_158 = tpu.memref_slice %arg8[%add3A_150, %dma_start3A_157] : memref<80x128xi32, #tpu.memory_space<vmem>> -> memref<1x128xi32, #tpu.memory_space<vmem>>
      %dma_start3A_159 = tpu.memref_squeeze %dma_start3A_158 : memref<1x128xi32, #tpu.memory_space<vmem>> -> memref<128xi32, #tpu.memory_space<vmem>>
      %dma_start3A_160 = arith.constant 0 : i32
      %dma_start3A_161 = arith.constant 0 : i32
      %dma_start3A_162 = tpu.memref_slice %arg13[%dma_start3A_160, %dma_start3A_161] : memref<10008x32xf32, #tpu.memory_space<vmem_shared>> -> memref<10008x32xf32, #tpu.memory_space<vmem_shared>>
      tpu.enqueue_indirect_dma source(%arg11 : memref<128x32xf32, #tpu.memory_space<vmem>>) target(%dma_start3A_162 : memref<10008x32xf32, #tpu.memory_space<vmem_shared>>) offsets(%dma_start3A_159 : memref<128xi32, #tpu.memory_space<vmem>>) semaphore(%arg21 : memref<!tpu.dma_semaphore, #tpu.memory_space<semaphore_mem>>) {add = true}
      %add3A_163 = arith.constant 3 : i32
      %add3A_164 = arith.addi %add3A_150, %add3A_163 : i32
      %lt3A_165 = arith.constant 80 : i32
      %lt3A_166 = arith.cmpi slt, %add3A_164, %lt3A_165 : i32
      %convert_element_type3A_167 = arith.extui %lt3A_166 : i1 to i32
      %cond3A_168 = arith.constant 0 : i32
      %cond3A_169 = arith.cmpi ne, %convert_element_type3A_167, %cond3A_168 : i32
      scf.if %cond3A_169 {
        %gt3A = arith.constant 0 : i32
        %gt3A_191 = arith.cmpi sgt, %add3A_150, %gt3A : i32
        %convert_element_type3A_192 = arith.extui %gt3A_191 : i1 to i32
        %cond3A_193 = arith.constant 0 : i32
        %cond3A_194 = arith.cmpi ne, %convert_element_type3A_192, %cond3A_193 : i32
        scf.if %cond3A_194 {
          %sub3A = arith.constant 1 : i32
          %sub3A_203 = arith.subi %add3A_150, %sub3A : i32
          %dma_wait3A_204 = arith.constant 0 : i32
          %dma_wait3A_205 = tpu.memref_slice %arg8[%sub3A_203, %dma_wait3A_204] : memref<80x128xi32, #tpu.memory_space<vmem>> -> memref<1x128xi32, #tpu.memory_space<vmem>>
          %dma_wait3A_206 = tpu.memref_squeeze %dma_wait3A_205 : memref<1x128xi32, #tpu.memory_space<vmem>> -> memref<128xi32, #tpu.memory_space<vmem>>
          %dma_wait3A_207 = arith.constant 0 : i32
          %dma_wait3A_208 = arith.constant 0 : i32
          %dma_wait3A_209 = tpu.memref_slice %arg13[%dma_wait3A_207, %dma_wait3A_208] : memref<10008x32xf32, #tpu.memory_space<vmem_shared>> -> memref<10008x32xf32, #tpu.memory_space<vmem_shared>>
          tpu.wait_indirect_dma semaphore(%arg20 : memref<!tpu.dma_semaphore, #tpu.memory_space<semaphore_mem>>) src(%arg10 : memref<128x32xf32, #tpu.memory_space<vmem>>) dst(%dma_wait3A_209 : memref<10008x32xf32, #tpu.memory_space<vmem_shared>>)
        } else {
        }
        %add3A_195 = arith.constant 3 : i32
        %add3A_196 = arith.addi %add3A_150, %add3A_195 : i32
        %dma_start3A_197 = arith.constant 0 : i32
        %dma_start3A_198 = tpu.memref_slice %arg7[%add3A_196, %dma_start3A_197] : memref<80x128xi32, #tpu.memory_space<vmem>> -> memref<1x128xi32, #tpu.memory_space<vmem>>
        %dma_start3A_199 = tpu.memref_squeeze %dma_start3A_198 : memref<1x128xi32, #tpu.memory_space<vmem>> -> memref<128xi32, #tpu.memory_space<vmem>>
        %dma_start3A_200 = arith.constant 0 : i32
        %dma_start3A_201 = arith.constant 0 : i32
        %dma_start3A_202 = tpu.memref_slice %arg14[%dma_start3A_200, %dma_start3A_201] : memref<10008x32xf32, #tpu.memory_space<vmem_shared>> -> memref<10008x32xf32, #tpu.memory_space<vmem_shared>>
        tpu.enqueue_indirect_dma source(%dma_start3A_202 : memref<10008x32xf32, #tpu.memory_space<vmem_shared>>) target(%arg10 : memref<128x32xf32, #tpu.memory_space<vmem>>) offsets(%dma_start3A_199 : memref<128xi32, #tpu.memory_space<vmem>>) semaphore(%arg16 : memref<!tpu.dma_semaphore, #tpu.memory_space<semaphore_mem>>)
      } else {
      }
      %add3A_170 = arith.constant 3 : i32
      %add3A_171 = arith.addi %mul3A_106, %add3A_170 : i32
      %dma_wait3A_172 = arith.constant 0 : i32
      %dma_wait3A_173 = tpu.memref_slice %arg7[%add3A_171, %dma_wait3A_172] : memref<80x128xi32, #tpu.memory_space<vmem>> -> memref<1x128xi32, #tpu.memory_space<vmem>>
      %dma_wait3A_174 = tpu.memref_squeeze %dma_wait3A_173 : memref<1x128xi32, #tpu.memory_space<vmem>> -> memref<128xi32, #tpu.memory_space<vmem>>
      %dma_wait3A_175 = arith.constant 0 : i32
      %dma_wait3A_176 = arith.constant 0 : i32
      %dma_wait3A_177 = tpu.memref_slice %arg14[%dma_wait3A_175, %dma_wait3A_176] : memref<10008x32xf32, #tpu.memory_space<vmem_shared>> -> memref<10008x32xf32, #tpu.memory_space<vmem_shared>>
      tpu.wait_indirect_dma semaphore(%arg18 : memref<!tpu.dma_semaphore, #tpu.memory_space<semaphore_mem>>) src(%dma_wait3A_177 : memref<10008x32xf32, #tpu.memory_space<vmem_shared>>) dst(%arg12 : memref<128x32xf32, #tpu.memory_space<vmem>>)
      %dma_start3A_178 = arith.constant 0 : i32
      %dma_start3A_179 = tpu.memref_slice %arg8[%add3A_171, %dma_start3A_178] : memref<80x128xi32, #tpu.memory_space<vmem>> -> memref<1x128xi32, #tpu.memory_space<vmem>>
      %dma_start3A_180 = tpu.memref_squeeze %dma_start3A_179 : memref<1x128xi32, #tpu.memory_space<vmem>> -> memref<128xi32, #tpu.memory_space<vmem>>
      %dma_start3A_181 = arith.constant 0 : i32
      %dma_start3A_182 = arith.constant 0 : i32
      %dma_start3A_183 = tpu.memref_slice %arg13[%dma_start3A_181, %dma_start3A_182] : memref<10008x32xf32, #tpu.memory_space<vmem_shared>> -> memref<10008x32xf32, #tpu.memory_space<vmem_shared>>
      tpu.enqueue_indirect_dma source(%arg12 : memref<128x32xf32, #tpu.memory_space<vmem>>) target(%dma_start3A_183 : memref<10008x32xf32, #tpu.memory_space<vmem_shared>>) offsets(%dma_start3A_180 : memref<128xi32, #tpu.memory_space<vmem>>) semaphore(%arg22 : memref<!tpu.dma_semaphore, #tpu.memory_space<semaphore_mem>>) {add = true}
      %add3A_184 = arith.constant 3 : i32
      %add3A_185 = arith.addi %add3A_171, %add3A_184 : i32
      %lt3A_186 = arith.constant 80 : i32
      %lt3A_187 = arith.cmpi slt, %add3A_185, %lt3A_186 : i32
      %convert_element_type3A_188 = arith.extui %lt3A_187 : i1 to i32
      %cond3A_189 = arith.constant 0 : i32
      %cond3A_190 = arith.cmpi ne, %convert_element_type3A_188, %cond3A_189 : i32
      scf.if %cond3A_190 {
        %gt3A = arith.constant 0 : i32
        %gt3A_191 = arith.cmpi sgt, %add3A_171, %gt3A : i32
        %convert_element_type3A_192 = arith.extui %gt3A_191 : i1 to i32
        %cond3A_193 = arith.constant 0 : i32
        %cond3A_194 = arith.cmpi ne, %convert_element_type3A_192, %cond3A_193 : i32
        scf.if %cond3A_194 {
          %sub3A = arith.constant 1 : i32
          %sub3A_203 = arith.subi %add3A_171, %sub3A : i32
          %dma_wait3A_204 = arith.constant 0 : i32
          %dma_wait3A_205 = tpu.memref_slice %arg8[%sub3A_203, %dma_wait3A_204] : memref<80x128xi32, #tpu.memory_space<vmem>> -> memref<1x128xi32, #tpu.memory_space<vmem>>
          %dma_wait3A_206 = tpu.memref_squeeze %dma_wait3A_205 : memref<1x128xi32, #tpu.memory_space<vmem>> -> memref<128xi32, #tpu.memory_space<vmem>>
          %dma_wait3A_207 = arith.constant 0 : i32
          %dma_wait3A_208 = arith.constant 0 : i32
          %dma_wait3A_209 = tpu.memref_slice %arg13[%dma_wait3A_207, %dma_wait3A_208] : memref<10008x32xf32, #tpu.memory_space<vmem_shared>> -> memref<10008x32xf32, #tpu.memory_space<vmem_shared>>
          tpu.wait_indirect_dma semaphore(%arg21 : memref<!tpu.dma_semaphore, #tpu.memory_space<semaphore_mem>>) src(%arg11 : memref<128x32xf32, #tpu.memory_space<vmem>>) dst(%dma_wait3A_209 : memref<10008x32xf32, #tpu.memory_space<vmem_shared>>)
        } else {
        }
        %add3A_195 = arith.constant 3 : i32
        %add3A_196 = arith.addi %add3A_171, %add3A_195 : i32
        %dma_start3A_197 = arith.constant 0 : i32
        %dma_start3A_198 = tpu.memref_slice %arg7[%add3A_196, %dma_start3A_197] : memref<80x128xi32, #tpu.memory_space<vmem>> -> memref<1x128xi32, #tpu.memory_space<vmem>>
        %dma_start3A_199 = tpu.memref_squeeze %dma_start3A_198 : memref<1x128xi32, #tpu.memory_space<vmem>> -> memref<128xi32, #tpu.memory_space<vmem>>
        %dma_start3A_200 = arith.constant 0 : i32
        %dma_start3A_201 = arith.constant 0 : i32
        %dma_start3A_202 = tpu.memref_slice %arg14[%dma_start3A_200, %dma_start3A_201] : memref<10008x32xf32, #tpu.memory_space<vmem_shared>> -> memref<10008x32xf32, #tpu.memory_space<vmem_shared>>
        tpu.enqueue_indirect_dma source(%dma_start3A_202 : memref<10008x32xf32, #tpu.memory_space<vmem_shared>>) target(%arg11 : memref<128x32xf32, #tpu.memory_space<vmem>>) offsets(%dma_start3A_199 : memref<128xi32, #tpu.memory_space<vmem>>) semaphore(%arg17 : memref<!tpu.dma_semaphore, #tpu.memory_space<semaphore_mem>>)
      } else {
      }
    }
    %scan3A_65 = arith.constant 20 : i32
    %dma_wait3A = arith.constant 76 : i32
    %dma_wait3A_66 = arith.constant 0 : i32
    %dma_wait3A_67 = tpu.memref_slice %arg8[%dma_wait3A, %dma_wait3A_66] : memref<80x128xi32, #tpu.memory_space<vmem>> -> memref<1x128xi32, #tpu.memory_space<vmem>>
    %dma_wait3A_68 = tpu.memref_squeeze %dma_wait3A_67 : memref<1x128xi32, #tpu.memory_space<vmem>> -> memref<128xi32, #tpu.memory_space<vmem>>
    %dma_wait3A_69 = arith.constant 0 : i32
    %dma_wait3A_70 = arith.constant 0 : i32
    %dma_wait3A_71 = tpu.memref_slice %arg13[%dma_wait3A_69, %dma_wait3A_70] : memref<10008x32xf32, #tpu.memory_space<vmem_shared>> -> memref<10008x32xf32, #tpu.memory_space<vmem_shared>>
    tpu.wait_indirect_dma semaphore(%arg19 : memref<!tpu.dma_semaphore, #tpu.memory_space<semaphore_mem>>) src(%arg9 : memref<128x32xf32, #tpu.memory_space<vmem>>) dst(%dma_wait3A_71 : memref<10008x32xf32, #tpu.memory_space<vmem_shared>>)
    %dma_wait3A_72 = arith.constant 77 : i32
    %dma_wait3A_73 = arith.constant 0 : i32
    %dma_wait3A_74 = tpu.memref_slice %arg8[%dma_wait3A_72, %dma_wait3A_73] : memref<80x128xi32, #tpu.memory_space<vmem>> -> memref<1x128xi32, #tpu.memory_space<vmem>>
    %dma_wait3A_75 = tpu.memref_squeeze %dma_wait3A_74 : memref<1x128xi32, #tpu.memory_space<vmem>> -> memref<128xi32, #tpu.memory_space<vmem>>
    %dma_wait3A_76 = arith.constant 0 : i32
    %dma_wait3A_77 = arith.constant 0 : i32
    %dma_wait3A_78 = tpu.memref_slice %arg13[%dma_wait3A_76, %dma_wait3A_77] : memref<10008x32xf32, #tpu.memory_space<vmem_shared>> -> memref<10008x32xf32, #tpu.memory_space<vmem_shared>>
    tpu.wait_indirect_dma semaphore(%arg20 : memref<!tpu.dma_semaphore, #tpu.memory_space<semaphore_mem>>) src(%arg10 : memref<128x32xf32, #tpu.memory_space<vmem>>) dst(%dma_wait3A_78 : memref<10008x32xf32, #tpu.memory_space<vmem_shared>>)
    %dma_wait3A_79 = arith.constant 78 : i32
    %dma_wait3A_80 = arith.constant 0 : i32
    %dma_wait3A_81 = tpu.memref_slice %arg8[%dma_wait3A_79, %dma_wait3A_80] : memref<80x128xi32, #tpu.memory_space<vmem>> -> memref<1x128xi32, #tpu.memory_space<vmem>>
    %dma_wait3A_82 = tpu.memref_squeeze %dma_wait3A_81 : memref<1x128xi32, #tpu.memory_space<vmem>> -> memref<128xi32, #tpu.memory_space<vmem>>
    %dma_wait3A_83 = arith.constant 0 : i32
    %dma_wait3A_84 = arith.constant 0 : i32
    %dma_wait3A_85 = tpu.memref_slice %arg13[%dma_wait3A_83, %dma_wait3A_84] : memref<10008x32xf32, #tpu.memory_space<vmem_shared>> -> memref<10008x32xf32, #tpu.memory_space<vmem_shared>>
    tpu.wait_indirect_dma semaphore(%arg21 : memref<!tpu.dma_semaphore, #tpu.memory_space<semaphore_mem>>) src(%arg11 : memref<128x32xf32, #tpu.memory_space<vmem>>) dst(%dma_wait3A_85 : memref<10008x32xf32, #tpu.memory_space<vmem_shared>>)
    %dma_wait3A_86 = arith.constant 79 : i32
    %dma_wait3A_87 = arith.constant 0 : i32
    %dma_wait3A_88 = tpu.memref_slice %arg8[%dma_wait3A_86, %dma_wait3A_87] : memref<80x128xi32, #tpu.memory_space<vmem>> -> memref<1x128xi32, #tpu.memory_space<vmem>>
    %dma_wait3A_89 = tpu.memref_squeeze %dma_wait3A_88 : memref<1x128xi32, #tpu.memory_space<vmem>> -> memref<128xi32, #tpu.memory_space<vmem>>
    %dma_wait3A_90 = arith.constant 0 : i32
    %dma_wait3A_91 = arith.constant 0 : i32
    %dma_wait3A_92 = tpu.memref_slice %arg13[%dma_wait3A_90, %dma_wait3A_91] : memref<10008x32xf32, #tpu.memory_space<vmem_shared>> -> memref<10008x32xf32, #tpu.memory_space<vmem_shared>>
    tpu.wait_indirect_dma semaphore(%arg22 : memref<!tpu.dma_semaphore, #tpu.memory_space<semaphore_mem>>) src(%arg12 : memref<128x32xf32, #tpu.memory_space<vmem>>) dst(%dma_wait3A_92 : memref<10008x32xf32, #tpu.memory_space<vmem_shared>>)
    %barrier3A_93 = arith.constant 0 : index
    tpu.barrier barrier_id(%barrier3A_93)
    %lt3A_94 = arith.constant 8 : i32
    %lt3A_95 = arith.cmpi slt, %arg1, %lt3A_94 : i32
    %convert_element_type3A_96 = arith.extui %lt3A_95 : i1 to i32
    %cond3A_97 = arith.constant 0 : i32
    %cond3A_98 = arith.cmpi ne, %convert_element_type3A_96, %cond3A_97 : i32
    scf.if %cond3A_98 {
      %mul3A_104 = arith.constant 1248 : i32
      %mul3A_105 = arith.muli %arg1, %mul3A_104 : i32
      %mul3A_106 = arith.constant 1248 : i32
      %mul3A_107 = arith.muli %arg1, %mul3A_106 : i32
      "tpu.region"() ({
        %run_scoped3A = tpu.sem_alloc : memref<!tpu.dma_semaphore, #tpu.memory_space<semaphore_mem>>
        %dma_start3A_108 = arith.constant 0 : i32
        %dma_start3A_109 = tpu.memref_slice %arg6[%arg0, %mul3A_107, %dma_start3A_108] : memref<2x10008x32xf32, #tpu.memory_space<hbm>> -> memref<1x1248x32xf32, #tpu.memory_space<hbm>>
        %dma_start3A_110 = tpu.memref_squeeze %dma_start3A_109 : memref<1x1248x32xf32, #tpu.memory_space<hbm>> -> memref<1248x32xf32, #tpu.memory_space<hbm>>
        %dma_start3A_111 = arith.constant 0 : i32
        %dma_start3A_112 = tpu.memref_slice %arg13[%mul3A_105, %dma_start3A_111] : memref<10008x32xf32, #tpu.memory_space<vmem_shared>> -> memref<1248x32xf32, #tpu.memory_space<vmem_shared>>
        tpu.enqueue_dma source(%dma_start3A_112 : memref<1248x32xf32, #tpu.memory_space<vmem_shared>>) target(%dma_start3A_110 : memref<1248x32xf32, #tpu.memory_space<hbm>>) target_semaphore(%run_scoped3A : memref<!tpu.dma_semaphore, #tpu.memory_space<semaphore_mem>>)
        %dma_wait3A_113 = arith.constant 0 : i32
        %dma_wait3A_114 = tpu.memref_slice %arg6[%arg0, %mul3A_107, %dma_wait3A_113] : memref<2x10008x32xf32, #tpu.memory_space<hbm>> -> memref<1x1248x32xf32, #tpu.memory_space<hbm>>
        %dma_wait3A_115 = tpu.memref_squeeze %dma_wait3A_114 : memref<1x1248x32xf32, #tpu.memory_space<hbm>> -> memref<1248x32xf32, #tpu.memory_space<hbm>>
        %dma_wait3A_116 = arith.constant 0 : i32
        %dma_wait3A_117 = tpu.memref_slice %arg13[%mul3A_105, %dma_wait3A_116] : memref<10008x32xf32, #tpu.memory_space<vmem_shared>> -> memref<1248x32xf32, #tpu.memory_space<vmem_shared>>
        tpu.wait_dma2 semaphore(%run_scoped3A : memref<!tpu.dma_semaphore, #tpu.memory_space<semaphore_mem>>) src(%dma_wait3A_117 : memref<1248x32xf32, #tpu.memory_space<vmem_shared>>) dst(%dma_wait3A_115 : memref<1248x32xf32, #tpu.memory_space<hbm>>)
        tpu.yield
      }) : () -> ()
    } else {
    }
    %eq3A_99 = arith.constant 8 : i32
    %eq3A_100 = arith.cmpi eq, %arg1, %eq3A_99 : i32
    %convert_element_type3A_101 = arith.extui %eq3A_100 : i1 to i32
    %cond3A_102 = arith.constant 0 : i32
    %cond3A_103 = arith.cmpi ne, %convert_element_type3A_101, %cond3A_102 : i32
    scf.if %cond3A_103 {
      "tpu.region"() ({
        %run_scoped3A = tpu.sem_alloc : memref<!tpu.dma_semaphore, #tpu.memory_space<semaphore_mem>>
        %dma_start3A_104 = arith.constant 9984 : i32
        %dma_start3A_105 = arith.constant 0 : i32
        %dma_start3A_106 = tpu.memref_slice %arg6[%arg0, %dma_start3A_104, %dma_start3A_105] : memref<2x10008x32xf32, #tpu.memory_space<hbm>> -> memref<1x24x32xf32, #tpu.memory_space<hbm>>
        %dma_start3A_107 = tpu.memref_squeeze %dma_start3A_106 : memref<1x24x32xf32, #tpu.memory_space<hbm>> -> memref<24x32xf32, #tpu.memory_space<hbm>>
        %dma_start3A_108 = arith.constant 9984 : i32
        %dma_start3A_109 = arith.constant 0 : i32
        %dma_start3A_110 = tpu.memref_slice %arg13[%dma_start3A_108, %dma_start3A_109] : memref<10008x32xf32, #tpu.memory_space<vmem_shared>> -> memref<24x32xf32, #tpu.memory_space<vmem_shared>>
        tpu.enqueue_dma source(%dma_start3A_110 : memref<24x32xf32, #tpu.memory_space<vmem_shared>>) target(%dma_start3A_107 : memref<24x32xf32, #tpu.memory_space<hbm>>) target_semaphore(%run_scoped3A : memref<!tpu.dma_semaphore, #tpu.memory_space<semaphore_mem>>)
        %dma_wait3A_111 = arith.constant 9984 : i32
        %dma_wait3A_112 = arith.constant 0 : i32
        %dma_wait3A_113 = tpu.memref_slice %arg6[%arg0, %dma_wait3A_111, %dma_wait3A_112] : memref<2x10008x32xf32, #tpu.memory_space<hbm>> -> memref<1x24x32xf32, #tpu.memory_space<hbm>>
        %dma_wait3A_114 = tpu.memref_squeeze %dma_wait3A_113 : memref<1x24x32xf32, #tpu.memory_space<hbm>> -> memref<24x32xf32, #tpu.memory_space<hbm>>
        %dma_wait3A_115 = arith.constant 9984 : i32
        %dma_wait3A_116 = arith.constant 0 : i32
        %dma_wait3A_117 = tpu.memref_slice %arg13[%dma_wait3A_115, %dma_wait3A_116] : memref<10008x32xf32, #tpu.memory_space<vmem_shared>> -> memref<24x32xf32, #tpu.memory_space<vmem_shared>>
        tpu.wait_dma2 semaphore(%run_scoped3A : memref<!tpu.dma_semaphore, #tpu.memory_space<semaphore_mem>>) src(%dma_wait3A_117 : memref<24x32xf32, #tpu.memory_space<vmem_shared>>) dst(%dma_wait3A_114 : memref<24x32xf32, #tpu.memory_space<hbm>>)
        tpu.yield
      }) : () -> ()
    } else {
    }
    return
  }
}

#map = affine_map<(d0, d1) -> (0, 0)>
#map1 = affine_map<(d0, d1) -> (0)>
module attributes {stable_mosaic.version = 14 : i64} {
  func.func @_sc_degree(%arg0: i32, %arg1: i32, %arg2: memref<2560x128xi32, #tpu.memory_space<hbm>>, %arg3: memref<128xf32, #tpu.memory_space<hbm>>, %arg4: memref<10008xf32, #tpu.memory_space<hbm>>, %arg5: memref<2x10008xf32, #tpu.memory_space<hbm>>, %arg6: memref<80x128xi32, #tpu.memory_space<vmem>>, %arg7: memref<128xf32, #tpu.memory_space<vmem>>, %arg8: memref<10008xf32, #tpu.memory_space<vmem_shared>>, %arg9: memref<!tpu.dma_semaphore, #tpu.memory_space<semaphore_mem>>, %arg10: memref<!tpu.dma_semaphore, #tpu.memory_space<semaphore_mem>>, %arg11: memref<!tpu.dma_semaphore, #tpu.memory_space<semaphore_mem>>, %arg12: memref<!tpu.dma_semaphore, #tpu.memory_space<semaphore_mem>>) attributes {dimension_semantics = [#tpu.dimension_semantics<core_parallel>, #tpu.dimension_semantics<subcore_parallel>], iteration_bounds = array<i64: 2, 16>, scalar_prefetch = 0 : i64, scratch_operands = 7 : i64, tpu.core_type = #tpu.core_type<sc_vector_subcore>, window_params = [{transform_indices = #map}, {transform_indices = #map1}, {transform_indices = #map1}, {transform_indices = #map}]} {
    %mul3A = arith.constant 16 : i32
    %mul3A_0 = arith.muli %arg0, %mul3A : i32
    %add3A = arith.addi %mul3A_0, %arg1 : i32
    "tpu.region"() ({
      %run_scoped3A = tpu.sem_alloc : memref<!tpu.dma_semaphore, #tpu.memory_space<semaphore_mem>>
      tpu.enqueue_dma source(%arg3 : memref<128xf32, #tpu.memory_space<hbm>>) target(%arg7 : memref<128xf32, #tpu.memory_space<vmem>>) target_semaphore(%run_scoped3A : memref<!tpu.dma_semaphore, #tpu.memory_space<semaphore_mem>>)
      tpu.wait_dma2 semaphore(%run_scoped3A : memref<!tpu.dma_semaphore, #tpu.memory_space<semaphore_mem>>) src(%arg3 : memref<128xf32, #tpu.memory_space<hbm>>) dst(%arg7 : memref<128xf32, #tpu.memory_space<vmem>>)
      tpu.yield
    }) : () -> ()
    %mul3A_1 = arith.constant 80 : i32
    %mul3A_2 = arith.muli %add3A, %mul3A_1 : i32
    "tpu.region"() ({
      %run_scoped3A = tpu.sem_alloc : memref<!tpu.dma_semaphore, #tpu.memory_space<semaphore_mem>>
      %dma_start3A_39 = arith.constant 0 : i32
      %dma_start3A_40 = tpu.memref_slice %arg2[%mul3A_2, %dma_start3A_39] : memref<2560x128xi32, #tpu.memory_space<hbm>> -> memref<80x128xi32, #tpu.memory_space<hbm>>
      %dma_start3A_41 = arith.constant 0 : i32
      %dma_start3A_42 = tpu.memref_slice %arg2[%mul3A_2, %dma_start3A_41] : memref<2560x128xi32, #tpu.memory_space<hbm>> -> memref<80x128xi32, #tpu.memory_space<hbm>>
      tpu.enqueue_dma source(%dma_start3A_42 : memref<80x128xi32, #tpu.memory_space<hbm>>) target(%arg6 : memref<80x128xi32, #tpu.memory_space<vmem>>) target_semaphore(%run_scoped3A : memref<!tpu.dma_semaphore, #tpu.memory_space<semaphore_mem>>)
      %dma_wait3A = arith.constant 0 : i32
      %dma_wait3A_43 = tpu.memref_slice %arg2[%mul3A_2, %dma_wait3A] : memref<2560x128xi32, #tpu.memory_space<hbm>> -> memref<80x128xi32, #tpu.memory_space<hbm>>
      %dma_wait3A_44 = arith.constant 0 : i32
      %dma_wait3A_45 = tpu.memref_slice %arg2[%mul3A_2, %dma_wait3A_44] : memref<2560x128xi32, #tpu.memory_space<hbm>> -> memref<80x128xi32, #tpu.memory_space<hbm>>
      tpu.wait_dma2 semaphore(%run_scoped3A : memref<!tpu.dma_semaphore, #tpu.memory_space<semaphore_mem>>) src(%dma_wait3A_45 : memref<80x128xi32, #tpu.memory_space<hbm>>) dst(%arg6 : memref<80x128xi32, #tpu.memory_space<vmem>>)
      tpu.yield
    }) : () -> ()
    %eq3A = arith.constant 0 : i32
    %eq3A_3 = arith.cmpi eq, %arg1, %eq3A : i32
    %convert_element_type3A = arith.extui %eq3A_3 : i1 to i32
    %cond3A = arith.constant 0 : i32
    %cond3A_4 = arith.cmpi ne, %convert_element_type3A, %cond3A : i32
    scf.if %cond3A_4 {
      "tpu.region"() ({
        %run_scoped3A = tpu.sem_alloc : memref<!tpu.dma_semaphore, #tpu.memory_space<semaphore_mem>>
        tpu.enqueue_dma source(%arg4 : memref<10008xf32, #tpu.memory_space<hbm>>) target(%arg8 : memref<10008xf32, #tpu.memory_space<vmem_shared>>) target_semaphore(%run_scoped3A : memref<!tpu.dma_semaphore, #tpu.memory_space<semaphore_mem>>)
        tpu.wait_dma2 semaphore(%run_scoped3A : memref<!tpu.dma_semaphore, #tpu.memory_space<semaphore_mem>>) src(%arg4 : memref<10008xf32, #tpu.memory_space<hbm>>) dst(%arg8 : memref<10008xf32, #tpu.memory_space<vmem_shared>>)
        tpu.yield
      }) : () -> ()
    } else {
    }
    %barrier3A = arith.constant 0 : index
    tpu.barrier barrier_id(%barrier3A)
    %dma_start3A = arith.constant 0 : i32
    %dma_start3A_5 = arith.constant 0 : i32
    %dma_start3A_6 = tpu.memref_slice %arg6[%dma_start3A, %dma_start3A_5] : memref<80x128xi32, #tpu.memory_space<vmem>> -> memref<1x128xi32, #tpu.memory_space<vmem>>
    %dma_start3A_7 = tpu.memref_squeeze %dma_start3A_6 : memref<1x128xi32, #tpu.memory_space<vmem>> -> memref<128xi32, #tpu.memory_space<vmem>>
    %dma_start3A_8 = arith.constant 0 : i32
    %dma_start3A_9 = tpu.memref_slice %arg8[%dma_start3A_8] : memref<10008xf32, #tpu.memory_space<vmem_shared>> -> memref<10008xf32, #tpu.memory_space<vmem_shared>>
    tpu.enqueue_indirect_dma source(%arg7 : memref<128xf32, #tpu.memory_space<vmem>>) target(%dma_start3A_9 : memref<10008xf32, #tpu.memory_space<vmem_shared>>) offsets(%dma_start3A_7 : memref<128xi32, #tpu.memory_space<vmem>>) semaphore(%arg9 : memref<!tpu.dma_semaphore, #tpu.memory_space<semaphore_mem>>) {add = true}
    %dma_start3A_10 = arith.constant 1 : i32
    %dma_start3A_11 = arith.constant 0 : i32
    %dma_start3A_12 = tpu.memref_slice %arg6[%dma_start3A_10, %dma_start3A_11] : memref<80x128xi32, #tpu.memory_space<vmem>> -> memref<1x128xi32, #tpu.memory_space<vmem>>
    %dma_start3A_13 = tpu.memref_squeeze %dma_start3A_12 : memref<1x128xi32, #tpu.memory_space<vmem>> -> memref<128xi32, #tpu.memory_space<vmem>>
    %dma_start3A_14 = arith.constant 0 : i32
    %dma_start3A_15 = tpu.memref_slice %arg8[%dma_start3A_14] : memref<10008xf32, #tpu.memory_space<vmem_shared>> -> memref<10008xf32, #tpu.memory_space<vmem_shared>>
    tpu.enqueue_indirect_dma source(%arg7 : memref<128xf32, #tpu.memory_space<vmem>>) target(%dma_start3A_15 : memref<10008xf32, #tpu.memory_space<vmem_shared>>) offsets(%dma_start3A_13 : memref<128xi32, #tpu.memory_space<vmem>>) semaphore(%arg10 : memref<!tpu.dma_semaphore, #tpu.memory_space<semaphore_mem>>) {add = true}
    %dma_start3A_16 = arith.constant 2 : i32
    %dma_start3A_17 = arith.constant 0 : i32
    %dma_start3A_18 = tpu.memref_slice %arg6[%dma_start3A_16, %dma_start3A_17] : memref<80x128xi32, #tpu.memory_space<vmem>> -> memref<1x128xi32, #tpu.memory_space<vmem>>
    %dma_start3A_19 = tpu.memref_squeeze %dma_start3A_18 : memref<1x128xi32, #tpu.memory_space<vmem>> -> memref<128xi32, #tpu.memory_space<vmem>>
    %dma_start3A_20 = arith.constant 0 : i32
    %dma_start3A_21 = tpu.memref_slice %arg8[%dma_start3A_20] : memref<10008xf32, #tpu.memory_space<vmem_shared>> -> memref<10008xf32, #tpu.memory_space<vmem_shared>>
    tpu.enqueue_indirect_dma source(%arg7 : memref<128xf32, #tpu.memory_space<vmem>>) target(%dma_start3A_21 : memref<10008xf32, #tpu.memory_space<vmem_shared>>) offsets(%dma_start3A_19 : memref<128xi32, #tpu.memory_space<vmem>>) semaphore(%arg11 : memref<!tpu.dma_semaphore, #tpu.memory_space<semaphore_mem>>) {add = true}
    %dma_start3A_22 = arith.constant 3 : i32
    %dma_start3A_23 = arith.constant 0 : i32
    %dma_start3A_24 = tpu.memref_slice %arg6[%dma_start3A_22, %dma_start3A_23] : memref<80x128xi32, #tpu.memory_space<vmem>> -> memref<1x128xi32, #tpu.memory_space<vmem>>
    %dma_start3A_25 = tpu.memref_squeeze %dma_start3A_24 : memref<1x128xi32, #tpu.memory_space<vmem>> -> memref<128xi32, #tpu.memory_space<vmem>>
    %dma_start3A_26 = arith.constant 0 : i32
    %dma_start3A_27 = tpu.memref_slice %arg8[%dma_start3A_26] : memref<10008xf32, #tpu.memory_space<vmem_shared>> -> memref<10008xf32, #tpu.memory_space<vmem_shared>>
    tpu.enqueue_indirect_dma source(%arg7 : memref<128xf32, #tpu.memory_space<vmem>>) target(%dma_start3A_27 : memref<10008xf32, #tpu.memory_space<vmem_shared>>) offsets(%dma_start3A_25 : memref<128xi32, #tpu.memory_space<vmem>>) semaphore(%arg12 : memref<!tpu.dma_semaphore, #tpu.memory_space<semaphore_mem>>) {add = true}
    %scan3A = arith.constant 0 : i32
    %scan3A_28 = arith.constant 0 : i32
    %scan3A_29 = arith.constant 20 : i32
    %scan3A_30 = arith.addi %scan3A_28, %scan3A_29 : i32
    %scan3A_31 = arith.constant 1 : i32
    scf.for %scan3A_39 = %scan3A_28 to %scan3A_30 step %scan3A_31  : i32 {
      %mul3A_40 = arith.constant 4 : i32
      %mul3A_41 = arith.muli %mul3A_40, %scan3A_39 : i32
      %add3A_42 = arith.constant 0 : i32
      %add3A_43 = arith.addi %mul3A_41, %add3A_42 : i32
      %dma_wait3A = arith.constant 0 : i32
      %dma_wait3A_44 = tpu.memref_slice %arg6[%add3A_43, %dma_wait3A] : memref<80x128xi32, #tpu.memory_space<vmem>> -> memref<1x128xi32, #tpu.memory_space<vmem>>
      %dma_wait3A_45 = tpu.memref_squeeze %dma_wait3A_44 : memref<1x128xi32, #tpu.memory_space<vmem>> -> memref<128xi32, #tpu.memory_space<vmem>>
      %dma_wait3A_46 = arith.constant 0 : i32
      %dma_wait3A_47 = tpu.memref_slice %arg8[%dma_wait3A_46] : memref<10008xf32, #tpu.memory_space<vmem_shared>> -> memref<10008xf32, #tpu.memory_space<vmem_shared>>
      tpu.wait_indirect_dma semaphore(%arg9 : memref<!tpu.dma_semaphore, #tpu.memory_space<semaphore_mem>>) src(%arg7 : memref<128xf32, #tpu.memory_space<vmem>>) dst(%dma_wait3A_47 : memref<10008xf32, #tpu.memory_space<vmem_shared>>)
      %add3A_48 = arith.constant 4 : i32
      %add3A_49 = arith.addi %add3A_43, %add3A_48 : i32
      %lt3A = arith.constant 80 : i32
      %lt3A_50 = arith.cmpi slt, %add3A_49, %lt3A : i32
      %convert_element_type3A_51 = arith.extui %lt3A_50 : i1 to i32
      %cond3A_52 = arith.constant 0 : i32
      %cond3A_53 = arith.cmpi ne, %convert_element_type3A_51, %cond3A_52 : i32
      scf.if %cond3A_53 {
        %add3A_96 = arith.constant 4 : i32
        %add3A_97 = arith.addi %add3A_43, %add3A_96 : i32
        %dma_start3A_98 = arith.constant 0 : i32
        %dma_start3A_99 = tpu.memref_slice %arg6[%add3A_97, %dma_start3A_98] : memref<80x128xi32, #tpu.memory_space<vmem>> -> memref<1x128xi32, #tpu.memory_space<vmem>>
        %dma_start3A_100 = tpu.memref_squeeze %dma_start3A_99 : memref<1x128xi32, #tpu.memory_space<vmem>> -> memref<128xi32, #tpu.memory_space<vmem>>
        %dma_start3A_101 = arith.constant 0 : i32
        %dma_start3A_102 = tpu.memref_slice %arg8[%dma_start3A_101] : memref<10008xf32, #tpu.memory_space<vmem_shared>> -> memref<10008xf32, #tpu.memory_space<vmem_shared>>
        tpu.enqueue_indirect_dma source(%arg7 : memref<128xf32, #tpu.memory_space<vmem>>) target(%dma_start3A_102 : memref<10008xf32, #tpu.memory_space<vmem_shared>>) offsets(%dma_start3A_100 : memref<128xi32, #tpu.memory_space<vmem>>) semaphore(%arg9 : memref<!tpu.dma_semaphore, #tpu.memory_space<semaphore_mem>>) {add = true}
      } else {
      }
      %add3A_54 = arith.constant 1 : i32
      %add3A_55 = arith.addi %mul3A_41, %add3A_54 : i32
      %dma_wait3A_56 = arith.constant 0 : i32
      %dma_wait3A_57 = tpu.memref_slice %arg6[%add3A_55, %dma_wait3A_56] : memref<80x128xi32, #tpu.memory_space<vmem>> -> memref<1x128xi32, #tpu.memory_space<vmem>>
      %dma_wait3A_58 = tpu.memref_squeeze %dma_wait3A_57 : memref<1x128xi32, #tpu.memory_space<vmem>> -> memref<128xi32, #tpu.memory_space<vmem>>
      %dma_wait3A_59 = arith.constant 0 : i32
      %dma_wait3A_60 = tpu.memref_slice %arg8[%dma_wait3A_59] : memref<10008xf32, #tpu.memory_space<vmem_shared>> -> memref<10008xf32, #tpu.memory_space<vmem_shared>>
      tpu.wait_indirect_dma semaphore(%arg10 : memref<!tpu.dma_semaphore, #tpu.memory_space<semaphore_mem>>) src(%arg7 : memref<128xf32, #tpu.memory_space<vmem>>) dst(%dma_wait3A_60 : memref<10008xf32, #tpu.memory_space<vmem_shared>>)
      %add3A_61 = arith.constant 4 : i32
      %add3A_62 = arith.addi %add3A_55, %add3A_61 : i32
      %lt3A_63 = arith.constant 80 : i32
      %lt3A_64 = arith.cmpi slt, %add3A_62, %lt3A_63 : i32
      %convert_element_type3A_65 = arith.extui %lt3A_64 : i1 to i32
      %cond3A_66 = arith.constant 0 : i32
      %cond3A_67 = arith.cmpi ne, %convert_element_type3A_65, %cond3A_66 : i32
      scf.if %cond3A_67 {
        %add3A_96 = arith.constant 4 : i32
        %add3A_97 = arith.addi %add3A_55, %add3A_96 : i32
        %dma_start3A_98 = arith.constant 0 : i32
        %dma_start3A_99 = tpu.memref_slice %arg6[%add3A_97, %dma_start3A_98] : memref<80x128xi32, #tpu.memory_space<vmem>> -> memref<1x128xi32, #tpu.memory_space<vmem>>
        %dma_start3A_100 = tpu.memref_squeeze %dma_start3A_99 : memref<1x128xi32, #tpu.memory_space<vmem>> -> memref<128xi32, #tpu.memory_space<vmem>>
        %dma_start3A_101 = arith.constant 0 : i32
        %dma_start3A_102 = tpu.memref_slice %arg8[%dma_start3A_101] : memref<10008xf32, #tpu.memory_space<vmem_shared>> -> memref<10008xf32, #tpu.memory_space<vmem_shared>>
        tpu.enqueue_indirect_dma source(%arg7 : memref<128xf32, #tpu.memory_space<vmem>>) target(%dma_start3A_102 : memref<10008xf32, #tpu.memory_space<vmem_shared>>) offsets(%dma_start3A_100 : memref<128xi32, #tpu.memory_space<vmem>>) semaphore(%arg10 : memref<!tpu.dma_semaphore, #tpu.memory_space<semaphore_mem>>) {add = true}
      } else {
      }
      %add3A_68 = arith.constant 2 : i32
      %add3A_69 = arith.addi %mul3A_41, %add3A_68 : i32
      %dma_wait3A_70 = arith.constant 0 : i32
      %dma_wait3A_71 = tpu.memref_slice %arg6[%add3A_69, %dma_wait3A_70] : memref<80x128xi32, #tpu.memory_space<vmem>> -> memref<1x128xi32, #tpu.memory_space<vmem>>
      %dma_wait3A_72 = tpu.memref_squeeze %dma_wait3A_71 : memref<1x128xi32, #tpu.memory_space<vmem>> -> memref<128xi32, #tpu.memory_space<vmem>>
      %dma_wait3A_73 = arith.constant 0 : i32
      %dma_wait3A_74 = tpu.memref_slice %arg8[%dma_wait3A_73] : memref<10008xf32, #tpu.memory_space<vmem_shared>> -> memref<10008xf32, #tpu.memory_space<vmem_shared>>
      tpu.wait_indirect_dma semaphore(%arg11 : memref<!tpu.dma_semaphore, #tpu.memory_space<semaphore_mem>>) src(%arg7 : memref<128xf32, #tpu.memory_space<vmem>>) dst(%dma_wait3A_74 : memref<10008xf32, #tpu.memory_space<vmem_shared>>)
      %add3A_75 = arith.constant 4 : i32
      %add3A_76 = arith.addi %add3A_69, %add3A_75 : i32
      %lt3A_77 = arith.constant 80 : i32
      %lt3A_78 = arith.cmpi slt, %add3A_76, %lt3A_77 : i32
      %convert_element_type3A_79 = arith.extui %lt3A_78 : i1 to i32
      %cond3A_80 = arith.constant 0 : i32
      %cond3A_81 = arith.cmpi ne, %convert_element_type3A_79, %cond3A_80 : i32
      scf.if %cond3A_81 {
        %add3A_96 = arith.constant 4 : i32
        %add3A_97 = arith.addi %add3A_69, %add3A_96 : i32
        %dma_start3A_98 = arith.constant 0 : i32
        %dma_start3A_99 = tpu.memref_slice %arg6[%add3A_97, %dma_start3A_98] : memref<80x128xi32, #tpu.memory_space<vmem>> -> memref<1x128xi32, #tpu.memory_space<vmem>>
        %dma_start3A_100 = tpu.memref_squeeze %dma_start3A_99 : memref<1x128xi32, #tpu.memory_space<vmem>> -> memref<128xi32, #tpu.memory_space<vmem>>
        %dma_start3A_101 = arith.constant 0 : i32
        %dma_start3A_102 = tpu.memref_slice %arg8[%dma_start3A_101] : memref<10008xf32, #tpu.memory_space<vmem_shared>> -> memref<10008xf32, #tpu.memory_space<vmem_shared>>
        tpu.enqueue_indirect_dma source(%arg7 : memref<128xf32, #tpu.memory_space<vmem>>) target(%dma_start3A_102 : memref<10008xf32, #tpu.memory_space<vmem_shared>>) offsets(%dma_start3A_100 : memref<128xi32, #tpu.memory_space<vmem>>) semaphore(%arg11 : memref<!tpu.dma_semaphore, #tpu.memory_space<semaphore_mem>>) {add = true}
      } else {
      }
      %add3A_82 = arith.constant 3 : i32
      %add3A_83 = arith.addi %mul3A_41, %add3A_82 : i32
      %dma_wait3A_84 = arith.constant 0 : i32
      %dma_wait3A_85 = tpu.memref_slice %arg6[%add3A_83, %dma_wait3A_84] : memref<80x128xi32, #tpu.memory_space<vmem>> -> memref<1x128xi32, #tpu.memory_space<vmem>>
      %dma_wait3A_86 = tpu.memref_squeeze %dma_wait3A_85 : memref<1x128xi32, #tpu.memory_space<vmem>> -> memref<128xi32, #tpu.memory_space<vmem>>
      %dma_wait3A_87 = arith.constant 0 : i32
      %dma_wait3A_88 = tpu.memref_slice %arg8[%dma_wait3A_87] : memref<10008xf32, #tpu.memory_space<vmem_shared>> -> memref<10008xf32, #tpu.memory_space<vmem_shared>>
      tpu.wait_indirect_dma semaphore(%arg12 : memref<!tpu.dma_semaphore, #tpu.memory_space<semaphore_mem>>) src(%arg7 : memref<128xf32, #tpu.memory_space<vmem>>) dst(%dma_wait3A_88 : memref<10008xf32, #tpu.memory_space<vmem_shared>>)
      %add3A_89 = arith.constant 4 : i32
      %add3A_90 = arith.addi %add3A_83, %add3A_89 : i32
      %lt3A_91 = arith.constant 80 : i32
      %lt3A_92 = arith.cmpi slt, %add3A_90, %lt3A_91 : i32
      %convert_element_type3A_93 = arith.extui %lt3A_92 : i1 to i32
      %cond3A_94 = arith.constant 0 : i32
      %cond3A_95 = arith.cmpi ne, %convert_element_type3A_93, %cond3A_94 : i32
      scf.if %cond3A_95 {
        %add3A_96 = arith.constant 4 : i32
        %add3A_97 = arith.addi %add3A_83, %add3A_96 : i32
        %dma_start3A_98 = arith.constant 0 : i32
        %dma_start3A_99 = tpu.memref_slice %arg6[%add3A_97, %dma_start3A_98] : memref<80x128xi32, #tpu.memory_space<vmem>> -> memref<1x128xi32, #tpu.memory_space<vmem>>
        %dma_start3A_100 = tpu.memref_squeeze %dma_start3A_99 : memref<1x128xi32, #tpu.memory_space<vmem>> -> memref<128xi32, #tpu.memory_space<vmem>>
        %dma_start3A_101 = arith.constant 0 : i32
        %dma_start3A_102 = tpu.memref_slice %arg8[%dma_start3A_101] : memref<10008xf32, #tpu.memory_space<vmem_shared>> -> memref<10008xf32, #tpu.memory_space<vmem_shared>>
        tpu.enqueue_indirect_dma source(%arg7 : memref<128xf32, #tpu.memory_space<vmem>>) target(%dma_start3A_102 : memref<10008xf32, #tpu.memory_space<vmem_shared>>) offsets(%dma_start3A_100 : memref<128xi32, #tpu.memory_space<vmem>>) semaphore(%arg12 : memref<!tpu.dma_semaphore, #tpu.memory_space<semaphore_mem>>) {add = true}
      } else {
      }
    }
    %scan3A_32 = arith.constant 20 : i32
    %barrier3A_33 = arith.constant 0 : index
    tpu.barrier barrier_id(%barrier3A_33)
    %eq3A_34 = arith.constant 0 : i32
    %eq3A_35 = arith.cmpi eq, %arg1, %eq3A_34 : i32
    %convert_element_type3A_36 = arith.extui %eq3A_35 : i1 to i32
    %cond3A_37 = arith.constant 0 : i32
    %cond3A_38 = arith.cmpi ne, %convert_element_type3A_36, %cond3A_37 : i32
    scf.if %cond3A_38 {
      "tpu.region"() ({
        %run_scoped3A = tpu.sem_alloc : memref<!tpu.dma_semaphore, #tpu.memory_space<semaphore_mem>>
        %dma_start3A_39 = arith.constant 0 : i32
        %dma_start3A_40 = tpu.memref_slice %arg5[%arg0, %dma_start3A_39] : memref<2x10008xf32, #tpu.memory_space<hbm>> -> memref<1x10008xf32, #tpu.memory_space<hbm>>
        %dma_start3A_41 = tpu.memref_squeeze %dma_start3A_40 : memref<1x10008xf32, #tpu.memory_space<hbm>> -> memref<10008xf32, #tpu.memory_space<hbm>>
        tpu.enqueue_dma source(%arg8 : memref<10008xf32, #tpu.memory_space<vmem_shared>>) target(%dma_start3A_41 : memref<10008xf32, #tpu.memory_space<hbm>>) target_semaphore(%run_scoped3A : memref<!tpu.dma_semaphore, #tpu.memory_space<semaphore_mem>>)
        %dma_wait3A = arith.constant 0 : i32
        %dma_wait3A_42 = tpu.memref_slice %arg5[%arg0, %dma_wait3A] : memref<2x10008xf32, #tpu.memory_space<hbm>> -> memref<1x10008xf32, #tpu.memory_space<hbm>>
        %dma_wait3A_43 = tpu.memref_squeeze %dma_wait3A_42 : memref<1x10008xf32, #tpu.memory_space<hbm>> -> memref<10008xf32, #tpu.memory_space<hbm>>
        tpu.wait_dma2 semaphore(%run_scoped3A : memref<!tpu.dma_semaphore, #tpu.memory_space<semaphore_mem>>) src(%arg8 : memref<10008xf32, #tpu.memory_space<vmem_shared>>) dst(%dma_wait3A_43 : memref<10008xf32, #tpu.memory_space<hbm>>)
        tpu.yield
      }) : () -> ()
    } else {
    }
    return
  }
}

#map = affine_map<(d0, d1) -> (0, 0)>
#map1 = affine_map<(d0, d1) -> (0, 0, 0)>
module attributes {stable_mosaic.version = 14 : i64} {
  func.func @_sc_agg(%arg0: i32, %arg1: i32, %arg2: memref<10008x32xf32, #tpu.memory_space<hbm>>, %arg3: memref<2560x128xi32, #tpu.memory_space<hbm>>, %arg4: memref<2560x128xi32, #tpu.memory_space<hbm>>, %arg5: memref<10008x32xf32, #tpu.memory_space<hbm>>, %arg6: memref<2x10008x32xf32, #tpu.memory_space<hbm>>, %arg7: memref<80x128xi32, #tpu.memory_space<vmem>>, %arg8: memref<80x128xi32, #tpu.memory_space<vmem>>, %arg9: memref<128x32xf32, #tpu.memory_space<vmem>>, %arg10: memref<128x32xf32, #tpu.memory_space<vmem>>, %arg11: memref<128x32xf32, #tpu.memory_space<vmem>>, %arg12: memref<128x32xf32, #tpu.memory_space<vmem>>, %arg13: memref<10008x32xf32, #tpu.memory_space<vmem_shared>>, %arg14: memref<10008x32xf32, #tpu.memory_space<vmem_shared>>, %arg15: memref<!tpu.dma_semaphore, #tpu.memory_space<semaphore_mem>>, %arg16: memref<!tpu.dma_semaphore, #tpu.memory_space<semaphore_mem>>, %arg17: memref<!tpu.dma_semaphore, #tpu.memory_space<semaphore_mem>>, %arg18: memref<!tpu.dma_semaphore, #tpu.memory_space<semaphore_mem>>, %arg19: memref<!tpu.dma_semaphore, #tpu.memory_space<semaphore_mem>>, %arg20: memref<!tpu.dma_semaphore, #tpu.memory_space<semaphore_mem>>, %arg21: memref<!tpu.dma_semaphore, #tpu.memory_space<semaphore_mem>>, %arg22: memref<!tpu.dma_semaphore, #tpu.memory_space<semaphore_mem>>) attributes {dimension_semantics = [#tpu.dimension_semantics<core_parallel>, #tpu.dimension_semantics<subcore_parallel>], iteration_bounds = array<i64: 2, 16>, scalar_prefetch = 0 : i64, scratch_operands = 16 : i64, tpu.core_type = #tpu.core_type<sc_vector_subcore>, window_params = [{transform_indices = #map}, {transform_indices = #map}, {transform_indices = #map}, {transform_indices = #map}, {transform_indices = #map1}]} {
    %mul3A = arith.constant 16 : i32
    %mul3A_0 = arith.muli %arg0, %mul3A : i32
    %add3A = arith.addi %mul3A_0, %arg1 : i32
    %mul3A_1 = arith.constant 80 : i32
    %mul3A_2 = arith.muli %add3A, %mul3A_1 : i32
    "tpu.region"() ({
      %run_scoped3A = tpu.sem_alloc : memref<!tpu.dma_semaphore, #tpu.memory_space<semaphore_mem>>
      %dma_start3A_104 = arith.constant 0 : i32
      %dma_start3A_105 = tpu.memref_slice %arg3[%mul3A_2, %dma_start3A_104] : memref<2560x128xi32, #tpu.memory_space<hbm>> -> memref<80x128xi32, #tpu.memory_space<hbm>>
      %dma_start3A_106 = arith.constant 0 : i32
      %dma_start3A_107 = tpu.memref_slice %arg3[%mul3A_2, %dma_start3A_106] : memref<2560x128xi32, #tpu.memory_space<hbm>> -> memref<80x128xi32, #tpu.memory_space<hbm>>
      tpu.enqueue_dma source(%dma_start3A_107 : memref<80x128xi32, #tpu.memory_space<hbm>>) target(%arg7 : memref<80x128xi32, #tpu.memory_space<vmem>>) target_semaphore(%run_scoped3A : memref<!tpu.dma_semaphore, #tpu.memory_space<semaphore_mem>>)
      %dma_wait3A_108 = arith.constant 0 : i32
      %dma_wait3A_109 = tpu.memref_slice %arg3[%mul3A_2, %dma_wait3A_108] : memref<2560x128xi32, #tpu.memory_space<hbm>> -> memref<80x128xi32, #tpu.memory_space<hbm>>
      %dma_wait3A_110 = arith.constant 0 : i32
      %dma_wait3A_111 = tpu.memref_slice %arg3[%mul3A_2, %dma_wait3A_110] : memref<2560x128xi32, #tpu.memory_space<hbm>> -> memref<80x128xi32, #tpu.memory_space<hbm>>
      tpu.wait_dma2 semaphore(%run_scoped3A : memref<!tpu.dma_semaphore, #tpu.memory_space<semaphore_mem>>) src(%dma_wait3A_111 : memref<80x128xi32, #tpu.memory_space<hbm>>) dst(%arg7 : memref<80x128xi32, #tpu.memory_space<vmem>>)
      tpu.yield
    }) : () -> ()
    %mul3A_3 = arith.constant 80 : i32
    %mul3A_4 = arith.muli %add3A, %mul3A_3 : i32
    "tpu.region"() ({
      %run_scoped3A = tpu.sem_alloc : memref<!tpu.dma_semaphore, #tpu.memory_space<semaphore_mem>>
      %dma_start3A_104 = arith.constant 0 : i32
      %dma_start3A_105 = tpu.memref_slice %arg4[%mul3A_4, %dma_start3A_104] : memref<2560x128xi32, #tpu.memory_space<hbm>> -> memref<80x128xi32, #tpu.memory_space<hbm>>
      %dma_start3A_106 = arith.constant 0 : i32
      %dma_start3A_107 = tpu.memref_slice %arg4[%mul3A_4, %dma_start3A_106] : memref<2560x128xi32, #tpu.memory_space<hbm>> -> memref<80x128xi32, #tpu.memory_space<hbm>>
      tpu.enqueue_dma source(%dma_start3A_107 : memref<80x128xi32, #tpu.memory_space<hbm>>) target(%arg8 : memref<80x128xi32, #tpu.memory_space<vmem>>) target_semaphore(%run_scoped3A : memref<!tpu.dma_semaphore, #tpu.memory_space<semaphore_mem>>)
      %dma_wait3A_108 = arith.constant 0 : i32
      %dma_wait3A_109 = tpu.memref_slice %arg4[%mul3A_4, %dma_wait3A_108] : memref<2560x128xi32, #tpu.memory_space<hbm>> -> memref<80x128xi32, #tpu.memory_space<hbm>>
      %dma_wait3A_110 = arith.constant 0 : i32
      %dma_wait3A_111 = tpu.memref_slice %arg4[%mul3A_4, %dma_wait3A_110] : memref<2560x128xi32, #tpu.memory_space<hbm>> -> memref<80x128xi32, #tpu.memory_space<hbm>>
      tpu.wait_dma2 semaphore(%run_scoped3A : memref<!tpu.dma_semaphore, #tpu.memory_space<semaphore_mem>>) src(%dma_wait3A_111 : memref<80x128xi32, #tpu.memory_space<hbm>>) dst(%arg8 : memref<80x128xi32, #tpu.memory_space<vmem>>)
      tpu.yield
    }) : () -> ()
    %lt3A = arith.constant 8 : i32
    %lt3A_5 = arith.cmpi slt, %arg1, %lt3A : i32
    %eq3A = arith.constant 0 : i32
    %eq3A_6 = arith.cmpi eq, %arg0, %eq3A : i32
    %and3A = arith.andi %lt3A_5, %eq3A_6 : i1
    %convert_element_type3A = arith.extui %and3A : i1 to i32
    %cond3A = arith.constant 0 : i32
    %cond3A_7 = arith.cmpi ne, %convert_element_type3A, %cond3A : i32
    scf.if %cond3A_7 {
      %mul3A_104 = arith.constant 1248 : i32
      %mul3A_105 = arith.muli %arg1, %mul3A_104 : i32
      %mul3A_106 = arith.constant 1248 : i32
      %mul3A_107 = arith.muli %arg1, %mul3A_106 : i32
      "tpu.region"() ({
        %run_scoped3A = tpu.sem_alloc : memref<!tpu.dma_semaphore, #tpu.memory_space<semaphore_mem>>
        %dma_start3A_108 = arith.constant 0 : i32
        %dma_start3A_109 = tpu.memref_slice %arg13[%mul3A_107, %dma_start3A_108] : memref<10008x32xf32, #tpu.memory_space<vmem_shared>> -> memref<1248x32xf32, #tpu.memory_space<vmem_shared>>
        %dma_start3A_110 = arith.constant 0 : i32
        %dma_start3A_111 = tpu.memref_slice %arg2[%mul3A_105, %dma_start3A_110] : memref<10008x32xf32, #tpu.memory_space<hbm>> -> memref<1248x32xf32, #tpu.memory_space<hbm>>
        tpu.enqueue_dma source(%dma_start3A_111 : memref<1248x32xf32, #tpu.memory_space<hbm>>) target(%dma_start3A_109 : memref<1248x32xf32, #tpu.memory_space<vmem_shared>>) target_semaphore(%run_scoped3A : memref<!tpu.dma_semaphore, #tpu.memory_space<semaphore_mem>>)
        %dma_wait3A_112 = arith.constant 0 : i32
        %dma_wait3A_113 = tpu.memref_slice %arg13[%mul3A_107, %dma_wait3A_112] : memref<10008x32xf32, #tpu.memory_space<vmem_shared>> -> memref<1248x32xf32, #tpu.memory_space<vmem_shared>>
        %dma_wait3A_114 = arith.constant 0 : i32
        %dma_wait3A_115 = tpu.memref_slice %arg2[%mul3A_105, %dma_wait3A_114] : memref<10008x32xf32, #tpu.memory_space<hbm>> -> memref<1248x32xf32, #tpu.memory_space<hbm>>
        tpu.wait_dma2 semaphore(%run_scoped3A : memref<!tpu.dma_semaphore, #tpu.memory_space<semaphore_mem>>) src(%dma_wait3A_115 : memref<1248x32xf32, #tpu.memory_space<hbm>>) dst(%dma_wait3A_113 : memref<1248x32xf32, #tpu.memory_space<vmem_shared>>)
        tpu.yield
      }) : () -> ()
    } else {
    }
    %eq3A_8 = arith.constant 0 : i32
    %eq3A_9 = arith.cmpi eq, %arg1, %eq3A_8 : i32
    %eq3A_10 = arith.constant 0 : i32
    %eq3A_11 = arith.cmpi eq, %arg0, %eq3A_10 : i32
    %and3A_12 = arith.andi %eq3A_9, %eq3A_11 : i1
    %convert_element_type3A_13 = arith.extui %and3A_12 : i1 to i32
    %cond3A_14 = arith.constant 0 : i32
    %cond3A_15 = arith.cmpi ne, %convert_element_type3A_13, %cond3A_14 : i32
    scf.if %cond3A_15 {
      "tpu.region"() ({
        %run_scoped3A = tpu.sem_alloc : memref<!tpu.dma_semaphore, #tpu.memory_space<semaphore_mem>>
        %dma_start3A_104 = arith.constant 9984 : i32
        %dma_start3A_105 = arith.constant 0 : i32
        %dma_start3A_106 = tpu.memref_slice %arg13[%dma_start3A_104, %dma_start3A_105] : memref<10008x32xf32, #tpu.memory_space<vmem_shared>> -> memref<24x32xf32, #tpu.memory_space<vmem_shared>>
        %dma_start3A_107 = arith.constant 9984 : i32
        %dma_start3A_108 = arith.constant 0 : i32
        %dma_start3A_109 = tpu.memref_slice %arg2[%dma_start3A_107, %dma_start3A_108] : memref<10008x32xf32, #tpu.memory_space<hbm>> -> memref<24x32xf32, #tpu.memory_space<hbm>>
        tpu.enqueue_dma source(%dma_start3A_109 : memref<24x32xf32, #tpu.memory_space<hbm>>) target(%dma_start3A_106 : memref<24x32xf32, #tpu.memory_space<vmem_shared>>) target_semaphore(%run_scoped3A : memref<!tpu.dma_semaphore, #tpu.memory_space<semaphore_mem>>)
        %dma_wait3A_110 = arith.constant 9984 : i32
        %dma_wait3A_111 = arith.constant 0 : i32
        %dma_wait3A_112 = tpu.memref_slice %arg13[%dma_wait3A_110, %dma_wait3A_111] : memref<10008x32xf32, #tpu.memory_space<vmem_shared>> -> memref<24x32xf32, #tpu.memory_space<vmem_shared>>
        %dma_wait3A_113 = arith.constant 9984 : i32
        %dma_wait3A_114 = arith.constant 0 : i32
        %dma_wait3A_115 = tpu.memref_slice %arg2[%dma_wait3A_113, %dma_wait3A_114] : memref<10008x32xf32, #tpu.memory_space<hbm>> -> memref<24x32xf32, #tpu.memory_space<hbm>>
        tpu.wait_dma2 semaphore(%run_scoped3A : memref<!tpu.dma_semaphore, #tpu.memory_space<semaphore_mem>>) src(%dma_wait3A_115 : memref<24x32xf32, #tpu.memory_space<hbm>>) dst(%dma_wait3A_112 : memref<24x32xf32, #tpu.memory_space<vmem_shared>>)
        tpu.yield
      }) : () -> ()
    } else {
    }
    %lt3A_16 = arith.constant 8 : i32
    %lt3A_17 = arith.cmpi slt, %arg1, %lt3A_16 : i32
    %eq3A_18 = arith.constant 1 : i32
    %eq3A_19 = arith.cmpi eq, %arg0, %eq3A_18 : i32
    %and3A_20 = arith.andi %lt3A_17, %eq3A_19 : i1
    %convert_element_type3A_21 = arith.extui %and3A_20 : i1 to i32
    %cond3A_22 = arith.constant 0 : i32
    %cond3A_23 = arith.cmpi ne, %convert_element_type3A_21, %cond3A_22 : i32
    scf.if %cond3A_23 {
      %mul3A_104 = arith.constant 1248 : i32
      %mul3A_105 = arith.muli %arg1, %mul3A_104 : i32
      %mul3A_106 = arith.constant 1248 : i32
      %mul3A_107 = arith.muli %arg1, %mul3A_106 : i32
      "tpu.region"() ({
        %run_scoped3A = tpu.sem_alloc : memref<!tpu.dma_semaphore, #tpu.memory_space<semaphore_mem>>
        %dma_start3A_108 = arith.constant 0 : i32
        %dma_start3A_109 = tpu.memref_slice %arg13[%mul3A_107, %dma_start3A_108] : memref<10008x32xf32, #tpu.memory_space<vmem_shared>> -> memref<1248x32xf32, #tpu.memory_space<vmem_shared>>
        %dma_start3A_110 = arith.constant 0 : i32
        %dma_start3A_111 = tpu.memref_slice %arg5[%mul3A_105, %dma_start3A_110] : memref<10008x32xf32, #tpu.memory_space<hbm>> -> memref<1248x32xf32, #tpu.memory_space<hbm>>
        tpu.enqueue_dma source(%dma_start3A_111 : memref<1248x32xf32, #tpu.memory_space<hbm>>) target(%dma_start3A_109 : memref<1248x32xf32, #tpu.memory_space<vmem_shared>>) target_semaphore(%run_scoped3A : memref<!tpu.dma_semaphore, #tpu.memory_space<semaphore_mem>>)
        %dma_wait3A_112 = arith.constant 0 : i32
        %dma_wait3A_113 = tpu.memref_slice %arg13[%mul3A_107, %dma_wait3A_112] : memref<10008x32xf32, #tpu.memory_space<vmem_shared>> -> memref<1248x32xf32, #tpu.memory_space<vmem_shared>>
        %dma_wait3A_114 = arith.constant 0 : i32
        %dma_wait3A_115 = tpu.memref_slice %arg5[%mul3A_105, %dma_wait3A_114] : memref<10008x32xf32, #tpu.memory_space<hbm>> -> memref<1248x32xf32, #tpu.memory_space<hbm>>
        tpu.wait_dma2 semaphore(%run_scoped3A : memref<!tpu.dma_semaphore, #tpu.memory_space<semaphore_mem>>) src(%dma_wait3A_115 : memref<1248x32xf32, #tpu.memory_space<hbm>>) dst(%dma_wait3A_113 : memref<1248x32xf32, #tpu.memory_space<vmem_shared>>)
        tpu.yield
      }) : () -> ()
    } else {
    }
    %eq3A_24 = arith.constant 0 : i32
    %eq3A_25 = arith.cmpi eq, %arg1, %eq3A_24 : i32
    %eq3A_26 = arith.constant 1 : i32
    %eq3A_27 = arith.cmpi eq, %arg0, %eq3A_26 : i32
    %and3A_28 = arith.andi %eq3A_25, %eq3A_27 : i1
    %convert_element_type3A_29 = arith.extui %and3A_28 : i1 to i32
    %cond3A_30 = arith.constant 0 : i32
    %cond3A_31 = arith.cmpi ne, %convert_element_type3A_29, %cond3A_30 : i32
    scf.if %cond3A_31 {
      "tpu.region"() ({
        %run_scoped3A = tpu.sem_alloc : memref<!tpu.dma_semaphore, #tpu.memory_space<semaphore_mem>>
        %dma_start3A_104 = arith.constant 9984 : i32
        %dma_start3A_105 = arith.constant 0 : i32
        %dma_start3A_106 = tpu.memref_slice %arg13[%dma_start3A_104, %dma_start3A_105] : memref<10008x32xf32, #tpu.memory_space<vmem_shared>> -> memref<24x32xf32, #tpu.memory_space<vmem_shared>>
        %dma_start3A_107 = arith.constant 9984 : i32
        %dma_start3A_108 = arith.constant 0 : i32
        %dma_start3A_109 = tpu.memref_slice %arg5[%dma_start3A_107, %dma_start3A_108] : memref<10008x32xf32, #tpu.memory_space<hbm>> -> memref<24x32xf32, #tpu.memory_space<hbm>>
        tpu.enqueue_dma source(%dma_start3A_109 : memref<24x32xf32, #tpu.memory_space<hbm>>) target(%dma_start3A_106 : memref<24x32xf32, #tpu.memory_space<vmem_shared>>) target_semaphore(%run_scoped3A : memref<!tpu.dma_semaphore, #tpu.memory_space<semaphore_mem>>)
        %dma_wait3A_110 = arith.constant 9984 : i32
        %dma_wait3A_111 = arith.constant 0 : i32
        %dma_wait3A_112 = tpu.memref_slice %arg13[%dma_wait3A_110, %dma_wait3A_111] : memref<10008x32xf32, #tpu.memory_space<vmem_shared>> -> memref<24x32xf32, #tpu.memory_space<vmem_shared>>
        %dma_wait3A_113 = arith.constant 9984 : i32
        %dma_wait3A_114 = arith.constant 0 : i32
        %dma_wait3A_115 = tpu.memref_slice %arg5[%dma_wait3A_113, %dma_wait3A_114] : memref<10008x32xf32, #tpu.memory_space<hbm>> -> memref<24x32xf32, #tpu.memory_space<hbm>>
        tpu.wait_dma2 semaphore(%run_scoped3A : memref<!tpu.dma_semaphore, #tpu.memory_space<semaphore_mem>>) src(%dma_wait3A_115 : memref<24x32xf32, #tpu.memory_space<hbm>>) dst(%dma_wait3A_112 : memref<24x32xf32, #tpu.memory_space<vmem_shared>>)
        tpu.yield
      }) : () -> ()
    } else {
    }
    %ge3A = arith.constant 8 : i32
    %ge3A_32 = arith.cmpi sge, %arg1, %ge3A : i32
    %convert_element_type3A_33 = arith.extui %ge3A_32 : i1 to i32
    %cond3A_34 = arith.constant 0 : i32
    %cond3A_35 = arith.cmpi ne, %convert_element_type3A_33, %cond3A_34 : i32
    scf.if %cond3A_35 {
      %sub3A = arith.constant 8 : i32
      %sub3A_104 = arith.subi %arg1, %sub3A : i32
      %mul3A_105 = arith.constant 1248 : i32
      %mul3A_106 = arith.muli %sub3A_104, %mul3A_105 : i32
      %mul3A_107 = arith.constant 1248 : i32
      %mul3A_108 = arith.muli %sub3A_104, %mul3A_107 : i32
      "tpu.region"() ({
        %run_scoped3A = tpu.sem_alloc : memref<!tpu.dma_semaphore, #tpu.memory_space<semaphore_mem>>
        %dma_start3A_109 = arith.constant 0 : i32
        %dma_start3A_110 = tpu.memref_slice %arg14[%mul3A_108, %dma_start3A_109] : memref<10008x32xf32, #tpu.memory_space<vmem_shared>> -> memref<1248x32xf32, #tpu.memory_space<vmem_shared>>
        %dma_start3A_111 = arith.constant 0 : i32
        %dma_start3A_112 = tpu.memref_slice %arg2[%mul3A_106, %dma_start3A_111] : memref<10008x32xf32, #tpu.memory_space<hbm>> -> memref<1248x32xf32, #tpu.memory_space<hbm>>
        tpu.enqueue_dma source(%dma_start3A_112 : memref<1248x32xf32, #tpu.memory_space<hbm>>) target(%dma_start3A_110 : memref<1248x32xf32, #tpu.memory_space<vmem_shared>>) target_semaphore(%run_scoped3A : memref<!tpu.dma_semaphore, #tpu.memory_space<semaphore_mem>>)
        %dma_wait3A_113 = arith.constant 0 : i32
        %dma_wait3A_114 = tpu.memref_slice %arg14[%mul3A_108, %dma_wait3A_113] : memref<10008x32xf32, #tpu.memory_space<vmem_shared>> -> memref<1248x32xf32, #tpu.memory_space<vmem_shared>>
        %dma_wait3A_115 = arith.constant 0 : i32
        %dma_wait3A_116 = tpu.memref_slice %arg2[%mul3A_106, %dma_wait3A_115] : memref<10008x32xf32, #tpu.memory_space<hbm>> -> memref<1248x32xf32, #tpu.memory_space<hbm>>
        tpu.wait_dma2 semaphore(%run_scoped3A : memref<!tpu.dma_semaphore, #tpu.memory_space<semaphore_mem>>) src(%dma_wait3A_116 : memref<1248x32xf32, #tpu.memory_space<hbm>>) dst(%dma_wait3A_114 : memref<1248x32xf32, #tpu.memory_space<vmem_shared>>)
        tpu.yield
      }) : () -> ()
    } else {
    }
    %eq3A_36 = arith.constant 8 : i32
    %eq3A_37 = arith.cmpi eq, %arg1, %eq3A_36 : i32
    %convert_element_type3A_38 = arith.extui %eq3A_37 : i1 to i32
    %cond3A_39 = arith.constant 0 : i32
    %cond3A_40 = arith.cmpi ne, %convert_element_type3A_38, %cond3A_39 : i32
    scf.if %cond3A_40 {
      "tpu.region"() ({
        %run_scoped3A = tpu.sem_alloc : memref<!tpu.dma_semaphore, #tpu.memory_space<semaphore_mem>>
        %dma_start3A_104 = arith.constant 9984 : i32
        %dma_start3A_105 = arith.constant 0 : i32
        %dma_start3A_106 = tpu.memref_slice %arg14[%dma_start3A_104, %dma_start3A_105] : memref<10008x32xf32, #tpu.memory_space<vmem_shared>> -> memref<24x32xf32, #tpu.memory_space<vmem_shared>>
        %dma_start3A_107 = arith.constant 9984 : i32
        %dma_start3A_108 = arith.constant 0 : i32
        %dma_start3A_109 = tpu.memref_slice %arg2[%dma_start3A_107, %dma_start3A_108] : memref<10008x32xf32, #tpu.memory_space<hbm>> -> memref<24x32xf32, #tpu.memory_space<hbm>>
        tpu.enqueue_dma source(%dma_start3A_109 : memref<24x32xf32, #tpu.memory_space<hbm>>) target(%dma_start3A_106 : memref<24x32xf32, #tpu.memory_space<vmem_shared>>) target_semaphore(%run_scoped3A : memref<!tpu.dma_semaphore, #tpu.memory_space<semaphore_mem>>)
        %dma_wait3A_110 = arith.constant 9984 : i32
        %dma_wait3A_111 = arith.constant 0 : i32
        %dma_wait3A_112 = tpu.memref_slice %arg14[%dma_wait3A_110, %dma_wait3A_111] : memref<10008x32xf32, #tpu.memory_space<vmem_shared>> -> memref<24x32xf32, #tpu.memory_space<vmem_shared>>
        %dma_wait3A_113 = arith.constant 9984 : i32
        %dma_wait3A_114 = arith.constant 0 : i32
        %dma_wait3A_115 = tpu.memref_slice %arg2[%dma_wait3A_113, %dma_wait3A_114] : memref<10008x32xf32, #tpu.memory_space<hbm>> -> memref<24x32xf32, #tpu.memory_space<hbm>>
        tpu.wait_dma2 semaphore(%run_scoped3A : memref<!tpu.dma_semaphore, #tpu.memory_space<semaphore_mem>>) src(%dma_wait3A_115 : memref<24x32xf32, #tpu.memory_space<hbm>>) dst(%dma_wait3A_112 : memref<24x32xf32, #tpu.memory_space<vmem_shared>>)
        tpu.yield
      }) : () -> ()
    } else {
    }
    %barrier3A = arith.constant 0 : index
    tpu.barrier barrier_id(%barrier3A)
    %dma_start3A = arith.constant 0 : i32
    %dma_start3A_41 = arith.constant 0 : i32
    %dma_start3A_42 = tpu.memref_slice %arg7[%dma_start3A, %dma_start3A_41] : memref<80x128xi32, #tpu.memory_space<vmem>> -> memref<1x128xi32, #tpu.memory_space<vmem>>
    %dma_start3A_43 = tpu.memref_squeeze %dma_start3A_42 : memref<1x128xi32, #tpu.memory_space<vmem>> -> memref<128xi32, #tpu.memory_space<vmem>>
    %dma_start3A_44 = arith.constant 0 : i32
    %dma_start3A_45 = arith.constant 0 : i32
    %dma_start3A_46 = tpu.memref_slice %arg14[%dma_start3A_44, %dma_start3A_45] : memref<10008x32xf32, #tpu.memory_space<vmem_shared>> -> memref<10008x32xf32, #tpu.memory_space<vmem_shared>>
    tpu.enqueue_indirect_dma source(%dma_start3A_46 : memref<10008x32xf32, #tpu.memory_space<vmem_shared>>) target(%arg9 : memref<128x32xf32, #tpu.memory_space<vmem>>) offsets(%dma_start3A_43 : memref<128xi32, #tpu.memory_space<vmem>>) semaphore(%arg15 : memref<!tpu.dma_semaphore, #tpu.memory_space<semaphore_mem>>)
    %dma_start3A_47 = arith.constant 1 : i32
    %dma_start3A_48 = arith.constant 0 : i32
    %dma_start3A_49 = tpu.memref_slice %arg7[%dma_start3A_47, %dma_start3A_48] : memref<80x128xi32, #tpu.memory_space<vmem>> -> memref<1x128xi32, #tpu.memory_space<vmem>>
    %dma_start3A_50 = tpu.memref_squeeze %dma_start3A_49 : memref<1x128xi32, #tpu.memory_space<vmem>> -> memref<128xi32, #tpu.memory_space<vmem>>
    %dma_start3A_51 = arith.constant 0 : i32
    %dma_start3A_52 = arith.constant 0 : i32
    %dma_start3A_53 = tpu.memref_slice %arg14[%dma_start3A_51, %dma_start3A_52] : memref<10008x32xf32, #tpu.memory_space<vmem_shared>> -> memref<10008x32xf32, #tpu.memory_space<vmem_shared>>
    tpu.enqueue_indirect_dma source(%dma_start3A_53 : memref<10008x32xf32, #tpu.memory_space<vmem_shared>>) target(%arg10 : memref<128x32xf32, #tpu.memory_space<vmem>>) offsets(%dma_start3A_50 : memref<128xi32, #tpu.memory_space<vmem>>) semaphore(%arg16 : memref<!tpu.dma_semaphore, #tpu.memory_space<semaphore_mem>>)
    %dma_start3A_54 = arith.constant 2 : i32
    %dma_start3A_55 = arith.constant 0 : i32
    %dma_start3A_56 = tpu.memref_slice %arg7[%dma_start3A_54, %dma_start3A_55] : memref<80x128xi32, #tpu.memory_space<vmem>> -> memref<1x128xi32, #tpu.memory_space<vmem>>
    %dma_start3A_57 = tpu.memref_squeeze %dma_start3A_56 : memref<1x128xi32, #tpu.memory_space<vmem>> -> memref<128xi32, #tpu.memory_space<vmem>>
    %dma_start3A_58 = arith.constant 0 : i32
    %dma_start3A_59 = arith.constant 0 : i32
    %dma_start3A_60 = tpu.memref_slice %arg14[%dma_start3A_58, %dma_start3A_59] : memref<10008x32xf32, #tpu.memory_space<vmem_shared>> -> memref<10008x32xf32, #tpu.memory_space<vmem_shared>>
    tpu.enqueue_indirect_dma source(%dma_start3A_60 : memref<10008x32xf32, #tpu.memory_space<vmem_shared>>) target(%arg11 : memref<128x32xf32, #tpu.memory_space<vmem>>) offsets(%dma_start3A_57 : memref<128xi32, #tpu.memory_space<vmem>>) semaphore(%arg17 : memref<!tpu.dma_semaphore, #tpu.memory_space<semaphore_mem>>)
    %scan3A = arith.constant 0 : i32
    %scan3A_61 = arith.constant 0 : i32
    %scan3A_62 = arith.constant 20 : i32
    %scan3A_63 = arith.addi %scan3A_61, %scan3A_62 : i32
    %scan3A_64 = arith.constant 1 : i32
    scf.for %scan3A_104 = %scan3A_61 to %scan3A_63 step %scan3A_64  : i32 {
      %mul3A_105 = arith.constant 4 : i32
      %mul3A_106 = arith.muli %mul3A_105, %scan3A_104 : i32
      %add3A_107 = arith.constant 0 : i32
      %add3A_108 = arith.addi %mul3A_106, %add3A_107 : i32
      %dma_wait3A_109 = arith.constant 0 : i32
      %dma_wait3A_110 = tpu.memref_slice %arg7[%add3A_108, %dma_wait3A_109] : memref<80x128xi32, #tpu.memory_space<vmem>> -> memref<1x128xi32, #tpu.memory_space<vmem>>
      %dma_wait3A_111 = tpu.memref_squeeze %dma_wait3A_110 : memref<1x128xi32, #tpu.memory_space<vmem>> -> memref<128xi32, #tpu.memory_space<vmem>>
      %dma_wait3A_112 = arith.constant 0 : i32
      %dma_wait3A_113 = arith.constant 0 : i32
      %dma_wait3A_114 = tpu.memref_slice %arg14[%dma_wait3A_112, %dma_wait3A_113] : memref<10008x32xf32, #tpu.memory_space<vmem_shared>> -> memref<10008x32xf32, #tpu.memory_space<vmem_shared>>
      tpu.wait_indirect_dma semaphore(%arg15 : memref<!tpu.dma_semaphore, #tpu.memory_space<semaphore_mem>>) src(%dma_wait3A_114 : memref<10008x32xf32, #tpu.memory_space<vmem_shared>>) dst(%arg9 : memref<128x32xf32, #tpu.memory_space<vmem>>)
      %dma_start3A_115 = arith.constant 0 : i32
      %dma_start3A_116 = tpu.memref_slice %arg8[%add3A_108, %dma_start3A_115] : memref<80x128xi32, #tpu.memory_space<vmem>> -> memref<1x128xi32, #tpu.memory_space<vmem>>
      %dma_start3A_117 = tpu.memref_squeeze %dma_start3A_116 : memref<1x128xi32, #tpu.memory_space<vmem>> -> memref<128xi32, #tpu.memory_space<vmem>>
      %dma_start3A_118 = arith.constant 0 : i32
      %dma_start3A_119 = arith.constant 0 : i32
      %dma_start3A_120 = tpu.memref_slice %arg13[%dma_start3A_118, %dma_start3A_119] : memref<10008x32xf32, #tpu.memory_space<vmem_shared>> -> memref<10008x32xf32, #tpu.memory_space<vmem_shared>>
      tpu.enqueue_indirect_dma source(%arg9 : memref<128x32xf32, #tpu.memory_space<vmem>>) target(%dma_start3A_120 : memref<10008x32xf32, #tpu.memory_space<vmem_shared>>) offsets(%dma_start3A_117 : memref<128xi32, #tpu.memory_space<vmem>>) semaphore(%arg19 : memref<!tpu.dma_semaphore, #tpu.memory_space<semaphore_mem>>) {add = true}
      %add3A_121 = arith.constant 3 : i32
      %add3A_122 = arith.addi %add3A_108, %add3A_121 : i32
      %lt3A_123 = arith.constant 80 : i32
      %lt3A_124 = arith.cmpi slt, %add3A_122, %lt3A_123 : i32
      %convert_element_type3A_125 = arith.extui %lt3A_124 : i1 to i32
      %cond3A_126 = arith.constant 0 : i32
      %cond3A_127 = arith.cmpi ne, %convert_element_type3A_125, %cond3A_126 : i32
      scf.if %cond3A_127 {
        %gt3A = arith.constant 0 : i32
        %gt3A_191 = arith.cmpi sgt, %add3A_108, %gt3A : i32
        %convert_element_type3A_192 = arith.extui %gt3A_191 : i1 to i32
        %cond3A_193 = arith.constant 0 : i32
        %cond3A_194 = arith.cmpi ne, %convert_element_type3A_192, %cond3A_193 : i32
        scf.if %cond3A_194 {
          %sub3A = arith.constant 1 : i32
          %sub3A_203 = arith.subi %add3A_108, %sub3A : i32
          %dma_wait3A_204 = arith.constant 0 : i32
          %dma_wait3A_205 = tpu.memref_slice %arg8[%sub3A_203, %dma_wait3A_204] : memref<80x128xi32, #tpu.memory_space<vmem>> -> memref<1x128xi32, #tpu.memory_space<vmem>>
          %dma_wait3A_206 = tpu.memref_squeeze %dma_wait3A_205 : memref<1x128xi32, #tpu.memory_space<vmem>> -> memref<128xi32, #tpu.memory_space<vmem>>
          %dma_wait3A_207 = arith.constant 0 : i32
          %dma_wait3A_208 = arith.constant 0 : i32
          %dma_wait3A_209 = tpu.memref_slice %arg13[%dma_wait3A_207, %dma_wait3A_208] : memref<10008x32xf32, #tpu.memory_space<vmem_shared>> -> memref<10008x32xf32, #tpu.memory_space<vmem_shared>>
          tpu.wait_indirect_dma semaphore(%arg22 : memref<!tpu.dma_semaphore, #tpu.memory_space<semaphore_mem>>) src(%arg12 : memref<128x32xf32, #tpu.memory_space<vmem>>) dst(%dma_wait3A_209 : memref<10008x32xf32, #tpu.memory_space<vmem_shared>>)
        } else {
        }
        %add3A_195 = arith.constant 3 : i32
        %add3A_196 = arith.addi %add3A_108, %add3A_195 : i32
        %dma_start3A_197 = arith.constant 0 : i32
        %dma_start3A_198 = tpu.memref_slice %arg7[%add3A_196, %dma_start3A_197] : memref<80x128xi32, #tpu.memory_space<vmem>> -> memref<1x128xi32, #tpu.memory_space<vmem>>
        %dma_start3A_199 = tpu.memref_squeeze %dma_start3A_198 : memref<1x128xi32, #tpu.memory_space<vmem>> -> memref<128xi32, #tpu.memory_space<vmem>>
        %dma_start3A_200 = arith.constant 0 : i32
        %dma_start3A_201 = arith.constant 0 : i32
        %dma_start3A_202 = tpu.memref_slice %arg14[%dma_start3A_200, %dma_start3A_201] : memref<10008x32xf32, #tpu.memory_space<vmem_shared>> -> memref<10008x32xf32, #tpu.memory_space<vmem_shared>>
        tpu.enqueue_indirect_dma source(%dma_start3A_202 : memref<10008x32xf32, #tpu.memory_space<vmem_shared>>) target(%arg12 : memref<128x32xf32, #tpu.memory_space<vmem>>) offsets(%dma_start3A_199 : memref<128xi32, #tpu.memory_space<vmem>>) semaphore(%arg18 : memref<!tpu.dma_semaphore, #tpu.memory_space<semaphore_mem>>)
      } else {
      }
      %add3A_128 = arith.constant 1 : i32
      %add3A_129 = arith.addi %mul3A_106, %add3A_128 : i32
      %dma_wait3A_130 = arith.constant 0 : i32
      %dma_wait3A_131 = tpu.memref_slice %arg7[%add3A_129, %dma_wait3A_130] : memref<80x128xi32, #tpu.memory_space<vmem>> -> memref<1x128xi32, #tpu.memory_space<vmem>>
      %dma_wait3A_132 = tpu.memref_squeeze %dma_wait3A_131 : memref<1x128xi32, #tpu.memory_space<vmem>> -> memref<128xi32, #tpu.memory_space<vmem>>
      %dma_wait3A_133 = arith.constant 0 : i32
      %dma_wait3A_134 = arith.constant 0 : i32
      %dma_wait3A_135 = tpu.memref_slice %arg14[%dma_wait3A_133, %dma_wait3A_134] : memref<10008x32xf32, #tpu.memory_space<vmem_shared>> -> memref<10008x32xf32, #tpu.memory_space<vmem_shared>>
      tpu.wait_indirect_dma semaphore(%arg16 : memref<!tpu.dma_semaphore, #tpu.memory_space<semaphore_mem>>) src(%dma_wait3A_135 : memref<10008x32xf32, #tpu.memory_space<vmem_shared>>) dst(%arg10 : memref<128x32xf32, #tpu.memory_space<vmem>>)
      %dma_start3A_136 = arith.constant 0 : i32
      %dma_start3A_137 = tpu.memref_slice %arg8[%add3A_129, %dma_start3A_136] : memref<80x128xi32, #tpu.memory_space<vmem>> -> memref<1x128xi32, #tpu.memory_space<vmem>>
      %dma_start3A_138 = tpu.memref_squeeze %dma_start3A_137 : memref<1x128xi32, #tpu.memory_space<vmem>> -> memref<128xi32, #tpu.memory_space<vmem>>
      %dma_start3A_139 = arith.constant 0 : i32
      %dma_start3A_140 = arith.constant 0 : i32
      %dma_start3A_141 = tpu.memref_slice %arg13[%dma_start3A_139, %dma_start3A_140] : memref<10008x32xf32, #tpu.memory_space<vmem_shared>> -> memref<10008x32xf32, #tpu.memory_space<vmem_shared>>
      tpu.enqueue_indirect_dma source(%arg10 : memref<128x32xf32, #tpu.memory_space<vmem>>) target(%dma_start3A_141 : memref<10008x32xf32, #tpu.memory_space<vmem_shared>>) offsets(%dma_start3A_138 : memref<128xi32, #tpu.memory_space<vmem>>) semaphore(%arg20 : memref<!tpu.dma_semaphore, #tpu.memory_space<semaphore_mem>>) {add = true}
      %add3A_142 = arith.constant 3 : i32
      %add3A_143 = arith.addi %add3A_129, %add3A_142 : i32
      %lt3A_144 = arith.constant 80 : i32
      %lt3A_145 = arith.cmpi slt, %add3A_143, %lt3A_144 : i32
      %convert_element_type3A_146 = arith.extui %lt3A_145 : i1 to i32
      %cond3A_147 = arith.constant 0 : i32
      %cond3A_148 = arith.cmpi ne, %convert_element_type3A_146, %cond3A_147 : i32
      scf.if %cond3A_148 {
        %gt3A = arith.constant 0 : i32
        %gt3A_191 = arith.cmpi sgt, %add3A_129, %gt3A : i32
        %convert_element_type3A_192 = arith.extui %gt3A_191 : i1 to i32
        %cond3A_193 = arith.constant 0 : i32
        %cond3A_194 = arith.cmpi ne, %convert_element_type3A_192, %cond3A_193 : i32
        scf.if %cond3A_194 {
          %sub3A = arith.constant 1 : i32
          %sub3A_203 = arith.subi %add3A_129, %sub3A : i32
          %dma_wait3A_204 = arith.constant 0 : i32
          %dma_wait3A_205 = tpu.memref_slice %arg8[%sub3A_203, %dma_wait3A_204] : memref<80x128xi32, #tpu.memory_space<vmem>> -> memref<1x128xi32, #tpu.memory_space<vmem>>
          %dma_wait3A_206 = tpu.memref_squeeze %dma_wait3A_205 : memref<1x128xi32, #tpu.memory_space<vmem>> -> memref<128xi32, #tpu.memory_space<vmem>>
          %dma_wait3A_207 = arith.constant 0 : i32
          %dma_wait3A_208 = arith.constant 0 : i32
          %dma_wait3A_209 = tpu.memref_slice %arg13[%dma_wait3A_207, %dma_wait3A_208] : memref<10008x32xf32, #tpu.memory_space<vmem_shared>> -> memref<10008x32xf32, #tpu.memory_space<vmem_shared>>
          tpu.wait_indirect_dma semaphore(%arg19 : memref<!tpu.dma_semaphore, #tpu.memory_space<semaphore_mem>>) src(%arg9 : memref<128x32xf32, #tpu.memory_space<vmem>>) dst(%dma_wait3A_209 : memref<10008x32xf32, #tpu.memory_space<vmem_shared>>)
        } else {
        }
        %add3A_195 = arith.constant 3 : i32
        %add3A_196 = arith.addi %add3A_129, %add3A_195 : i32
        %dma_start3A_197 = arith.constant 0 : i32
        %dma_start3A_198 = tpu.memref_slice %arg7[%add3A_196, %dma_start3A_197] : memref<80x128xi32, #tpu.memory_space<vmem>> -> memref<1x128xi32, #tpu.memory_space<vmem>>
        %dma_start3A_199 = tpu.memref_squeeze %dma_start3A_198 : memref<1x128xi32, #tpu.memory_space<vmem>> -> memref<128xi32, #tpu.memory_space<vmem>>
        %dma_start3A_200 = arith.constant 0 : i32
        %dma_start3A_201 = arith.constant 0 : i32
        %dma_start3A_202 = tpu.memref_slice %arg14[%dma_start3A_200, %dma_start3A_201] : memref<10008x32xf32, #tpu.memory_space<vmem_shared>> -> memref<10008x32xf32, #tpu.memory_space<vmem_shared>>
        tpu.enqueue_indirect_dma source(%dma_start3A_202 : memref<10008x32xf32, #tpu.memory_space<vmem_shared>>) target(%arg9 : memref<128x32xf32, #tpu.memory_space<vmem>>) offsets(%dma_start3A_199 : memref<128xi32, #tpu.memory_space<vmem>>) semaphore(%arg15 : memref<!tpu.dma_semaphore, #tpu.memory_space<semaphore_mem>>)
      } else {
      }
      %add3A_149 = arith.constant 2 : i32
      %add3A_150 = arith.addi %mul3A_106, %add3A_149 : i32
      %dma_wait3A_151 = arith.constant 0 : i32
      %dma_wait3A_152 = tpu.memref_slice %arg7[%add3A_150, %dma_wait3A_151] : memref<80x128xi32, #tpu.memory_space<vmem>> -> memref<1x128xi32, #tpu.memory_space<vmem>>
      %dma_wait3A_153 = tpu.memref_squeeze %dma_wait3A_152 : memref<1x128xi32, #tpu.memory_space<vmem>> -> memref<128xi32, #tpu.memory_space<vmem>>
      %dma_wait3A_154 = arith.constant 0 : i32
      %dma_wait3A_155 = arith.constant 0 : i32
      %dma_wait3A_156 = tpu.memref_slice %arg14[%dma_wait3A_154, %dma_wait3A_155] : memref<10008x32xf32, #tpu.memory_space<vmem_shared>> -> memref<10008x32xf32, #tpu.memory_space<vmem_shared>>
      tpu.wait_indirect_dma semaphore(%arg17 : memref<!tpu.dma_semaphore, #tpu.memory_space<semaphore_mem>>) src(%dma_wait3A_156 : memref<10008x32xf32, #tpu.memory_space<vmem_shared>>) dst(%arg11 : memref<128x32xf32, #tpu.memory_space<vmem>>)
      %dma_start3A_157 = arith.constant 0 : i32
      %dma_start3A_158 = tpu.memref_slice %arg8[%add3A_150, %dma_start3A_157] : memref<80x128xi32, #tpu.memory_space<vmem>> -> memref<1x128xi32, #tpu.memory_space<vmem>>
      %dma_start3A_159 = tpu.memref_squeeze %dma_start3A_158 : memref<1x128xi32, #tpu.memory_space<vmem>> -> memref<128xi32, #tpu.memory_space<vmem>>
      %dma_start3A_160 = arith.constant 0 : i32
      %dma_start3A_161 = arith.constant 0 : i32
      %dma_start3A_162 = tpu.memref_slice %arg13[%dma_start3A_160, %dma_start3A_161] : memref<10008x32xf32, #tpu.memory_space<vmem_shared>> -> memref<10008x32xf32, #tpu.memory_space<vmem_shared>>
      tpu.enqueue_indirect_dma source(%arg11 : memref<128x32xf32, #tpu.memory_space<vmem>>) target(%dma_start3A_162 : memref<10008x32xf32, #tpu.memory_space<vmem_shared>>) offsets(%dma_start3A_159 : memref<128xi32, #tpu.memory_space<vmem>>) semaphore(%arg21 : memref<!tpu.dma_semaphore, #tpu.memory_space<semaphore_mem>>) {add = true}
      %add3A_163 = arith.constant 3 : i32
      %add3A_164 = arith.addi %add3A_150, %add3A_163 : i32
      %lt3A_165 = arith.constant 80 : i32
      %lt3A_166 = arith.cmpi slt, %add3A_164, %lt3A_165 : i32
      %convert_element_type3A_167 = arith.extui %lt3A_166 : i1 to i32
      %cond3A_168 = arith.constant 0 : i32
      %cond3A_169 = arith.cmpi ne, %convert_element_type3A_167, %cond3A_168 : i32
      scf.if %cond3A_169 {
        %gt3A = arith.constant 0 : i32
        %gt3A_191 = arith.cmpi sgt, %add3A_150, %gt3A : i32
        %convert_element_type3A_192 = arith.extui %gt3A_191 : i1 to i32
        %cond3A_193 = arith.constant 0 : i32
        %cond3A_194 = arith.cmpi ne, %convert_element_type3A_192, %cond3A_193 : i32
        scf.if %cond3A_194 {
          %sub3A = arith.constant 1 : i32
          %sub3A_203 = arith.subi %add3A_150, %sub3A : i32
          %dma_wait3A_204 = arith.constant 0 : i32
          %dma_wait3A_205 = tpu.memref_slice %arg8[%sub3A_203, %dma_wait3A_204] : memref<80x128xi32, #tpu.memory_space<vmem>> -> memref<1x128xi32, #tpu.memory_space<vmem>>
          %dma_wait3A_206 = tpu.memref_squeeze %dma_wait3A_205 : memref<1x128xi32, #tpu.memory_space<vmem>> -> memref<128xi32, #tpu.memory_space<vmem>>
          %dma_wait3A_207 = arith.constant 0 : i32
          %dma_wait3A_208 = arith.constant 0 : i32
          %dma_wait3A_209 = tpu.memref_slice %arg13[%dma_wait3A_207, %dma_wait3A_208] : memref<10008x32xf32, #tpu.memory_space<vmem_shared>> -> memref<10008x32xf32, #tpu.memory_space<vmem_shared>>
          tpu.wait_indirect_dma semaphore(%arg20 : memref<!tpu.dma_semaphore, #tpu.memory_space<semaphore_mem>>) src(%arg10 : memref<128x32xf32, #tpu.memory_space<vmem>>) dst(%dma_wait3A_209 : memref<10008x32xf32, #tpu.memory_space<vmem_shared>>)
        } else {
        }
        %add3A_195 = arith.constant 3 : i32
        %add3A_196 = arith.addi %add3A_150, %add3A_195 : i32
        %dma_start3A_197 = arith.constant 0 : i32
        %dma_start3A_198 = tpu.memref_slice %arg7[%add3A_196, %dma_start3A_197] : memref<80x128xi32, #tpu.memory_space<vmem>> -> memref<1x128xi32, #tpu.memory_space<vmem>>
        %dma_start3A_199 = tpu.memref_squeeze %dma_start3A_198 : memref<1x128xi32, #tpu.memory_space<vmem>> -> memref<128xi32, #tpu.memory_space<vmem>>
        %dma_start3A_200 = arith.constant 0 : i32
        %dma_start3A_201 = arith.constant 0 : i32
        %dma_start3A_202 = tpu.memref_slice %arg14[%dma_start3A_200, %dma_start3A_201] : memref<10008x32xf32, #tpu.memory_space<vmem_shared>> -> memref<10008x32xf32, #tpu.memory_space<vmem_shared>>
        tpu.enqueue_indirect_dma source(%dma_start3A_202 : memref<10008x32xf32, #tpu.memory_space<vmem_shared>>) target(%arg10 : memref<128x32xf32, #tpu.memory_space<vmem>>) offsets(%dma_start3A_199 : memref<128xi32, #tpu.memory_space<vmem>>) semaphore(%arg16 : memref<!tpu.dma_semaphore, #tpu.memory_space<semaphore_mem>>)
      } else {
      }
      %add3A_170 = arith.constant 3 : i32
      %add3A_171 = arith.addi %mul3A_106, %add3A_170 : i32
      %dma_wait3A_172 = arith.constant 0 : i32
      %dma_wait3A_173 = tpu.memref_slice %arg7[%add3A_171, %dma_wait3A_172] : memref<80x128xi32, #tpu.memory_space<vmem>> -> memref<1x128xi32, #tpu.memory_space<vmem>>
      %dma_wait3A_174 = tpu.memref_squeeze %dma_wait3A_173 : memref<1x128xi32, #tpu.memory_space<vmem>> -> memref<128xi32, #tpu.memory_space<vmem>>
      %dma_wait3A_175 = arith.constant 0 : i32
      %dma_wait3A_176 = arith.constant 0 : i32
      %dma_wait3A_177 = tpu.memref_slice %arg14[%dma_wait3A_175, %dma_wait3A_176] : memref<10008x32xf32, #tpu.memory_space<vmem_shared>> -> memref<10008x32xf32, #tpu.memory_space<vmem_shared>>
      tpu.wait_indirect_dma semaphore(%arg18 : memref<!tpu.dma_semaphore, #tpu.memory_space<semaphore_mem>>) src(%dma_wait3A_177 : memref<10008x32xf32, #tpu.memory_space<vmem_shared>>) dst(%arg12 : memref<128x32xf32, #tpu.memory_space<vmem>>)
      %dma_start3A_178 = arith.constant 0 : i32
      %dma_start3A_179 = tpu.memref_slice %arg8[%add3A_171, %dma_start3A_178] : memref<80x128xi32, #tpu.memory_space<vmem>> -> memref<1x128xi32, #tpu.memory_space<vmem>>
      %dma_start3A_180 = tpu.memref_squeeze %dma_start3A_179 : memref<1x128xi32, #tpu.memory_space<vmem>> -> memref<128xi32, #tpu.memory_space<vmem>>
      %dma_start3A_181 = arith.constant 0 : i32
      %dma_start3A_182 = arith.constant 0 : i32
      %dma_start3A_183 = tpu.memref_slice %arg13[%dma_start3A_181, %dma_start3A_182] : memref<10008x32xf32, #tpu.memory_space<vmem_shared>> -> memref<10008x32xf32, #tpu.memory_space<vmem_shared>>
      tpu.enqueue_indirect_dma source(%arg12 : memref<128x32xf32, #tpu.memory_space<vmem>>) target(%dma_start3A_183 : memref<10008x32xf32, #tpu.memory_space<vmem_shared>>) offsets(%dma_start3A_180 : memref<128xi32, #tpu.memory_space<vmem>>) semaphore(%arg22 : memref<!tpu.dma_semaphore, #tpu.memory_space<semaphore_mem>>) {add = true}
      %add3A_184 = arith.constant 3 : i32
      %add3A_185 = arith.addi %add3A_171, %add3A_184 : i32
      %lt3A_186 = arith.constant 80 : i32
      %lt3A_187 = arith.cmpi slt, %add3A_185, %lt3A_186 : i32
      %convert_element_type3A_188 = arith.extui %lt3A_187 : i1 to i32
      %cond3A_189 = arith.constant 0 : i32
      %cond3A_190 = arith.cmpi ne, %convert_element_type3A_188, %cond3A_189 : i32
      scf.if %cond3A_190 {
        %gt3A = arith.constant 0 : i32
        %gt3A_191 = arith.cmpi sgt, %add3A_171, %gt3A : i32
        %convert_element_type3A_192 = arith.extui %gt3A_191 : i1 to i32
        %cond3A_193 = arith.constant 0 : i32
        %cond3A_194 = arith.cmpi ne, %convert_element_type3A_192, %cond3A_193 : i32
        scf.if %cond3A_194 {
          %sub3A = arith.constant 1 : i32
          %sub3A_203 = arith.subi %add3A_171, %sub3A : i32
          %dma_wait3A_204 = arith.constant 0 : i32
          %dma_wait3A_205 = tpu.memref_slice %arg8[%sub3A_203, %dma_wait3A_204] : memref<80x128xi32, #tpu.memory_space<vmem>> -> memref<1x128xi32, #tpu.memory_space<vmem>>
          %dma_wait3A_206 = tpu.memref_squeeze %dma_wait3A_205 : memref<1x128xi32, #tpu.memory_space<vmem>> -> memref<128xi32, #tpu.memory_space<vmem>>
          %dma_wait3A_207 = arith.constant 0 : i32
          %dma_wait3A_208 = arith.constant 0 : i32
          %dma_wait3A_209 = tpu.memref_slice %arg13[%dma_wait3A_207, %dma_wait3A_208] : memref<10008x32xf32, #tpu.memory_space<vmem_shared>> -> memref<10008x32xf32, #tpu.memory_space<vmem_shared>>
          tpu.wait_indirect_dma semaphore(%arg21 : memref<!tpu.dma_semaphore, #tpu.memory_space<semaphore_mem>>) src(%arg11 : memref<128x32xf32, #tpu.memory_space<vmem>>) dst(%dma_wait3A_209 : memref<10008x32xf32, #tpu.memory_space<vmem_shared>>)
        } else {
        }
        %add3A_195 = arith.constant 3 : i32
        %add3A_196 = arith.addi %add3A_171, %add3A_195 : i32
        %dma_start3A_197 = arith.constant 0 : i32
        %dma_start3A_198 = tpu.memref_slice %arg7[%add3A_196, %dma_start3A_197] : memref<80x128xi32, #tpu.memory_space<vmem>> -> memref<1x128xi32, #tpu.memory_space<vmem>>
        %dma_start3A_199 = tpu.memref_squeeze %dma_start3A_198 : memref<1x128xi32, #tpu.memory_space<vmem>> -> memref<128xi32, #tpu.memory_space<vmem>>
        %dma_start3A_200 = arith.constant 0 : i32
        %dma_start3A_201 = arith.constant 0 : i32
        %dma_start3A_202 = tpu.memref_slice %arg14[%dma_start3A_200, %dma_start3A_201] : memref<10008x32xf32, #tpu.memory_space<vmem_shared>> -> memref<10008x32xf32, #tpu.memory_space<vmem_shared>>
        tpu.enqueue_indirect_dma source(%dma_start3A_202 : memref<10008x32xf32, #tpu.memory_space<vmem_shared>>) target(%arg11 : memref<128x32xf32, #tpu.memory_space<vmem>>) offsets(%dma_start3A_199 : memref<128xi32, #tpu.memory_space<vmem>>) semaphore(%arg17 : memref<!tpu.dma_semaphore, #tpu.memory_space<semaphore_mem>>)
      } else {
      }
    }
    %scan3A_65 = arith.constant 20 : i32
    %dma_wait3A = arith.constant 76 : i32
    %dma_wait3A_66 = arith.constant 0 : i32
    %dma_wait3A_67 = tpu.memref_slice %arg8[%dma_wait3A, %dma_wait3A_66] : memref<80x128xi32, #tpu.memory_space<vmem>> -> memref<1x128xi32, #tpu.memory_space<vmem>>
    %dma_wait3A_68 = tpu.memref_squeeze %dma_wait3A_67 : memref<1x128xi32, #tpu.memory_space<vmem>> -> memref<128xi32, #tpu.memory_space<vmem>>
    %dma_wait3A_69 = arith.constant 0 : i32
    %dma_wait3A_70 = arith.constant 0 : i32
    %dma_wait3A_71 = tpu.memref_slice %arg13[%dma_wait3A_69, %dma_wait3A_70] : memref<10008x32xf32, #tpu.memory_space<vmem_shared>> -> memref<10008x32xf32, #tpu.memory_space<vmem_shared>>
    tpu.wait_indirect_dma semaphore(%arg19 : memref<!tpu.dma_semaphore, #tpu.memory_space<semaphore_mem>>) src(%arg9 : memref<128x32xf32, #tpu.memory_space<vmem>>) dst(%dma_wait3A_71 : memref<10008x32xf32, #tpu.memory_space<vmem_shared>>)
    %dma_wait3A_72 = arith.constant 77 : i32
    %dma_wait3A_73 = arith.constant 0 : i32
    %dma_wait3A_74 = tpu.memref_slice %arg8[%dma_wait3A_72, %dma_wait3A_73] : memref<80x128xi32, #tpu.memory_space<vmem>> -> memref<1x128xi32, #tpu.memory_space<vmem>>
    %dma_wait3A_75 = tpu.memref_squeeze %dma_wait3A_74 : memref<1x128xi32, #tpu.memory_space<vmem>> -> memref<128xi32, #tpu.memory_space<vmem>>
    %dma_wait3A_76 = arith.constant 0 : i32
    %dma_wait3A_77 = arith.constant 0 : i32
    %dma_wait3A_78 = tpu.memref_slice %arg13[%dma_wait3A_76, %dma_wait3A_77] : memref<10008x32xf32, #tpu.memory_space<vmem_shared>> -> memref<10008x32xf32, #tpu.memory_space<vmem_shared>>
    tpu.wait_indirect_dma semaphore(%arg20 : memref<!tpu.dma_semaphore, #tpu.memory_space<semaphore_mem>>) src(%arg10 : memref<128x32xf32, #tpu.memory_space<vmem>>) dst(%dma_wait3A_78 : memref<10008x32xf32, #tpu.memory_space<vmem_shared>>)
    %dma_wait3A_79 = arith.constant 78 : i32
    %dma_wait3A_80 = arith.constant 0 : i32
    %dma_wait3A_81 = tpu.memref_slice %arg8[%dma_wait3A_79, %dma_wait3A_80] : memref<80x128xi32, #tpu.memory_space<vmem>> -> memref<1x128xi32, #tpu.memory_space<vmem>>
    %dma_wait3A_82 = tpu.memref_squeeze %dma_wait3A_81 : memref<1x128xi32, #tpu.memory_space<vmem>> -> memref<128xi32, #tpu.memory_space<vmem>>
    %dma_wait3A_83 = arith.constant 0 : i32
    %dma_wait3A_84 = arith.constant 0 : i32
    %dma_wait3A_85 = tpu.memref_slice %arg13[%dma_wait3A_83, %dma_wait3A_84] : memref<10008x32xf32, #tpu.memory_space<vmem_shared>> -> memref<10008x32xf32, #tpu.memory_space<vmem_shared>>
    tpu.wait_indirect_dma semaphore(%arg21 : memref<!tpu.dma_semaphore, #tpu.memory_space<semaphore_mem>>) src(%arg11 : memref<128x32xf32, #tpu.memory_space<vmem>>) dst(%dma_wait3A_85 : memref<10008x32xf32, #tpu.memory_space<vmem_shared>>)
    %dma_wait3A_86 = arith.constant 79 : i32
    %dma_wait3A_87 = arith.constant 0 : i32
    %dma_wait3A_88 = tpu.memref_slice %arg8[%dma_wait3A_86, %dma_wait3A_87] : memref<80x128xi32, #tpu.memory_space<vmem>> -> memref<1x128xi32, #tpu.memory_space<vmem>>
    %dma_wait3A_89 = tpu.memref_squeeze %dma_wait3A_88 : memref<1x128xi32, #tpu.memory_space<vmem>> -> memref<128xi32, #tpu.memory_space<vmem>>
    %dma_wait3A_90 = arith.constant 0 : i32
    %dma_wait3A_91 = arith.constant 0 : i32
    %dma_wait3A_92 = tpu.memref_slice %arg13[%dma_wait3A_90, %dma_wait3A_91] : memref<10008x32xf32, #tpu.memory_space<vmem_shared>> -> memref<10008x32xf32, #tpu.memory_space<vmem_shared>>
    tpu.wait_indirect_dma semaphore(%arg22 : memref<!tpu.dma_semaphore, #tpu.memory_space<semaphore_mem>>) src(%arg12 : memref<128x32xf32, #tpu.memory_space<vmem>>) dst(%dma_wait3A_92 : memref<10008x32xf32, #tpu.memory_space<vmem_shared>>)
    %barrier3A_93 = arith.constant 0 : index
    tpu.barrier barrier_id(%barrier3A_93)
    %lt3A_94 = arith.constant 8 : i32
    %lt3A_95 = arith.cmpi slt, %arg1, %lt3A_94 : i32
    %convert_element_type3A_96 = arith.extui %lt3A_95 : i1 to i32
    %cond3A_97 = arith.constant 0 : i32
    %cond3A_98 = arith.cmpi ne, %convert_element_type3A_96, %cond3A_97 : i32
    scf.if %cond3A_98 {
      %mul3A_104 = arith.constant 1248 : i32
      %mul3A_105 = arith.muli %arg1, %mul3A_104 : i32
      %mul3A_106 = arith.constant 1248 : i32
      %mul3A_107 = arith.muli %arg1, %mul3A_106 : i32
      "tpu.region"() ({
        %run_scoped3A = tpu.sem_alloc : memref<!tpu.dma_semaphore, #tpu.memory_space<semaphore_mem>>
        %dma_start3A_108 = arith.constant 0 : i32
        %dma_start3A_109 = tpu.memref_slice %arg6[%arg0, %mul3A_107, %dma_start3A_108] : memref<2x10008x32xf32, #tpu.memory_space<hbm>> -> memref<1x1248x32xf32, #tpu.memory_space<hbm>>
        %dma_start3A_110 = tpu.memref_squeeze %dma_start3A_109 : memref<1x1248x32xf32, #tpu.memory_space<hbm>> -> memref<1248x32xf32, #tpu.memory_space<hbm>>
        %dma_start3A_111 = arith.constant 0 : i32
        %dma_start3A_112 = tpu.memref_slice %arg13[%mul3A_105, %dma_start3A_111] : memref<10008x32xf32, #tpu.memory_space<vmem_shared>> -> memref<1248x32xf32, #tpu.memory_space<vmem_shared>>
        tpu.enqueue_dma source(%dma_start3A_112 : memref<1248x32xf32, #tpu.memory_space<vmem_shared>>) target(%dma_start3A_110 : memref<1248x32xf32, #tpu.memory_space<hbm>>) target_semaphore(%run_scoped3A : memref<!tpu.dma_semaphore, #tpu.memory_space<semaphore_mem>>)
        %dma_wait3A_113 = arith.constant 0 : i32
        %dma_wait3A_114 = tpu.memref_slice %arg6[%arg0, %mul3A_107, %dma_wait3A_113] : memref<2x10008x32xf32, #tpu.memory_space<hbm>> -> memref<1x1248x32xf32, #tpu.memory_space<hbm>>
        %dma_wait3A_115 = tpu.memref_squeeze %dma_wait3A_114 : memref<1x1248x32xf32, #tpu.memory_space<hbm>> -> memref<1248x32xf32, #tpu.memory_space<hbm>>
        %dma_wait3A_116 = arith.constant 0 : i32
        %dma_wait3A_117 = tpu.memref_slice %arg13[%mul3A_105, %dma_wait3A_116] : memref<10008x32xf32, #tpu.memory_space<vmem_shared>> -> memref<1248x32xf32, #tpu.memory_space<vmem_shared>>
        tpu.wait_dma2 semaphore(%run_scoped3A : memref<!tpu.dma_semaphore, #tpu.memory_space<semaphore_mem>>) src(%dma_wait3A_117 : memref<1248x32xf32, #tpu.memory_space<vmem_shared>>) dst(%dma_wait3A_115 : memref<1248x32xf32, #tpu.memory_space<hbm>>)
        tpu.yield
      }) : () -> ()
    } else {
    }
    %eq3A_99 = arith.constant 8 : i32
    %eq3A_100 = arith.cmpi eq, %arg1, %eq3A_99 : i32
    %convert_element_type3A_101 = arith.extui %eq3A_100 : i1 to i32
    %cond3A_102 = arith.constant 0 : i32
    %cond3A_103 = arith.cmpi ne, %convert_element_type3A_101, %cond3A_102 : i32
    scf.if %cond3A_103 {
      "tpu.region"() ({
        %run_scoped3A = tpu.sem_alloc : memref<!tpu.dma_semaphore, #tpu.memory_space<semaphore_mem>>
        %dma_start3A_104 = arith.constant 9984 : i32
        %dma_start3A_105 = arith.constant 0 : i32
        %dma_start3A_106 = tpu.memref_slice %arg6[%arg0, %dma_start3A_104, %dma_start3A_105] : memref<2x10008x32xf32, #tpu.memory_space<hbm>> -> memref<1x24x32xf32, #tpu.memory_space<hbm>>
        %dma_start3A_107 = tpu.memref_squeeze %dma_start3A_106 : memref<1x24x32xf32, #tpu.memory_space<hbm>> -> memref<24x32xf32, #tpu.memory_space<hbm>>
        %dma_start3A_108 = arith.constant 9984 : i32
        %dma_start3A_109 = arith.constant 0 : i32
        %dma_start3A_110 = tpu.memref_slice %arg13[%dma_start3A_108, %dma_start3A_109] : memref<10008x32xf32, #tpu.memory_space<vmem_shared>> -> memref<24x32xf32, #tpu.memory_space<vmem_shared>>
        tpu.enqueue_dma source(%dma_start3A_110 : memref<24x32xf32, #tpu.memory_space<vmem_shared>>) target(%dma_start3A_107 : memref<24x32xf32, #tpu.memory_space<hbm>>) target_semaphore(%run_scoped3A : memref<!tpu.dma_semaphore, #tpu.memory_space<semaphore_mem>>)
        %dma_wait3A_111 = arith.constant 9984 : i32
        %dma_wait3A_112 = arith.constant 0 : i32
        %dma_wait3A_113 = tpu.memref_slice %arg6[%arg0, %dma_wait3A_111, %dma_wait3A_112] : memref<2x10008x32xf32, #tpu.memory_space<hbm>> -> memref<1x24x32xf32, #tpu.memory_space<hbm>>
        %dma_wait3A_114 = tpu.memref_squeeze %dma_wait3A_113 : memref<1x24x32xf32, #tpu.memory_space<hbm>> -> memref<24x32xf32, #tpu.memory_space<hbm>>
        %dma_wait3A_115 = arith.constant 9984 : i32
        %dma_wait3A_116 = arith.constant 0 : i32
        %dma_wait3A_117 = tpu.memref_slice %arg13[%dma_wait3A_115, %dma_wait3A_116] : memref<10008x32xf32, #tpu.memory_space<vmem_shared>> -> memref<24x32xf32, #tpu.memory_space<vmem_shared>>
        tpu.wait_dma2 semaphore(%run_scoped3A : memref<!tpu.dma_semaphore, #tpu.memory_space<semaphore_mem>>) src(%dma_wait3A_117 : memref<24x32xf32, #tpu.memory_space<vmem_shared>>) dst(%dma_wait3A_114 : memref<24x32xf32, #tpu.memory_space<hbm>>)
        tpu.yield
      }) : () -> ()
    } else {
    }
    return
  }
}

module attributes {stable_mosaic.version = 14 : i64} {
  func.func @_tc_layer1_body(%arg0: memref<10000x128xf32, #tpu.memory_space<vmem>>, %arg1: memref<128x32xf32, #tpu.memory_space<vmem>>, %arg2: memref<2x10008xf32, #tpu.memory_space<vmem>>, %arg3: memref<10008x32xf32, #tpu.memory_space<vmem>>, %arg4: memref<10008x1xf32, #tpu.memory_space<vmem>>) attributes {dimension_semantics = [], scalar_prefetch = 0 : i64, scratch_operands = 0 : i64, tpu.core_type = #tpu.core_type<tc>} {
    %get3A = arith.constant 0 : index
    %get3A_0 = arith.constant 0 : index
    %get3A_1 = vector.load %arg2[%get3A, %get3A_0] : memref<2x10008xf32, #tpu.memory_space<vmem>>, vector<1x10008xf32>
    %get3A_2 = vector.shape_cast %get3A_1 : vector<1x10008xf32> to vector<10008xf32>
    %get3A_3 = arith.constant 1 : index
    %get3A_4 = arith.constant 0 : index
    %get3A_5 = vector.load %arg2[%get3A_3, %get3A_4] : memref<2x10008xf32, #tpu.memory_space<vmem>>, vector<1x10008xf32>
    %get3A_6 = vector.shape_cast %get3A_5 : vector<1x10008xf32> to vector<10008xf32>
    %add3A = arith.addf %get3A_2, %get3A_6 : vector<10008xf32>
    %add3A_7 = arith.constant 1.000000e+00 : f32
    %add3A_8 = vector.broadcast %add3A_7 : f32 to vector<10008xf32>
    %add3A_9 = arith.addf %add3A, %add3A_8 : vector<10008xf32>
    %rsqrt3A = math.rsqrt %add3A_9 : vector<10008xf32>
    %reshape3A = vector.shape_cast %rsqrt3A : vector<10008xf32> to vector<10008x1xf32>
    %get3A_10 = arith.constant 0 : index
    %get3A_11 = arith.constant 0 : index
    %get3A_12 = vector.load %arg0[%get3A_10, %get3A_11] : memref<10000x128xf32, #tpu.memory_space<vmem>>, vector<10000x128xf32>
    %get3A_13 = arith.constant 0 : index
    %get3A_14 = arith.constant 0 : index
    %get3A_15 = vector.load %arg1[%get3A_13, %get3A_14] : memref<128x32xf32, #tpu.memory_space<vmem>>, vector<128x32xf32>
    %dot_general3A = arith.constant dense<0.000000e+00> : vector<10000x32xf32>
    %dot_general3A_16 = tpu.matmul %get3A_12, %get3A_15, %dot_general3A {dimension_numbers = #tpu.dot_dimension_numbers<[1], [0], [0], [1], [0, 0, 1, 1], [], []>, transpose_lhs_hint = false} : vector<10000x128xf32>, vector<128x32xf32>, vector<10000x32xf32> -> vector<10000x32xf32>
    %slice3A = vector.extract_strided_slice %reshape3A {offsets = [0, 0], sizes = [10000, 1], strides = [1, 1]} : vector<10008x1xf32> to vector<10000x1xf32>
    %mul3A = vector.broadcast %slice3A : vector<10000x1xf32> to vector<10000x32xf32>
    %mul3A_17 = arith.mulf %dot_general3A_16, %mul3A : vector<10000x32xf32>
    %swap3A = arith.constant 0 : index
    %swap3A_18 = arith.constant 0 : index
    %swap3A_19 = vector.load %arg3[%swap3A, %swap3A_18] : memref<10008x32xf32, #tpu.memory_space<vmem>>, vector<10000x32xf32>
    tpu.vector_store %arg3[%swap3A, %swap3A_18], %mul3A_17 {strides = array<i32>} : memref<10008x32xf32, #tpu.memory_space<vmem>>, vector<10000x32xf32>,
    %broadcast_in_dim3A = arith.constant 0.000000e+00 : f32
    %broadcast_in_dim3A_20 = vector.broadcast %broadcast_in_dim3A : f32 to vector<8x32xf32>
    %swap3A_21 = arith.constant 10000 : index
    %swap3A_22 = arith.constant 0 : index
    %swap3A_23 = vector.load %arg3[%swap3A_21, %swap3A_22] : memref<10008x32xf32, #tpu.memory_space<vmem>>, vector<8x32xf32>
    tpu.vector_store %arg3[%swap3A_21, %swap3A_22], %broadcast_in_dim3A_20 {strides = array<i32>} : memref<10008x32xf32, #tpu.memory_space<vmem>>, vector<8x32xf32>,
    %swap3A_24 = arith.constant 0 : index
    %swap3A_25 = arith.constant 0 : index
    %swap3A_26 = vector.load %arg4[%swap3A_24, %swap3A_25] : memref<10008x1xf32, #tpu.memory_space<vmem>>, vector<10008x1xf32>
    tpu.vector_store %arg4[%swap3A_24, %swap3A_25], %reshape3A {strides = array<i32>} : memref<10008x1xf32, #tpu.memory_space<vmem>>, vector<10008x1xf32>,
    return
  }
}

module attributes {stable_mosaic.version = 14 : i64} {
  func.func @_tc_combine_body(%arg0: memref<2x10008x32xf32, #tpu.memory_space<vmem>>, %arg1: memref<10008x1xf32, #tpu.memory_space<vmem>>, %arg2: memref<1x32xf32, #tpu.memory_space<vmem>>, %arg3: memref<32x32xf32, #tpu.memory_space<vmem>>, %arg4: memref<10008x32xf32, #tpu.memory_space<vmem>>) attributes {dimension_semantics = [], scalar_prefetch = 0 : i64, scratch_operands = 0 : i64, tpu.core_type = #tpu.core_type<tc>} {
    %get3A = arith.constant 0 : index
    %get3A_0 = arith.constant 0 : index
    %get3A_1 = vector.load %arg1[%get3A, %get3A_0] : memref<10008x1xf32, #tpu.memory_space<vmem>>, vector<10008x1xf32>
    %get3A_2 = arith.constant 0 : index
    %get3A_3 = arith.constant 0 : index
    %get3A_4 = arith.constant 0 : index
    %get3A_5 = vector.load %arg0[%get3A_2, %get3A_3, %get3A_4] : memref<2x10008x32xf32, #tpu.memory_space<vmem>>, vector<1x10008x32xf32>
    %get3A_6 = vector.shape_cast %get3A_5 : vector<1x10008x32xf32> to vector<10008x32xf32>
    %get3A_7 = arith.constant 1 : index
    %get3A_8 = arith.constant 0 : index
    %get3A_9 = arith.constant 0 : index
    %get3A_10 = vector.load %arg0[%get3A_7, %get3A_8, %get3A_9] : memref<2x10008x32xf32, #tpu.memory_space<vmem>>, vector<1x10008x32xf32>
    %get3A_11 = vector.shape_cast %get3A_10 : vector<1x10008x32xf32> to vector<10008x32xf32>
    %add3A = arith.addf %get3A_6, %get3A_11 : vector<10008x32xf32>
    %mul3A = vector.broadcast %get3A_1 : vector<10008x1xf32> to vector<10008x32xf32>
    %mul3A_12 = arith.mulf %add3A, %mul3A : vector<10008x32xf32>
    %get3A_13 = arith.constant 0 : index
    %get3A_14 = arith.constant 0 : index
    %get3A_15 = vector.load %arg2[%get3A_13, %get3A_14] : memref<1x32xf32, #tpu.memory_space<vmem>>, vector<1x32xf32>
    %add3A_16 = vector.broadcast %get3A_15 : vector<1x32xf32> to vector<10008x32xf32>
    %add3A_17 = arith.addf %mul3A_12, %add3A_16 : vector<10008x32xf32>
    %max3A = arith.constant 0.000000e+00 : f32
    %max3A_18 = vector.broadcast %max3A : f32 to vector<10008x32xf32>
    %max3A_19 = arith.maximumf %add3A_17, %max3A_18 : vector<10008x32xf32>
    %get3A_20 = arith.constant 0 : index
    %get3A_21 = arith.constant 0 : index
    %get3A_22 = vector.load %arg3[%get3A_20, %get3A_21] : memref<32x32xf32, #tpu.memory_space<vmem>>, vector<32x32xf32>
    %dot_general3A = arith.constant dense<0.000000e+00> : vector<10008x32xf32>
    %dot_general3A_23 = tpu.matmul %max3A_19, %get3A_22, %dot_general3A {dimension_numbers = #tpu.dot_dimension_numbers<[1], [0], [0], [1], [0, 0, 1, 1], [], []>, transpose_lhs_hint = false} : vector<10008x32xf32>, vector<32x32xf32>, vector<10008x32xf32> -> vector<10008x32xf32>
    %iota3A = tpu.iota {dimensions = array<i32: 0>} : vector<10008x1xi32>
    %lt3A = arith.constant 10000 : i32
    %lt3A_24 = vector.broadcast %lt3A : i32 to vector<10008x1xi32>
    %lt3A_25 = arith.cmpi slt, %iota3A, %lt3A_24 : vector<10008x1xi32>
    %mul3A_26 = vector.broadcast %get3A_1 : vector<10008x1xf32> to vector<10008x32xf32>
    %mul3A_27 = arith.mulf %dot_general3A_23, %mul3A_26 : vector<10008x32xf32>
    %jit3A = arith.constant 0.000000e+00 : f32
    %broadcast_in_dim3A = vector.shape_cast %lt3A_25 : vector<10008x1xi1> to vector<10008x1xi1>
    %broadcast_in_dim3A_28 = vector.broadcast %broadcast_in_dim3A : vector<10008x1xi1> to vector<10008x32xi1>
    %broadcast_in_dim3A_29 = vector.broadcast %jit3A : f32 to vector<10008x32xf32>
    %select_n3A = arith.select %broadcast_in_dim3A_28, %mul3A_27, %broadcast_in_dim3A_29 : vector<10008x32xi1>, vector<10008x32xf32>
    %swap3A = arith.constant 0 : index
    %swap3A_30 = arith.constant 0 : index
    %swap3A_31 = vector.load %arg4[%swap3A, %swap3A_30] : memref<10008x32xf32, #tpu.memory_space<vmem>>, vector<10008x32xf32>
    tpu.vector_store %arg4[%swap3A, %swap3A_30], %select_n3A {strides = array<i32>} : memref<10008x32xf32, #tpu.memory_space<vmem>>, vector<10008x32xf32>,
    return
  }
}

module attributes {stable_mosaic.version = 14 : i64} {
  func.func @_tc_final_body(%arg0: memref<2x10008x32xf32, #tpu.memory_space<vmem>>, %arg1: memref<10008x1xf32, #tpu.memory_space<vmem>>, %arg2: memref<1x32xf32, #tpu.memory_space<vmem>>, %arg3: memref<1x10000xi32, #tpu.memory_space<vmem>>, %arg4: memref<32x10xf32, #tpu.memory_space<vmem>>, %arg5: memref<1x10xf32, #tpu.memory_space<vmem>>, %arg6: memref<64x10xf32, #tpu.memory_space<vmem>>) attributes {dimension_semantics = [], scalar_prefetch = 0 : i64, scratch_operands = 0 : i64, tpu.core_type = #tpu.core_type<tc>} {
    %get3A = arith.constant 0 : index
    %get3A_0 = arith.constant 0 : index
    %get3A_1 = arith.constant 0 : index
    %get3A_2 = vector.load %arg0[%get3A, %get3A_0, %get3A_1] : memref<2x10008x32xf32, #tpu.memory_space<vmem>>, vector<1x10000x32xf32>
    %get3A_3 = vector.shape_cast %get3A_2 : vector<1x10000x32xf32> to vector<10000x32xf32>
    %get3A_4 = arith.constant 1 : index
    %get3A_5 = arith.constant 0 : index
    %get3A_6 = arith.constant 0 : index
    %get3A_7 = vector.load %arg0[%get3A_4, %get3A_5, %get3A_6] : memref<2x10008x32xf32, #tpu.memory_space<vmem>>, vector<1x10000x32xf32>
    %get3A_8 = vector.shape_cast %get3A_7 : vector<1x10000x32xf32> to vector<10000x32xf32>
    %add3A = arith.addf %get3A_3, %get3A_8 : vector<10000x32xf32>
    %get3A_9 = arith.constant 0 : index
    %get3A_10 = arith.constant 0 : index
    %get3A_11 = vector.load %arg1[%get3A_9, %get3A_10] : memref<10008x1xf32, #tpu.memory_space<vmem>>, vector<10000x1xf32>
    %mul3A = vector.broadcast %get3A_11 : vector<10000x1xf32> to vector<10000x32xf32>
    %mul3A_12 = arith.mulf %add3A, %mul3A : vector<10000x32xf32>
    %get3A_13 = arith.constant 0 : index
    %get3A_14 = arith.constant 0 : index
    %get3A_15 = vector.load %arg2[%get3A_13, %get3A_14] : memref<1x32xf32, #tpu.memory_space<vmem>>, vector<1x32xf32>
    %add3A_16 = vector.broadcast %get3A_15 : vector<1x32xf32> to vector<10000x32xf32>
    %add3A_17 = arith.addf %mul3A_12, %add3A_16 : vector<10000x32xf32>
    %iota3A = tpu.iota {dimensions = array<i32: 0>} : vector<64x10000xi32>
    %get3A_18 = arith.constant 0 : index
    %get3A_19 = arith.constant 0 : index
    %get3A_20 = vector.load %arg3[%get3A_18, %get3A_19] : memref<1x10000xi32, #tpu.memory_space<vmem>>, vector<1x10000xi32>
    %eq3A = vector.broadcast %get3A_20 : vector<1x10000xi32> to vector<64x10000xi32>
    %eq3A_21 = arith.cmpi eq, %eq3A, %iota3A : vector<64x10000xi32>
    %convert_element_type3A = arith.extui %eq3A_21 : vector<64x10000xi1> to vector<64x10000xi32>
    %convert_element_type3A_22 = arith.sitofp %convert_element_type3A : vector<64x10000xi32> to vector<64x10000xf32>
    %dot_general3A = arith.constant dense<0.000000e+00> : vector<64x32xf32>
    %dot_general3A_23 = tpu.matmul %convert_element_type3A_22, %add3A_17, %dot_general3A {dimension_numbers = #tpu.dot_dimension_numbers<[1], [0], [0], [1], [0, 0, 1, 1], [], []>, transpose_lhs_hint = false} : vector<64x10000xf32>, vector<10000x32xf32>, vector<64x32xf32> -> vector<64x32xf32>
    %broadcast_in_dim3A = arith.constant 1.000000e+00 : f32
    %broadcast_in_dim3A_24 = vector.broadcast %broadcast_in_dim3A : f32 to vector<10000x1xf32>
    %dot_general3A_25 = arith.constant dense<0.000000e+00> : vector<64x1xf32>
    %dot_general3A_26 = tpu.matmul %convert_element_type3A_22, %broadcast_in_dim3A_24, %dot_general3A_25 {dimension_numbers = #tpu.dot_dimension_numbers<[1], [0], [0], [1], [0, 0, 1, 1], [], []>, transpose_lhs_hint = false} : vector<64x10000xf32>, vector<10000x1xf32>, vector<64x1xf32> -> vector<64x1xf32>
    %max3A = arith.constant 1.000000e+00 : f32
    %max3A_27 = vector.broadcast %max3A : f32 to vector<64x1xf32>
    %max3A_28 = arith.maximumf %dot_general3A_26, %max3A_27 : vector<64x1xf32>
    %div3A = vector.broadcast %max3A_28 : vector<64x1xf32> to vector<64x32xf32>
    %div3A_29 = arith.divf %dot_general3A_23, %div3A : vector<64x32xf32>
    %get3A_30 = arith.constant 0 : index
    %get3A_31 = arith.constant 0 : index
    %get3A_32 = vector.load %arg4[%get3A_30, %get3A_31] : memref<32x10xf32, #tpu.memory_space<vmem>>, vector<32x10xf32>
    %dot_general3A_33 = arith.constant dense<0.000000e+00> : vector<64x10xf32>
    %dot_general3A_34 = tpu.matmul %div3A_29, %get3A_32, %dot_general3A_33 {dimension_numbers = #tpu.dot_dimension_numbers<[1], [0], [0], [1], [0, 0, 1, 1], [], []>, transpose_lhs_hint = false} : vector<64x32xf32>, vector<32x10xf32>, vector<64x10xf32> -> vector<64x10xf32>
    %get3A_35 = arith.constant 0 : index
    %get3A_36 = arith.constant 0 : index
    %get3A_37 = vector.load %arg5[%get3A_35, %get3A_36] : memref<1x10xf32, #tpu.memory_space<vmem>>, vector<1x10xf32>
    %add3A_38 = vector.broadcast %get3A_37 : vector<1x10xf32> to vector<64x10xf32>
    %add3A_39 = arith.addf %dot_general3A_34, %add3A_38 : vector<64x10xf32>
    %swap3A = arith.constant 0 : index
    %swap3A_40 = arith.constant 0 : index
    %swap3A_41 = vector.load %arg6[%swap3A, %swap3A_40] : memref<64x10xf32, #tpu.memory_space<vmem>>, vector<64x10xf32>
    tpu.vector_store %arg6[%swap3A, %swap3A_40], %add3A_39 {strides = array<i32>} : memref<64x10xf32, #tpu.memory_space<vmem>>, vector<64x10xf32>,
    return
  }
}

</mosaic_0001>

<sc_bundles>
// kernel: kernel.10.cloned.1.call-start
scs
__scs_entry_jumppad:
0x0: {  	(pc) =	sbr.rel $0x88, $3  }
0x1: {  	(tag) =	ssettag $0x0;
	lr =	simm.s32 $0x1  }
0x2: {  	[smem:$0x3F96] =	sst lr;
	_ =	strace $0xD0000000  }
0x3: {  	_ = 	snop  }
0x4: {  	_ = 	snop  }
0x5: {  	_ = 	snop  }
0x6: {  	_ = 	snop  }
0x7: {  	_ = 	snop  }
__scs_overlays_trampoline_lowered:
0x8: {  	[smem:$0x3FA5] =	sst s0  }
0x9: {  	[smem:$0x3FA6] =	sst s1  }
0xa: {  	[smem:$0x3FA7] =	sst s2  }
0xb: {  	[smem:$0x3FA8] =	sst s3  }
0xc: {  	[smem:$0x3FA9] =	sst s4  }
0xd: {  	[smem:$0x3FAA] =	sst s5  }
0xe: {  	[smem:$0x3FAB] =	sst s6  }
0xf: {  	[smem:$0x3FAC] =	sst s7  }
0x10: {  	[smem:$0x3FAD] =	sst s8  }
0x11: {  	[smem:$0x3FAE] =	sst s9;
	s0 =	simm.s32 @!p0 $0x0  }
0x12: {  	s1 =	sld [smem:$0x3F94];
	s0 =	simm.s32 @p0 $0x1  }
0x13: {  	[smem:$0x3FAF] =	sst s0;
	s0 =	simm.s32 @!p1 $0x0  }
0x14: {  	s2 =	sld [smem:$0x3F93];
	s0 =	simm.s32 @p1 $0x1  }
0x15: {  	[smem:$0x3FB0] =	sst s0;
	s0 =	simm.s32 @!p2 $0x0  }
0x16: {  	s3 =	sld [smem:$0x3FDB];
	s0 =	simm.s32 @p2 $0x1  }
0x17: {  	s4 =	simm.s32 $0x1BF5;
	[smem:$0x3FB2] =	sst s0  }
0x18: {  	s0 =	sld [smem:$0x3F95];
	_ =	swait.ge [sflag:s4], $0x0  }
0x19: {  	s7 =	sld [smem:$0x3F96]  }
0x1a: {  	s8 =	sadd.s32 $0xFFFFE003, lr  }
0x1b: {  	s9 =	sadd.s32 $0xFFFFFEF7, lr;
	s5 =	simm.s32 $0xFFFFFFFF;
	p2 =	slt.u32 s8, $0xFFFFF086  }
0x1c: {  	p1 =	slt.u32 s9, $0xF7A;
	s5 =	simm.s32 @!p2 $0x0  }
0x1d: {  	s5 =	simm.s32 @p1 $0x1;
	p0 =	seq.s32 s7, s2  }
0x1e: {  	s7 =	smul.u32 @!p0 $0xF7A, s2;
	p2 =	seq.s32 @!p0 s5, $0x0  }
0x1f: {  	s9 =	smul.u32 $0xF7A, s1;
	s8 =	simm.s32 @!p0 $0x1BF5;
	p2 =	por !p2, p0  }
0x20: {  	[sflag:s8] =	ssyncset.s32 @!p0 $0xFFFFF086;
	s6 =	sadd.s32 @!p0 s3, s7;
	s7 =	simm.s32 @!p0 $0x108  }
0x21: {  	s3 =	sadd.s32 s3, s9;
	s6 =	sadd.s32 @!p0 $0x88, s6;
	s7 =	simm.s32 @p2 $0x1082  }
0x22: {  	[simem:s7], [sflag:s8] =	dma.local @!p0 [hbm:s6], $0xF7A  }
0x23: {  	s9 =	sor.u32 $0xD0000000, s2;
	s6 =	simm.s32 $0x108;
	_ =	swait.ge @!p0 [sflag:s8], $0x0  }
0x24: {  	s3 =	sadd.s32 $0x88, s3;
	s6 =	simm.s32 @!p1 $0x1082;
	[sflag:s4] =	ssyncset.s32 $0xFFFFF086  }
0x25: {  	[simem:s6], [sflag:s4] =	dma.local [hbm:s3], $0xF7A  }
0x26: {  	[smem:$0x3F96] =	sst s1;
	(tag) =	ssettag s2;
	_ =	strace s9  }
0x27: {  	s1 =	sld [smem:$0x3FA6]  }
0x28: {  	s2 =	sld [smem:$0x3FA7]  }
0x29: {  	s4 =	sld [smem:$0x3FA9]  }
0x2a: {  	p0 =	seq.s32 s5, $0x0;
	s5 =	sld [smem:$0x3FAA]  }
0x2b: {  	s6 =	sld [smem:$0x3FAB]  }
0x2c: {  	s7 =	sld [smem:$0x3FAC]  }
0x2d: {  	s3 =	simm.s32 $0x108;
	s8 =	sld [smem:$0x3FAD]  }
0x2e: {  	s3 =	simm.s32 @!p0 $0x1082;
	s9 =	sld [smem:$0x3FAE]  }
0x2f: {  	lr =	sadd.s32 s0, s3;
	s0 =	sld [smem:$0x3FA5]  }
0x30: {  	s3 =	sld [smem:$0x3FA8]  }
0x31: {  	[smem:$0x3FB1] =	sst s10  }
0x32: {  	s10 =	sld [smem:$0x3FAF];
	_ =	sdelay $0x3  }
0x33: {  	p0 =	seq.s32 s10, $0x1;
	s10 =	sld [smem:$0x3FB1];
	_ =	sdelay $0x3  }
0x34: {  	[smem:$0x3FB1] =	sst s10  }
0x35: {  	s10 =	sld [smem:$0x3FB0];
	_ =	sdelay $0x3  }
0x36: {  	p1 =	seq.s32 s10, $0x1;
	s10 =	sld [smem:$0x3FB1];
	_ =	sdelay $0x3  }
0x37: {  	[smem:$0x3FB1] =	sst s10  }
0x38: {  	s10 =	sld [smem:$0x3FB2]  }
0x39: {  	_ = 	snop;
	(pc) =	sbr.ind lr, $3  }
0x3a: {  	_ = 	snop  }
0x3b: {  	_ = 	snop  }
0x3c: {  	p2 =	seq.s32 s10, $0x1;
	s10 =	sld [smem:$0x3FB1]  }
0x3d: {  	_ =	shalt  }
0x3e: {  	_ =	shalt  }
0x3f: {  	_ =	shalt  }
0x40: {  	_ =	shalt  }
0x41: {  	_ =	shalt  }
0x42: {  	_ =	shalt  }
0x43: {  	_ =	shalt  }
0x44: {  	_ =	shalt  }
0x45: {  	_ =	shalt  }
0x46: {  	_ =	shalt  }
0x47: {  	_ =	shalt  }
0x48: {  	_ =	shalt  }
0x49: {  	_ =	shalt  }
0x4a: {  	_ =	shalt  }
0x4b: {  	_ =	shalt  }
0x4c: {  	_ =	shalt  }
0x4d: {  	_ =	shalt  }
0x4e: {  	_ =	shalt  }
0x4f: {  	_ =	shalt  }
0x50: {  	_ =	shalt  }
0x51: {  	_ =	shalt  }
0x52: {  	_ =	shalt  }
0x53: {  	_ =	shalt  }
0x54: {  	_ =	shalt  }
0x55: {  	_ =	shalt  }
0x56: {  	_ =	shalt  }
0x57: {  	_ =	shalt  }
0x58: {  	_ =	shalt  }
0x59: {  	_ =	shalt  }
0x5a: {  	_ =	shalt  }
0x5b: {  	_ =	shalt  }
0x5c: {  	_ =	shalt  }
0x5d: {  	_ =	shalt  }
0x5e: {  	_ =	shalt  }
0x5f: {  	_ =	shalt  }
0x60: {  	_ =	shalt  }
0x61: {  	_ =	shalt  }
0x62: {  	_ =	shalt  }
0x63: {  	_ =	shalt  }
0x64: {  	_ =	shalt  }
0x65: {  	_ =	shalt  }
0x66: {  	_ =	shalt  }
0x67: {  	_ =	shalt  }
0x68: {  	_ =	shalt  }
0x69: {  	_ =	shalt  }
0x6a: {  	_ =	shalt  }
0x6b: {  	_ =	shalt  }
0x6c: {  	_ =	shalt  }
0x6d: {  	_ =	shalt  }
0x6e: {  	_ =	shalt  }
0x6f: {  	_ =	shalt  }
0x70: {  	_ =	shalt  }
0x71: {  	_ =	shalt  }
0x72: {  	_ =	shalt  }
0x73: {  	_ =	shalt  }
0x74: {  	_ =	shalt  }
0x75: {  	_ =	shalt  }
0x76: {  	_ =	shalt  }
0x77: {  	_ =	shalt  }
0x78: {  	_ =	shalt  }
0x79: {  	_ =	shalt  }
0x7a: {  	_ =	shalt  }
0x7b: {  	_ =	shalt  }
0x7c: {  	_ =	shalt  }
0x7d: {  	_ =	shalt  }
0x7e: {  	_ =	shalt  }
0x7f: {  	_ =	shalt  }
0x80: {  	_ =	shalt  }
0x81: {  	_ =	shalt  }
0x82: {  	_ =	shalt  }
0x83: {  	_ =	shalt  }
0x84: {  	_ =	shalt  }
0x85: {  	_ =	shalt  }
0x86: {  	_ =	shalt  }
0x87: {  	_ =	shalt  }
.Lfunc_end0:
.L_simem_size_0:
called_computation_lowered:
.L_overlay_start_0:
0x88: {  	s2 =	sld [smem:$0x3FD9]  }
0x89: {  	s3 =	sld [smem:$0x3FFE];
	_ =	sdelay $0x1  }
0x8a: {  	s1 =	srdreg.scid  }
0x8b: {  	s0 =	sand.u32 $0x1, s1  }
0x8c: {  	s17 =	sshll.u32 s0, $0xA;
	s2 =	sadd.s32 s3, s2  }
0x8d: {  	s2 =	sadd.s32 s2, s17  }
0x8e: {  	[smem:$0x3FBD] =	sst s2  }
0x8f: {  	_ = 	snop  }
0x90: {  	s2 =	sld [smem:$0x3FD0];
	(tm) =	ssettm $0x1  }
0x91: {  	s18 =	sld [smem:$0x3FFB];
	_ =	sdelay $0x3  }
0x92: {  	_ =	strace s18  }
0x93: {  	s3 =	sld [smem:$0x3FFC];
	_ =	sdelay $0x3  }
0x94: {  	_ =	strace s3  }
0x95: {  	s3 =	sld [smem:$0x3FFD];
	_ =	sdelay $0x3  }
0x96: {  	_ =	strace s3  }
0x97: {  	_ =	strace $0x8FFFFFFF  }
0x98: {  	s19 =	sld [smem:$0x3FDB];
	_ =	sdelay $0x1  }
0x99: {  	s4 =	simm.s32 $_scs_section_size  }
0x9a: {  	s5 =	simm.s32 $_size__tile_overlayer_lowered;
	s6 =	simm.s32 $_tile_overlayer_lowered  }
0x9b: {  	s22 =	simm.s32 $0x1BFF;
	s21 =	sshll.u32 s6, $0x1;
	s3 =	sadd.s32 s4, s19  }
0x9c: {  	s7 =	simm.s32 $0x0;
	s20 =	sshll.u32 s5, $0x1;
	s5 =	sadd.s32 s21, s3  }
0x9d: {  	[timem:s7], [sflag:s22] =	dma.local [hbm:s5], s20  }
0x9e: {  	_ =	swait.ge [sflag:s22], s20  }
0x9f: {  	s4 =	ssub.s32 $0x0, s20;
	[sflag:s22] =	ssyncset.done $0x0  }
0xa0: {  	[sflag:s22] =	ssyncadd.s32 s4;
	_ =	sdelay $0x1  }
0xa1: {  	s23 =	simm.s32 $0x1B8B  }
0xa2: {  	_ =	swait.ge [sflag:s23], $0x1  }
0xa3: {  	[sflag:s23] =	ssyncset.done $0x0  }
0xa4: {  	s25 =	simm.s32 $0x1B8E;
	s24 =	sld [smem:$0x3FFE];
	[sflag:s23] =	ssyncadd.s32 $0xFFFFFFFF  }
0xa5: {  	s26 =	simm.s32 $execute0_lowered;
	[smem:$0x3FD2] =	sst s25  }
0xa6: {  	s5 =	sshll.u32 s26, $0x1;
	_ =	strace $0x80000046;
	[dreg:$0x1] =	wrdreg $0xFFFFFFFF  }
0xa7: {  	s28 =	simm.s32 $_size_execute0_lowered;
	s3 =	sadd.s32 s3, s5;
	[dreg:$0x0] =	wrdreg $0x0  }
0xa8: {  	s5 =	sshll.u32 s28, $0x1;
	[dreg:$0x2] =	wrdreg s3  }
0xa9: {  	[dreg:$0x3] =	wrdreg s5  }
0xaa: {  	[dreg:$0x4] =	wrdreg $0xC0  }
0xab: {  	_ =	task [dreg:s7], $0x5FFFF  }
0xac: {  	[dreg:$0x1] =	wrdreg $0xFFFFFFFF  }
0xad: {  	[dreg:$0x0] =	wrdreg $0x60  }
0xae: {  	[dreg:$0x2] =	wrdreg s24  }
0xaf: {  	[dreg:$0x3] =	wrdreg s2  }
0xb0: {  	[dreg:$0x4] =	wrdreg $0x28800  }
0xb1: {  	[dreg:$0x5] =	wrdreg $0x9  }
0xb2: {  	_ =	task.clear_ibuf [dreg:s7], $0x6FFFF;
	_ =	strace $0x90000046  }
0xb3: {  	s29 =	simm.s32 $0x9;
	_ =	strace $0x80000048  }
0xb4: {  	_ =	swait.ge [sflag:s29], $0x1  }
0xb5: {  	[sflag:s29] =	ssyncadd.s32 $0xFFFFFFFF  }
0xb6: {  	_ =	strace $0x90000048  }
0xb7: {  	_ =	sfence  }
0xb8: {  	s30 =	sld [smem:$0x0];
	_ =	sdelay $0x2  }
0xb9: {  	s31 =	sshll.u32 s1, $0xD;
	s1 =	sshrl.u32 s1, $0x2  }
0xba: {  	s3 =	sand.u32 $0x4000, s31;
	s1 =	sadd.s32 s1, s30  }
0xbb: {  	s0 =	sor.u32 s3, s0;
	s1 =	sshll.u32 s1, $0x11  }
0xbc: {  	s0 =	sor.u32 s1, s0  }
0xbd: {  	s0 =	sadd.s32 $0x8F2B, s0  }
0xbe: {  	[sflag:s0] =	ssyncadd.remote.s32 $0x1  }
0xbf: {  	_ =	sfence.sel $0xFFFF  }
0xc0: {  	[dreg:$0x0] =	wrdreg $0xFFFFFFFF;
	(pc) =	sbr.abs _section_cstart, $3  }
0xc1: {  	[dreg:$0x1] =	wrdreg $0xFFFFFFFF  }
0xc2: {  	_ =	task.clear_ibuf [dreg:s7], $0x2FFFF;
	_ =	strace $0x9FFFFFFF  }
0xc3: {  	(tm) =	ssettm $0x7FFFFFFF  }
tec
execute0_lowered:
.L_overlay_start_1:
0x0: {  	(tag) =	ssettag $0x1  }
0x1: {  	s5 =	rddreg [dreg:$0x0]  }
0x2: {  	s0 =	srdreg.scid;
	s1 =	rddreg [dreg:$0x1]  }
0x3: {  	s8 =	stileid.u32;
	s2 =	rddreg [dreg:$0x2]  }
0x4: {  	s3 =	simm.s32 $0x0;
	s11 =	simm.s32 $0x80;
	s12 =	simm.s32 $0x100  }
0x5: {  	s13 =	simm.s32 $0x180;
	s14 =	simm.s32 $0x1;
	s15 =	simm.s32 $0x2  }
0x6: {  	s16 =	simm.s32 $0x3;
	s17 =	simm.s32 $0x4;
	s4 =	sand.u32 $0x1, s0  }
0x7: {  	s18 =	simm.s32 $0x0;
	[smem:$0x7FF] =	sst s3;
	s0 =	sshll.u32 s4, $0x4  }
0x8: {  	p0 =	sne.s32 s8, $0x0;
	s7 =	smul.u32 $0x4E3, s4;
	s6 =	sor.u32 s8, s0  }
0x9: {  	s9 =	ssub.s32 $0x2, s4;
	s4 =	sadd.s32 $0xC400, s5;
	s6 =	smul.u32 $0x500, s6  }
0xa: {  	s0 =	rddreg [dreg:$0x3];
	_ =	strace $0x80000047;
	s10 =	sshrl.u32 s9, $0x1  }
0xb: {  	s8 =	simm.s32 $0x2800;
	s7 =	sadd.s32 s7, s5;
	s6 =	sadd.s32 s6, s5  }
0xc: {  	s9 =	ssub.s32 s9, s10;
	s10 =	sshrl.u32 @!p0 s2, $0x3;
	s5 =	sadd.s32 $0x2400, s6  }
0xd: {  	s6 =	sadd.s32 $0xCA00, s7;
	s7 =	smax.u32 s9, $0x1;
	s9 =	simm.s32 $0x5  }
.LBB2_1:
0xe: {  	[tilespmem:s8], [sflag:$0x5] =	stream.linear.gather [hbm4b:s1+s3], $0x80, $0x38;
	[tilespmem:$0x2AF8] =	vst v63  }
0xf: {  	_ =	swait.ge [sflag:s9], $0x80  }
0x10: {  	[sflag:s9] =	ssyncset.done $0x0  }
0x11: {  	[sflag:s9] =	ssyncadd.s32 $0xFFFFFF80  }
0x12: {  	[tilespmem:s3], [sflag:$0x5] =	stream.linear.gather [hbm4b:s5+s3], $0x2800, $0x38;
	[tilespmem:$0x2AF8] =	vst v63  }
0x13: {  	_ =	swait.ge [sflag:s9], $0x2800  }
0x14: {  	[sflag:s9] =	ssyncset.done $0x0  }
0x15: {  	s19 =	simm.s32 @!p0 $0x1C05;
	[sflag:s9] =	ssyncadd.s32 $0xFFFFD800  }
0x16: {  	[spmem:s10], [sflag:s19] =	dma.local @!p0 [hbm:s4], $0x4E3  }
0x17: {  	s19 =	simm.s32 @!p0 $0x5  }
0x18: {  	_ =	swait.ge @!p0 [sflag:s19], $0x4E3  }
0x19: {  	[sflag:s19] =	ssyncset.done @!p0 $0x0  }
0x1a: {  	[sflag:s19] =	ssyncadd.s32 @!p0 $0xFFFFFB1D  }
0x1b: {  	[bflag:$0x0] =	sbarrier.arrive $0xFFFF  }
0x1c: {  	[spmem:s2] =	stream.indirect.scatter.add.f32 [tilespmem:s8], [sflag:$0x1], $0x1, s3, s11, $0xb8;
	[tilespmem:$0x2AF8] =	vst v63  }
0x1d: {  	_ = 	snop  }
0x1e: {  	[spmem:s2] =	stream.indirect.scatter.add.f32 [tilespmem:s8], [sflag:$0x2], $0x1, s11, s11, $0xb8;
	[tilespmem:$0x2AF8] =	vst v63  }
0x1f: {  	_ = 	snop  }
0x20: {  	[spmem:s2] =	stream.indirect.scatter.add.f32 [tilespmem:s8], [sflag:$0x3], $0x1, s12, s11, $0xb8;
	[tilespmem:$0x2AF8] =	vst v63  }
0x21: {  	_ = 	snop  }
0x22: {  	[spmem:s2] =	stream.indirect.scatter.add.f32 [tilespmem:s8], [sflag:$0x4], $0x1, s13, s11, $0xb8;
	[tilespmem:$0x2AF8] =	vst v63  }
0x23: {  	_ =	swait.ge [sflag:s14], $0x80  }
0x24: {  	[sflag:s14] =	ssyncset.done $0x0  }
0x25: {  	s29 =	simm.s32 $0x200;
	[sflag:s14] =	ssyncadd.s32 $0xFFFFFF80  }
0x26: {  	[spmem:s2] =	stream.indirect.scatter.add.f32 [tilespmem:s8], [sflag:$0x1], $0x1, s29, s11, $0xb8;
	[tilespmem:$0x2AF8] =	vst v63  }
0x27: {  	_ =	swait.ge [sflag:s15], $0x80  }
0x28: {  	[sflag:s15] =	ssyncset.done $0x0  }
0x29: {  	s30 =	simm.s32 $0x280;
	[sflag:s15] =	ssyncadd.s32 $0xFFFFFF80  }
0x2a: {  	[spmem:s2] =	stream.indirect.scatter.add.f32 [tilespmem:s8], [sflag:$0x2], $0x1, s30, s11, $0xb8;
	[tilespmem:$0x2AF8] =	vst v63  }
0x2b: {  	_ =	swait.ge [sflag:s16], $0x80  }
0x2c: {  	[sflag:s16] =	ssyncset.done $0x0  }
0x2d: {  	s31 =	simm.s32 $0x300;
	[sflag:s16] =	ssyncadd.s32 $0xFFFFFF80  }
0x2e: {  	[spmem:s2] =	stream.indirect.scatter.add.f32 [tilespmem:s8], [sflag:$0x3], $0x1, s31, s11, $0xb8;
	[tilespmem:$0x2AF8] =	vst v63  }
0x2f: {  	_ =	swait.ge [sflag:s17], $0x80  }
0x30: {  	[sflag:s17] =	ssyncset.done $0x0  }
0x31: {  	s20 =	simm.s32 $0x380;
	s19 =	simm.s32 $0xFFFF7000;
	[sflag:s17] =	ssyncadd.s32 $0xFFFFFF80  }
.LBB2_2:
0x32: {  	[spmem:s2] =	stream.indirect.scatter.add.f32 [tilespmem:s8], [sflag:$0x4], $0x1, s20, s11, $0xb8;
	[tilespmem:$0x2AF8] =	vst v63  }
0x33: {  	s20 =	smov.u32 s19  }
0x34: {  	p1 =	sne.s32 s19, $0xFFFFF800;
	s19 =	sadd.s32 $0x800, s19;
	_ =	swait.ge [sflag:s14], $0x80  }
0x35: {  	s20 =	sshra.s32 s20, $0x2;
	[sflag:s14] =	ssyncset.done $0x0  }
0x36: {  	s21 =	sadd.s32 $0x2800, s20;
	[sflag:s14] =	ssyncadd.s32 $0xFFFFFF80  }
0x37: {  	[spmem:s2] =	stream.indirect.scatter.add.f32 [tilespmem:s8], [sflag:$0x1], $0x1, s21, s11, $0xb8;
	[tilespmem:$0x2AF8] =	vst v63  }
0x38: {  	_ =	swait.ge [sflag:s15], $0x80  }
0x39: {  	[sflag:s15] =	ssyncset.done $0x0  }
0x3a: {  	s21 =	sadd.s32 $0x2880, s20;
	[sflag:s15] =	ssyncadd.s32 $0xFFFFFF80  }
0x3b: {  	[spmem:s2] =	stream.indirect.scatter.add.f32 [tilespmem:s8], [sflag:$0x2], $0x1, s21, s11, $0xb8;
	[tilespmem:$0x2AF8] =	vst v63  }
0x3c: {  	_ =	swait.ge [sflag:s16], $0x80  }
0x3d: {  	[sflag:s16] =	ssyncset.done $0x0  }
.Ltmp0:
0x3e: {  	s21 =	sadd.s32 $0x2900, s20;
	[sflag:s16] =	ssyncadd.s32 $0xFFFFFF80;
	(pc) =	sbr.rel @p1 .LBB2_2-.Ltmp0, $4  }
0x3f: {  	[spmem:s2] =	stream.indirect.scatter.add.f32 [tilespmem:s8], [sflag:$0x3], $0x1, s21, s11, $0xb8;
	[tilespmem:$0x2AF8] =	vst v63  }
0x40: {  	_ =	swait.ge [sflag:s17], $0x80  }
0x41: {  	[sflag:s17] =	ssyncset.done $0x0  }
0x42: {  	s20 =	sadd.s32 $0x2980, s20;
	[sflag:s17] =	ssyncadd.s32 $0xFFFFFF80  }
0x43: {  	[spmem:s2] =	stream.indirect.scatter.add.f32 [tilespmem:s8], [sflag:$0x4], $0x1, s20, s11, $0xb8;
	[tilespmem:$0x2AF8] =	vst v63  }
0x44: {  	_ =	swait.ge [sflag:s14], $0x80  }
0x45: {  	[sflag:s14] =	ssyncset.done $0x0  }
0x46: {  	[sflag:s14] =	ssyncadd.s32 $0xFFFFFF80  }
0x47: {  	_ =	swait.ge [sflag:s15], $0x80  }
0x48: {  	[sflag:s15] =	ssyncset.done $0x0  }
0x49: {  	[sflag:s15] =	ssyncadd.s32 $0xFFFFFF80  }
0x4a: {  	_ =	swait.ge [sflag:s16], $0x80  }
0x4b: {  	[sflag:s16] =	ssyncset.done $0x0  }
0x4c: {  	[sflag:s16] =	ssyncadd.s32 $0xFFFFFF80  }
0x4d: {  	_ =	swait.ge [sflag:s17], $0x80  }
0x4e: {  	[sflag:s17] =	ssyncset.done $0x0  }
0x4f: {  	s18 =	sadd.s32 $0x1, s18;
	[sflag:s17] =	ssyncadd.s32 $0xFFFFFF80  }
0x50: {  	s19 =	simm.s32 @!p0 $0x1C05;
	p1 =	sne.s32 s18, s7;
	[bflag:$0x0] =	sbarrier.arrive $0xFFFF  }
0x51: {  	[hbm:s6], [sflag:s19] =	dma.local @!p0 [spmem:s10], $0x4E3  }
.Ltmp1:
0x52: {  	_ = 	snop;
	(pc) =	sbr.rel @p1 .LBB2_1-.Ltmp1, $4  }
0x53: {  	s19 =	simm.s32 @!p0 $0x5  }
0x54: {  	_ =	swait.ge @!p0 [sflag:s19], $0x4E3  }
0x55: {  	[sflag:s19] =	ssyncset.done @!p0 $0x0  }
0x56: {  	[sflag:s19] =	ssyncadd.s32 @!p0 $0xFFFFFB1D  }
0x57: {  	_ =	sfence.sel $0x180000  }
0x58: {  	[bflag:$0x0] =	sbarrier.arrive $0xFFFF  }
0x59: {  	_ =	strace $0x90000047  }
0x5a: {  	s0 =	sadd.s32 @!p0 $0x100000, s0;
	[bflag:$0x2] =	sbarrier.arrive $0xFFFF  }
0x5b: {  	[sflag:s0] =	ssyncadd.tile.s32 @!p0 $0x1;
	_ =	shalt  }
.Lfunc_end2:
_tile_overlayer_lowered:
.L_overlay_start_2:
0x5c: {  	(tag) =	ssettag $0x2  }
0x5d: {  	s0 =	rddreg [dreg:$0x0];
	s2 =	stileid.u32  }
0x5e: {  	s1 =	rddreg [dreg:$0x1];
	p0 =	sne.s32 s2, $0x0  }
0x5f: {  	s3 =	rddreg [dreg:$0x2];
	[bflag:$0x3] =	sbarrier.arrive $0xFFFF;
	s2 =	simm.s32 @!p0 $0x1C05  }
0x60: {  	[timem:s3], [sflag:s2] =	dma.local @!p0 [hbm:s0], s1  }
0x61: {  	s0 =	simm.s32 @!p0 $0x5  }
0x62: {  	_ =	swait.ge @!p0 [sflag:s0], s1  }
0x63: {  	s1 =	ssub.s32 @!p0 $0x0, s1;
	[sflag:s0] =	ssyncset.done @!p0 $0x0  }
0x64: {  	[sflag:s0] =	ssyncadd.s32 @!p0 s1  }
0x65: {  	[bflag:$0x3] =	sbarrier.arrive $0xFFFF  }
0x66: {  	_ =	shalt  }

// kernel: kernel.13.cloned.1.call-start
scs
__scs_entry_jumppad:
0x0: {  	(pc) =	sbr.rel $0x88, $3  }
0x1: {  	(tag) =	ssettag $0x0;
	lr =	simm.s32 $0x1  }
0x2: {  	[smem:$0x3F96] =	sst lr;
	_ =	strace $0xD0000000  }
0x3: {  	_ = 	snop  }
0x4: {  	_ = 	snop  }
0x5: {  	_ = 	snop  }
0x6: {  	_ = 	snop  }
0x7: {  	_ = 	snop  }
__scs_overlays_trampoline_lowered:
0x8: {  	[smem:$0x3FA5] =	sst s0  }
0x9: {  	[smem:$0x3FA6] =	sst s1  }
0xa: {  	[smem:$0x3FA7] =	sst s2  }
0xb: {  	[smem:$0x3FA8] =	sst s3  }
0xc: {  	[smem:$0x3FA9] =	sst s4  }
0xd: {  	[smem:$0x3FAA] =	sst s5  }
0xe: {  	[smem:$0x3FAB] =	sst s6  }
0xf: {  	[smem:$0x3FAC] =	sst s7  }
0x10: {  	[smem:$0x3FAD] =	sst s8  }
0x11: {  	[smem:$0x3FAE] =	sst s9;
	s0 =	simm.s32 @!p0 $0x0  }
0x12: {  	s1 =	sld [smem:$0x3F94];
	s0 =	simm.s32 @p0 $0x1  }
0x13: {  	[smem:$0x3FAF] =	sst s0;
	s0 =	simm.s32 @!p1 $0x0  }
0x14: {  	s2 =	sld [smem:$0x3F93];
	s0 =	simm.s32 @p1 $0x1  }
0x15: {  	[smem:$0x3FB0] =	sst s0;
	s0 =	simm.s32 @!p2 $0x0  }
0x16: {  	s3 =	sld [smem:$0x3FDB];
	s0 =	simm.s32 @p2 $0x1  }
0x17: {  	s4 =	simm.s32 $0x1BF5;
	[smem:$0x3FB2] =	sst s0  }
0x18: {  	s0 =	sld [smem:$0x3F95];
	_ =	swait.ge [sflag:s4], $0x0  }
0x19: {  	s7 =	sld [smem:$0x3F96]  }
0x1a: {  	s8 =	sadd.s32 $0xFFFFE003, lr  }
0x1b: {  	s9 =	sadd.s32 $0xFFFFFEF7, lr;
	s5 =	simm.s32 $0xFFFFFFFF;
	p2 =	slt.u32 s8, $0xFFFFF086  }
0x1c: {  	p1 =	slt.u32 s9, $0xF7A;
	s5 =	simm.s32 @!p2 $0x0  }
0x1d: {  	s5 =	simm.s32 @p1 $0x1;
	p0 =	seq.s32 s7, s2  }
0x1e: {  	s7 =	smul.u32 @!p0 $0xF7A, s2;
	p2 =	seq.s32 @!p0 s5, $0x0  }
0x1f: {  	s9 =	smul.u32 $0xF7A, s1;
	s8 =	simm.s32 @!p0 $0x1BF5;
	p2 =	por !p2, p0  }
0x20: {  	[sflag:s8] =	ssyncset.s32 @!p0 $0xFFFFF086;
	s6 =	sadd.s32 @!p0 s3, s7;
	s7 =	simm.s32 @!p0 $0x108  }
0x21: {  	s3 =	sadd.s32 s3, s9;
	s6 =	sadd.s32 @!p0 $0x88, s6;
	s7 =	simm.s32 @p2 $0x1082  }
0x22: {  	[simem:s7], [sflag:s8] =	dma.local @!p0 [hbm:s6], $0xF7A  }
0x23: {  	s9 =	sor.u32 $0xD0000000, s2;
	s6 =	simm.s32 $0x108;
	_ =	swait.ge @!p0 [sflag:s8], $0x0  }
0x24: {  	s3 =	sadd.s32 $0x88, s3;
	s6 =	simm.s32 @!p1 $0x1082;
	[sflag:s4] =	ssyncset.s32 $0xFFFFF086  }
0x25: {  	[simem:s6], [sflag:s4] =	dma.local [hbm:s3], $0xF7A  }
0x26: {  	[smem:$0x3F96] =	sst s1;
	(tag) =	ssettag s2;
	_ =	strace s9  }
0x27: {  	s1 =	sld [smem:$0x3FA6]  }
0x28: {  	s2 =	sld [smem:$0x3FA7]  }
0x29: {  	s4 =	sld [smem:$0x3FA9]  }
0x2a: {  	p0 =	seq.s32 s5, $0x0;
	s5 =	sld [smem:$0x3FAA]  }
0x2b: {  	s6 =	sld [smem:$0x3FAB]  }
0x2c: {  	s7 =	sld [smem:$0x3FAC]  }
0x2d: {  	s3 =	simm.s32 $0x108;
	s8 =	sld [smem:$0x3FAD]  }
0x2e: {  	s3 =	simm.s32 @!p0 $0x1082;
	s9 =	sld [smem:$0x3FAE]  }
0x2f: {  	lr =	sadd.s32 s0, s3;
	s0 =	sld [smem:$0x3FA5]  }
0x30: {  	s3 =	sld [smem:$0x3FA8]  }
0x31: {  	[smem:$0x3FB1] =	sst s10  }
0x32: {  	s10 =	sld [smem:$0x3FAF];
	_ =	sdelay $0x3  }
0x33: {  	p0 =	seq.s32 s10, $0x1;
	s10 =	sld [smem:$0x3FB1];
	_ =	sdelay $0x3  }
0x34: {  	[smem:$0x3FB1] =	sst s10  }
0x35: {  	s10 =	sld [smem:$0x3FB0];
	_ =	sdelay $0x3  }
0x36: {  	p1 =	seq.s32 s10, $0x1;
	s10 =	sld [smem:$0x3FB1];
	_ =	sdelay $0x3  }
0x37: {  	[smem:$0x3FB1] =	sst s10  }
0x38: {  	s10 =	sld [smem:$0x3FB2]  }
0x39: {  	_ = 	snop;
	(pc) =	sbr.ind lr, $3  }
0x3a: {  	_ = 	snop  }
0x3b: {  	_ = 	snop  }
0x3c: {  	p2 =	seq.s32 s10, $0x1;
	s10 =	sld [smem:$0x3FB1]  }
0x3d: {  	_ =	shalt  }
0x3e: {  	_ =	shalt  }
0x3f: {  	_ =	shalt  }
0x40: {  	_ =	shalt  }
0x41: {  	_ =	shalt  }
0x42: {  	_ =	shalt  }
0x43: {  	_ =	shalt  }
0x44: {  	_ =	shalt  }
0x45: {  	_ =	shalt  }
0x46: {  	_ =	shalt  }
0x47: {  	_ =	shalt  }
0x48: {  	_ =	shalt  }
0x49: {  	_ =	shalt  }
0x4a: {  	_ =	shalt  }
0x4b: {  	_ =	shalt  }
0x4c: {  	_ =	shalt  }
0x4d: {  	_ =	shalt  }
0x4e: {  	_ =	shalt  }
0x4f: {  	_ =	shalt  }
0x50: {  	_ =	shalt  }
0x51: {  	_ =	shalt  }
0x52: {  	_ =	shalt  }
0x53: {  	_ =	shalt  }
0x54: {  	_ =	shalt  }
0x55: {  	_ =	shalt  }
0x56: {  	_ =	shalt  }
0x57: {  	_ =	shalt  }
0x58: {  	_ =	shalt  }
0x59: {  	_ =	shalt  }
0x5a: {  	_ =	shalt  }
0x5b: {  	_ =	shalt  }
0x5c: {  	_ =	shalt  }
0x5d: {  	_ =	shalt  }
0x5e: {  	_ =	shalt  }
0x5f: {  	_ =	shalt  }
0x60: {  	_ =	shalt  }
0x61: {  	_ =	shalt  }
0x62: {  	_ =	shalt  }
0x63: {  	_ =	shalt  }
0x64: {  	_ =	shalt  }
0x65: {  	_ =	shalt  }
0x66: {  	_ =	shalt  }
0x67: {  	_ =	shalt  }
0x68: {  	_ =	shalt  }
0x69: {  	_ =	shalt  }
0x6a: {  	_ =	shalt  }
0x6b: {  	_ =	shalt  }
0x6c: {  	_ =	shalt  }
0x6d: {  	_ =	shalt  }
0x6e: {  	_ =	shalt  }
0x6f: {  	_ =	shalt  }
0x70: {  	_ =	shalt  }
0x71: {  	_ =	shalt  }
0x72: {  	_ =	shalt  }
0x73: {  	_ =	shalt  }
0x74: {  	_ =	shalt  }
0x75: {  	_ =	shalt  }
0x76: {  	_ =	shalt  }
0x77: {  	_ =	shalt  }
0x78: {  	_ =	shalt  }
0x79: {  	_ =	shalt  }
0x7a: {  	_ =	shalt  }
0x7b: {  	_ =	shalt  }
0x7c: {  	_ =	shalt  }
0x7d: {  	_ =	shalt  }
0x7e: {  	_ =	shalt  }
0x7f: {  	_ =	shalt  }
0x80: {  	_ =	shalt  }
0x81: {  	_ =	shalt  }
0x82: {  	_ =	shalt  }
0x83: {  	_ =	shalt  }
0x84: {  	_ =	shalt  }
0x85: {  	_ =	shalt  }
0x86: {  	_ =	shalt  }
0x87: {  	_ =	shalt  }
.Lfunc_end0:
.L_simem_size_0:
called_computation.1_lowered:
.L_overlay_start_0:
0x88: {  	s2 =	sld [smem:$0x3FD9]  }
0x89: {  	s3 =	sld [smem:$0x3FFE];
	_ =	sdelay $0x1  }
0x8a: {  	s1 =	srdreg.scid  }
0x8b: {  	s0 =	sand.u32 $0x1, s1  }
0x8c: {  	s16 =	sshll.u32 s0, $0xA;
	s2 =	sadd.s32 s3, s2  }
0x8d: {  	s2 =	sadd.s32 s2, s16  }
0x8e: {  	[smem:$0x3FBD] =	sst s2  }
0x8f: {  	_ = 	snop  }
0x90: {  	(tm) =	ssettm $0x1  }
0x91: {  	s17 =	sld [smem:$0x3FFB];
	_ =	sdelay $0x3  }
0x92: {  	_ =	strace s17  }
0x93: {  	s2 =	sld [smem:$0x3FFC];
	_ =	sdelay $0x3  }
0x94: {  	_ =	strace s2  }
0x95: {  	s2 =	sld [smem:$0x3FFD];
	_ =	sdelay $0x3  }
0x96: {  	_ =	strace s2  }
0x97: {  	_ =	strace $0x8FFFFFFF  }
0x98: {  	s18 =	sld [smem:$0x3FDB];
	_ =	sdelay $0x1  }
0x99: {  	s19 =	simm.s32 $_scs_section_size  }
0x9a: {  	s4 =	simm.s32 $_size__tile_overlayer_lowered;
	s5 =	simm.s32 $_tile_overlayer_lowered  }
0x9b: {  	s22 =	simm.s32 $0x1BFF;
	s21 =	sshll.u32 s5, $0x1;
	s2 =	sadd.s32 s19, s18  }
0x9c: {  	s6 =	simm.s32 $0x0;
	s20 =	sshll.u32 s4, $0x1;
	s4 =	sadd.s32 s21, s2  }
0x9d: {  	[timem:s6], [sflag:s22] =	dma.local [hbm:s4], s20  }
0x9e: {  	_ =	swait.ge [sflag:s22], s20  }
0x9f: {  	s3 =	ssub.s32 $0x0, s20;
	[sflag:s22] =	ssyncset.done $0x0  }
0xa0: {  	[sflag:s22] =	ssyncadd.s32 s3;
	_ =	sdelay $0x1  }
0xa1: {  	s23 =	simm.s32 $0x1B8B  }
0xa2: {  	_ =	swait.ge [sflag:s23], $0x1  }
0xa3: {  	[sflag:s23] =	ssyncset.done $0x0  }
0xa4: {  	s25 =	simm.s32 $0x1B8E;
	s24 =	sld [smem:$0x3FFE];
	[sflag:s23] =	ssyncadd.s32 $0xFFFFFFFF  }
0xa5: {  	s26 =	simm.s32 $execute0_lowered;
	[smem:$0x3FD2] =	sst s25  }
0xa6: {  	s4 =	sshll.u32 s26, $0x1;
	_ =	strace $0x80000049;
	[dreg:$0x1] =	wrdreg $0xFFFFFFFF  }
0xa7: {  	s28 =	simm.s32 $_size_execute0_lowered;
	s2 =	sadd.s32 s2, s4;
	[dreg:$0x0] =	wrdreg $0x0  }
0xa8: {  	s4 =	sshll.u32 s28, $0x1;
	[dreg:$0x2] =	wrdreg s2  }
0xa9: {  	[dreg:$0x3] =	wrdreg s4  }
0xaa: {  	[dreg:$0x4] =	wrdreg $0xC0  }
0xab: {  	_ =	task [dreg:s6], $0x5FFFF  }
0xac: {  	[dreg:$0x1] =	wrdreg $0xFFFFFFFF  }
0xad: {  	[dreg:$0x0] =	wrdreg $0x60  }
0xae: {  	[dreg:$0x2] =	wrdreg s24  }
0xaf: {  	[dreg:$0x3] =	wrdreg $0x90000  }
0xb0: {  	[dreg:$0x4] =	wrdreg $0xDE300  }
0xb1: {  	[dreg:$0x5] =	wrdreg $0x9  }
0xb2: {  	_ =	task.clear_ibuf [dreg:s6], $0x6FFFF;
	_ =	strace $0x90000049  }
0xb3: {  	s29 =	simm.s32 $0x9;
	_ =	strace $0x8000004B  }
0xb4: {  	_ =	swait.ge [sflag:s29], $0x1  }
0xb5: {  	[sflag:s29] =	ssyncadd.s32 $0xFFFFFFFF  }
0xb6: {  	_ =	strace $0x9000004B  }
0xb7: {  	_ =	sfence  }
0xb8: {  	s30 =	sld [smem:$0x0];
	_ =	sdelay $0x2  }
0xb9: {  	s31 =	sshll.u32 s1, $0xD;
	s1 =	sshrl.u32 s1, $0x2  }
0xba: {  	s3 =	sand.u32 $0x4000, s31;
	s1 =	sadd.s32 s1, s30  }
0xbb: {  	s0 =	sor.u32 s3, s0;
	s1 =	sshll.u32 s1, $0x11  }
0xbc: {  	s0 =	sor.u32 s1, s0  }
0xbd: {  	s0 =	sadd.s32 $0x8F2B, s0  }
0xbe: {  	[sflag:s0] =	ssyncadd.remote.s32 $0x1  }
0xbf: {  	_ =	sfence.sel $0xFFFF  }
0xc0: {  	[dreg:$0x0] =	wrdreg $0xFFFFFFFF;
	(pc) =	sbr.abs _section_cstart, $3  }
0xc1: {  	[dreg:$0x1] =	wrdreg $0xFFFFFFFF  }
0xc2: {  	_ =	task.clear_ibuf [dreg:s6], $0x2FFFF;
	_ =	strace $0x9FFFFFFF  }
0xc3: {  	(tm) =	ssettm $0x7FFFFFFF  }
tec
execute0_lowered:
.L_overlay_start_1:
0x0: {  	(tag) =	ssettag $0x1  }
0x1: {  	s1 =	rddreg [dreg:$0x0]  }
0x2: {  	s0 =	srdreg.scid;
	s2 =	rddreg [dreg:$0x1]  }
0x3: {  	s3 =	rddreg [dreg:$0x2];
	s6 =	simm.s32 $0x0;
	s17 =	simm.s32 $0x9  }
0x4: {  	s28 =	simm.s32 $0x1;
	s30 =	simm.s32 $0x8000;
	s31 =	simm.s32 $0x2  }
0x5: {  	s29 =	simm.s32 $0x8;
	s4 =	sand.u32 $0x1, s0;
	s0 =	stileid.u32  }
0x6: {  	[smem:$0x7FF] =	sst s6;
	s13 =	sadd.s32 $0x17400, s1;
	s14 =	sadd.s32 $0x2B000, s1  }
0x7: {  	s9 =	sadd.s32 $0x4E000, s2;
	s10 =	sadd.s32 $0x21000, s1;
	s25 =	sadd.s32 $0x4E000, s3  }
0x8: {  	s5 =	sshll.u32 s4, $0x4;
	s12 =	smul.u32 $0x9C00, s0;
	_ =	strace $0x8000004A  }
0x9: {  	s19 =	ssub.s32 $0x2, s4;
	p0 =	slt.u32 s0, $0x8;
	p1 =	seq.s32 s4, $0x0  }
0xa: {  	p3 =	seq.s32 s0, $0x0;
	p4 =	seq.s32 s4, $0x1;
	s26 =	sshrl.u32 s25, $0x3  }
0xb: {  	p6 =	sgt.u32 s0, $0x7;
	s25 =	simm.s32 $0x7;
	s5 =	sor.u32 s0, s5  }
0xc: {  	s7 =	sshrl.u32 s19, $0x1;
	p1 =	por !p0, !p1;
	p2 =	por !p0, !p4  }
0xd: {  	p3 =	por !p3, !p4;
	[dreg:$0xb] =	wrdreg s26;
	s26 =	simm.s32 $0x7000  }
0xe: {  	s5 =	smul.u32 $0x500, s5;
	s8 =	sshrl.u32 s12, $0x3;
	s16 =	ssub.s32 s19, s7  }
0xf: {  	p1 =	por !p1, !p1;
	s7 =	sadd.s32 s12, s2;
	s19 =	sor.u32 s4, s0  }
0x10: {  	p2 =	por !p2, !p2;
	s15 =	sadd.s32 $0xFFFB2000, s12;
	s4 =	smul.u32 $0x4E300, s4  }
0x11: {  	s11 =	sadd.s32 s8, s1;
	s22 =	sadd.s32 s13, s8;
	s16 =	smax.u32 s16, $0x1  }
0x12: {  	p5 =	sne.s32 s19, $0x0;
	s19 =	simm.s32 $0x5;
	s18 =	sadd.s32 s5, s1  }
0x13: {  	[dreg:$0x6] =	wrdreg s22;
	s23 =	sadd.s32 $0x21200, s11;
	s5 =	simm.s32 @!p3 $0x0  }
0x14: {  	s12 =	sadd.s32 s12, s4;
	s4 =	sshrl.u32 s4, $0x3;
	s1 =	sadd.s32 $0x2AE00, s1  }
0x15: {  	s22 =	simm.s32 $0x6000;
	s20 =	sadd.s32 $0xD400, s18;
	[dreg:$0x7] =	wrdreg s23  }
0x16: {  	s21 =	sadd.s32 $0x2400, s18;
	s5 =	simm.s32 @p3 $0x1;
	[dreg:$0x9] =	wrdreg s1  }
0x17: {  	p3 =	por !p3, !p3;
	s23 =	sadd.s32 s15, s3;
	[dreg:$0x4] =	wrdreg s20  }
0x18: {  	s15 =	sshrl.u32 s15, $0x3;
	s12 =	sshrl.u32 s12, $0x3;
	[dreg:$0x5] =	wrdreg s21  }
0x19: {  	s4 =	sadd.s32 s14, s4;
	s18 =	simm.s32 $0x2800;
	[smem:$0x7FB] =	sst s5  }
0x1a: {  	s5 =	simm.s32 @!p3 $0x0;
	s24 =	sadd.s32 s13, s15;
	s14 =	sadd.s32 s14, s12  }
0x1b: {  	s15 =	sadd.s32 $0x9C00, s4;
	s20 =	simm.s32 $0x80;
	s21 =	simm.s32 $0x5000  }
.Ltmp0:
0x1c: {  	s5 =	simm.s32 @p3 $0x1;
	p3 =	sne.s32 @!p0 s0, $0x8;
	(pc) =	sbr.rel .LBB2_1-.Ltmp0, $4  }
0x1d: {  	s1 =	sshrl.u32 @!p0 s23, $0x3;
	[dreg:$0x8] =	wrdreg s24;
	p3 =	por p0, p3  }
0x1e: {  	s12 =	simm.s32 $0x3;
	[dreg:$0xa] =	wrdreg s1;
	s1 =	simm.s32 @!p3 $0x0  }
0x1f: {  	s23 =	simm.s32 $0x6;
	[smem:$0x7FC] =	sst s5;
	s1 =	simm.s32 @p3 $0x1  }
0x20: {  	s24 =	simm.s32 $0x4;
	[smem:$0x7FD] =	sst s1;
	s1 =	simm.s32 $0x0  }
.LBB2_10:
0x21: {  	_ =	swait.ge [sflag:s19], $0x1000  }
0x22: {  	[sflag:s19] =	ssyncset.done $0x0  }
0x23: {  	[sflag:s19] =	ssyncadd.s32 $0xFFFFF000  }
0x24: {  	_ =	swait.ge [sflag:s23], $0x1000  }
0x25: {  	[sflag:s23] =	ssyncset.done $0x0  }
0x26: {  	[sflag:s23] =	ssyncadd.s32 $0xFFFFF000  }
0x27: {  	_ =	swait.ge [sflag:s25], $0x1000  }
0x28: {  	[sflag:s25] =	ssyncset.done $0x0  }
0x29: {  	[sflag:s25] =	ssyncadd.s32 $0xFFFFF000  }
0x2a: {  	_ =	swait.ge [sflag:s29], $0x1000  }
0x2b: {  	[sflag:s29] =	ssyncset.done $0x0  }
0x2c: {  	s4 =	sshll.u32 @!p6 s0, $0x6;
	[sflag:s29] =	ssyncadd.s32 $0xFFFFF000  }
0x2d: {  	s5 =	sshrl.u32 @!p6 s7, $0x3;
	s4 =	sor.u32 @!p6 $0x1C09, s4;
	[bflag:$0x0] =	sbarrier.arrive $0xFFFF  }
0x2e: {  	[hbm:s14], [sflag:s4] =	dma.local @!p6 [spmem:s5], $0x1380  }
0x2f: {  	s4 =	simm.s32 @!p6 $0x9  }
0x30: {  	s1 =	sadd.s32 $0x1, s1;
	_ =	swait.ge @!p6 [sflag:s4], $0x1380  }
0x31: {  	p4 =	sne.s32 s1, s16;
	s5 =	sshll.u32 @p3 s0, $0x6;
	[sflag:s4] =	ssyncset.done @!p6 $0x0  }
0x32: {  	[sflag:s4] =	ssyncadd.s32 @!p6 $0xFFFFEC80;
	s4 =	sor.u32 @p3 $0x1C09, s5;
	s5 =	sshrl.u32 @p3 s9, $0x3  }
0x33: {  	[hbm:s15], [sflag:s4] =	dma.local @p3 [spmem:s5], $0x60  }
.Ltmp1:
0x34: {  	_ = 	snop;
	(pc) =	sbr.rel @!p4 .LBB2_11-.Ltmp1, $4  }
0x35: {  	s4 =	simm.s32 @p3 $0x9  }
0x36: {  	_ =	swait.ge @p3 [sflag:s4], $0x60  }
0x37: {  	[sflag:s4] =	ssyncset.done @p3 $0x0  }
0x38: {  	[sflag:s4] =	ssyncadd.s32 @p3 $0xFFFFFFA0  }
.LBB2_1:
0x39: {  	s4 =	simm.s32 $0x0;
	s5 =	rddreg [dreg:$0x4]  }
0x3a: {  	[tilespmem:s4], [sflag:$0x9] =	stream.linear.gather [hbm4b:s5+s4], $0x2800, $0x38;
	[tilespmem:$0x12C60] =	vst v63  }
0x3b: {  	_ =	swait.ge [sflag:s17], $0x2800  }
0x3c: {  	[sflag:s17] =	ssyncset.done $0x0  }
0x3d: {  	s11 =	rddreg [dreg:$0x5];
	[sflag:s17] =	ssyncadd.s32 $0xFFFFD800  }
0x3e: {  	[tilespmem:s18], [sflag:$0x9] =	stream.linear.gather [hbm4b:s11+s4], $0x2800, $0x38;
	[tilespmem:$0x12C60] =	vst v63  }
0x3f: {  	_ =	swait.ge [sflag:s17], $0x2800  }
0x40: {  	s13 =	sshrl.u32 @p1 s7, $0x3;
	s4 =	sshll.u32 @p1 s0, $0x6;
	[sflag:s17] =	ssyncset.done $0x0  }
0x41: {  	s4 =	sor.u32 @p1 $0x1C09, s4;
	s5 =	rddreg [dreg:$0x6];
	[sflag:s17] =	ssyncadd.s32 $0xFFFFD800  }
0x42: {  	[spmem:s13], [sflag:s4] =	dma.local @p1 [hbm:s5], $0x1380  }
0x43: {  	s4 =	simm.s32 @p1 $0x9  }
0x44: {  	_ =	swait.ge @p1 [sflag:s4], $0x1380  }
0x45: {  	s13 =	sshll.u32 @!p5 s0, $0x6;
	[sflag:s4] =	ssyncset.done @p1 $0x0  }
0x46: {  	[sflag:s4] =	ssyncadd.s32 @p1 $0xFFFFEC80;
	s4 =	sor.u32 @!p5 $0x1C09, s13;
	s13 =	sshrl.u32 @!p5 s9, $0x3  }
0x47: {  	[spmem:s13], [sflag:s4] =	dma.local @!p5 [hbm:s10], $0x60  }
0x48: {  	s4 =	simm.s32 @!p5 $0x9  }
0x49: {  	_ =	swait.ge @!p5 [sflag:s4], $0x60  }
0x4a: {  	s13 =	sshll.u32 @p2 s0, $0x6;
	[sflag:s4] =	ssyncset.done @!p5 $0x0;
	s5 =	rddreg [dreg:$0x7]  }
0x4b: {  	[sflag:s4] =	ssyncadd.s32 @!p5 $0xFFFFFFA0;
	s4 =	sor.u32 @p2 $0x1C09, s13;
	s13 =	sshrl.u32 @p2 s7, $0x3  }
0x4c: {  	[spmem:s13], [sflag:s4] =	dma.local @p2 [hbm:s5], $0x1380  }
0x4d: {  	s4 =	simm.s32 @p2 $0x9  }
0x4e: {  	_ =	swait.ge @p2 [sflag:s4], $0x1380  }
0x4f: {  	s13 =	sld [smem:$0x7FC];
	_ =	sdelay $0x2  }
0x50: {  	p3 =	seq.s32 s13, $0x1  }
.Ltmp2:
0x51: {  	_ = 	snop;
	(pc) =	sbr.rel @!p3 .LBB2_3-.Ltmp2, $3  }
0x52: {  	_ =	sdelay $0x1  }
0x53: {  	[sflag:s4] =	ssyncset.done @p2 $0x0  }
0x54: {  	[sflag:s4] =	ssyncadd.s32 @p2 $0xFFFFEC80  }
.Ltmp3:
0x55: {  	(pc) =	sbr.rel .LBB2_6-.Ltmp3, $3  }
0x56: {  	_ =	sdelay $0x1  }
0x57: {  	s4 =	sshrl.u32 s9, $0x3;
	s5 =	rddreg [dreg:$0x9];
	s6 =	simm.s32 $0x1C09  }
0x58: {  	[spmem:s4], [sflag:s6] =	dma.local [hbm:s5], $0x60  }
.LBB2_3:
0x59: {  	s4 =	sshll.u32 @!p0 s0, $0x6;
	s5 =	rddreg [dreg:$0x8]  }
0x5a: {  	s6 =	rddreg [dreg:$0xa];
	s4 =	sor.u32 @!p0 $0x1C09, s4  }
0x5b: {  	[spmem:s6], [sflag:s4] =	dma.local @!p0 [hbm:s5], $0x1380  }
0x5c: {  	s4 =	simm.s32 @!p0 $0x9  }
0x5d: {  	_ =	swait.ge @!p0 [sflag:s4], $0x1380  }
0x5e: {  	s13 =	sld [smem:$0x7FD];
	_ =	sdelay $0x2  }
0x5f: {  	p3 =	seq.s32 s13, $0x1  }
.Ltmp4:
0x60: {  	_ = 	snop;
	(pc) =	sbr.rel @p3 .LBB2_4-.Ltmp4, $3  }
0x61: {  	_ =	sdelay $0x1  }
0x62: {  	[sflag:s4] =	ssyncset.done @!p0 $0x0  }
0x63: {  	[sflag:s4] =	ssyncadd.s32 @!p0 $0xFFFFEC80  }
0x64: {  	s4 =	rddreg [dreg:$0xb];
	s5 =	simm.s32 $0x1E09  }
0x65: {  	[spmem:s4], [sflag:s5] =	dma.local [hbm:s10], $0x60  }
.LBB2_6:
.Ltmp5:
0x66: {  	_ =	swait.ge [sflag:s17], $0x60;
	(pc) =	sbr.rel .LBB2_7-.Ltmp5, $3  }
0x67: {  	s4 =	sld [smem:$0x7FB];
	_ =	sdelay $0x1  }
0x68: {  	[sflag:s17] =	ssyncset.done $0x0  }
0x69: {  	[sflag:s17] =	ssyncadd.s32 $0xFFFFFFA0;
	p3 =	seq.s32 s4, $0x1  }
.LBB2_4:
0x6a: {  	p4 =	por @!p0 $0x0, $0x0;
	p3 =	por $0x0, $0x0  }
0x6b: {  	p3 =	por @!p0 p4, p4  }
.LBB2_7:
0x6c: {  	[bflag:$0x0] =	sbarrier.arrive $0xFFFF;
	s13 =	simm.s32 $0x0  }
0x6d: {  	[tilespmem:s21], [sflag:$0x1] =	stream.indirect.gather [spmem:s3], $0x20, s13, s20, $0xb8;
	[tilespmem:$0x12C60] =	vst v63  }
0x6e: {  	_ = 	snop  }
0x6f: {  	[tilespmem:s22], [sflag:$0x2] =	stream.indirect.gather [spmem:s3], $0x20, s20, s20, $0xb8;
	[tilespmem:$0x12C60] =	vst v63  }
0x70: {  	s4 =	simm.s32 $0x100  }
0x71: {  	[tilespmem:s26], [sflag:$0x3] =	stream.indirect.gather [spmem:s3], $0x20, s4, s20, $0xb8;
	[tilespmem:$0x12C60] =	vst v63  }
0x72: {  	_ =	swait.ge [sflag:s28], $0x1000  }
0x73: {  	[sflag:s28] =	ssyncset.done $0x0  }
0x74: {  	[sflag:s28] =	ssyncadd.s32 $0xFFFFF000  }
0x75: {  	[spmem:s2] =	stream.indirect.scatter.add.f32 [tilespmem:s21], [sflag:$0x5], $0x20, s18, s20, $0xb8;
	[tilespmem:$0x12C60] =	vst v63  }
0x76: {  	s6 =	simm.s32 $0x180  }
0x77: {  	[tilespmem:s30], [sflag:$0x4] =	stream.indirect.gather [spmem:s3], $0x20, s6, s20, $0xb8;
	[tilespmem:$0x12C60] =	vst v63  }
0x78: {  	_ =	swait.ge [sflag:s31], $0x1000  }
0x79: {  	[sflag:s31] =	ssyncset.done $0x0  }
0x7a: {  	s8 =	simm.s32 $0x2880;
	[sflag:s31] =	ssyncadd.s32 $0xFFFFF000  }
0x7b: {  	[spmem:s2] =	stream.indirect.scatter.add.f32 [tilespmem:s22], [sflag:$0x6], $0x20, s8, s20, $0xb8;
	[tilespmem:$0x12C60] =	vst v63  }
0x7c: {  	_ =	swait.ge [sflag:s19], $0x1000  }
0x7d: {  	[sflag:s19] =	ssyncset.done $0x0  }
0x7e: {  	s11 =	simm.s32 $0x200;
	[sflag:s19] =	ssyncadd.s32 $0xFFFFF000  }
0x7f: {  	[tilespmem:s21], [sflag:$0x1] =	stream.indirect.gather [spmem:s3], $0x20, s11, s20, $0xb8;
	[tilespmem:$0x12C60] =	vst v63  }
0x80: {  	_ =	swait.ge [sflag:s12], $0x1000  }
0x81: {  	[sflag:s12] =	ssyncset.done $0x0  }
0x82: {  	s5 =	simm.s32 $0x2900;
	[sflag:s12] =	ssyncadd.s32 $0xFFFFF000  }
0x83: {  	[spmem:s2] =	stream.indirect.scatter.add.f32 [tilespmem:s26], [sflag:$0x7], $0x20, s5, s20, $0xb8;
	[tilespmem:$0x12C60] =	vst v63  }
0x84: {  	_ =	swait.ge [sflag:s23], $0x1000  }
0x85: {  	[sflag:s23] =	ssyncset.done $0x0  }
0x86: {  	s6 =	simm.s32 $0x280;
	[sflag:s23] =	ssyncadd.s32 $0xFFFFF000  }
0x87: {  	[tilespmem:s22], [sflag:$0x2] =	stream.indirect.gather [spmem:s3], $0x20, s6, s20, $0xb8;
	[tilespmem:$0x12C60] =	vst v63  }
0x88: {  	_ =	swait.ge [sflag:s24], $0x1000  }
0x89: {  	[sflag:s24] =	ssyncset.done $0x0  }
0x8a: {  	s8 =	simm.s32 $0x2980;
	[sflag:s24] =	ssyncadd.s32 $0xFFFFF000  }
0x8b: {  	[spmem:s2] =	stream.indirect.scatter.add.f32 [tilespmem:s30], [sflag:$0x8], $0x20, s8, s20, $0xb8;
	[tilespmem:$0x12C60] =	vst v63  }
0x8c: {  	_ =	swait.ge [sflag:s25], $0x1000  }
0x8d: {  	[sflag:s25] =	ssyncset.done $0x0  }
0x8e: {  	s11 =	simm.s32 $0x300;
	[sflag:s25] =	ssyncadd.s32 $0xFFFFF000  }
0x8f: {  	[tilespmem:s26], [sflag:$0x3] =	stream.indirect.gather [spmem:s3], $0x20, s11, s20, $0xb8;
	[tilespmem:$0x12C60] =	vst v63  }
.LBB2_8:
0x90: {  	_ =	swait.ge [sflag:s28], $0x1000  }
0x91: {  	s4 =	sshra.s32 s13, $0x2;
	[sflag:s28] =	ssyncset.done $0x0  }
0x92: {  	s5 =	sadd.s32 $0x2A00, s4;
	[sflag:s28] =	ssyncadd.s32 $0xFFFFF000  }
0x93: {  	[spmem:s2] =	stream.indirect.scatter.add.f32 [tilespmem:s21], [sflag:$0x5], $0x20, s5, s20, $0xb8;
	[tilespmem:$0x12C60] =	vst v63  }
0x94: {  	_ =	swait.ge [sflag:s29], $0x1000  }
0x95: {  	[sflag:s29] =	ssyncset.done $0x0  }
0x96: {  	s6 =	sadd.s32 $0x380, s4;
	[sflag:s29] =	ssyncadd.s32 $0xFFFFF000  }
0x97: {  	[tilespmem:s30], [sflag:$0x4] =	stream.indirect.gather [spmem:s3], $0x20, s6, s20, $0xb8;
	[tilespmem:$0x12C60] =	vst v63  }
0x98: {  	_ =	swait.ge [sflag:s31], $0x1000  }
0x99: {  	p4 =	seq.s32 s13, $0x9000;
	[sflag:s31] =	ssyncset.done $0x0  }
0x9a: {  	s8 =	sadd.s32 $0x2A80, s4;
	s5 =	simm.s32 @p4 $0x3;
	[sflag:s31] =	ssyncadd.s32 $0xFFFFF000  }
0x9b: {  	[spmem:s2] =	stream.indirect.scatter.add.f32 [tilespmem:s22], [sflag:$0x6], $0x20, s8, s20, $0xb8;
	[tilespmem:$0x12C60] =	vst v63  }
0x9c: {  	_ =	swait.ge @p4 [sflag:s5], $0x1000  }
0x9d: {  	[sflag:s5] =	ssyncset.done @p4 $0x0  }
0x9e: {  	[sflag:s5] =	ssyncadd.s32 @p4 $0xFFFFF000;
	s5 =	sshra.s32 @p4 s13, $0x2  }
0x9f: {  	s6 =	simm.s32 @p4 $0x80;
	s8 =	simm.s32 @p4 $0x7000;
	s5 =	sadd.s32 @p4 $0x2B00, s5  }
0xa0: {  	[spmem:s2] =	stream.indirect.scatter.add.f32 @p4 [tilespmem:s8], [sflag:$0x7], $0x20, s5, s6, $0xb8;
	[tilespmem:$0x12C60] =	vst v63  }
0xa1: {  	s5 =	simm.s32 @!p4 $0x5  }
0xa2: {  	_ =	swait.ge @!p4 [sflag:s5], $0x1000  }
0xa3: {  	[sflag:s5] =	ssyncset.done @!p4 $0x0  }
0xa4: {  	[sflag:s5] =	ssyncadd.s32 @!p4 $0xFFFFF000;
	s5 =	sshra.s32 @!p4 s13, $0x2  }
0xa5: {  	s11 =	simm.s32 @!p4 $0x5000;
	s8 =	simm.s32 @!p4 $0x80;
	s6 =	sadd.s32 @!p4 $0x400, s5  }
0xa6: {  	[tilespmem:s11], [sflag:$0x1] =	stream.indirect.gather @!p4 [spmem:s3], $0x20, s6, s8, $0xb8;
	[tilespmem:$0x12C60] =	vst v63  }
0xa7: {  	s6 =	simm.s32 @!p4 $0x3  }
0xa8: {  	_ =	swait.ge @!p4 [sflag:s6], $0x1000  }
0xa9: {  	[sflag:s6] =	ssyncset.done @!p4 $0x0  }
0xaa: {  	s11 =	simm.s32 @!p4 $0x7000;
	[sflag:s6] =	ssyncadd.s32 @!p4 $0xFFFFF000;
	s6 =	sadd.s32 @!p4 $0x2B00, s5  }
0xab: {  	[spmem:s2] =	stream.indirect.scatter.add.f32 @!p4 [tilespmem:s11], [sflag:$0x7], $0x20, s6, s8, $0xb8;
	[tilespmem:$0x12C60] =	vst v63  }
0xac: {  	s6 =	simm.s32 @!p4 $0x6  }
0xad: {  	_ =	swait.ge @!p4 [sflag:s6], $0x1000  }
0xae: {  	[sflag:s6] =	ssyncset.done @!p4 $0x0  }
0xaf: {  	s5 =	sadd.s32 @!p4 $0x480, s5;
	[sflag:s6] =	ssyncadd.s32 @!p4 $0xFFFFF000;
	s6 =	simm.s32 @!p4 $0x6000  }
0xb0: {  	[tilespmem:s6], [sflag:$0x2] =	stream.indirect.gather @!p4 [spmem:s3], $0x20, s5, s8, $0xb8;
	[tilespmem:$0x12C60] =	vst v63  }
.Ltmp6:
0xb1: {  	_ = 	snop;
	(pc) =	sbr.rel @p4 .LBB2_10-.Ltmp6, $4  }
0xb2: {  	_ =	swait.ge [sflag:s24], $0x1000  }
0xb3: {  	[sflag:s24] =	ssyncset.done $0x0  }
0xb4: {  	s11 =	sadd.s32 $0x2B80, s4;
	[sflag:s24] =	ssyncadd.s32 $0xFFFFF000  }
0xb5: {  	[spmem:s2] =	stream.indirect.scatter.add.f32 [tilespmem:s30], [sflag:$0x8], $0x20, s11, s20, $0xb8;
	[tilespmem:$0x12C60] =	vst v63  }
.Ltmp7:
0xb6: {  	(pc) =	sbr.rel .LBB2_8-.Ltmp7, $4  }
0xb7: {  	_ =	swait.ge [sflag:s25], $0x1000  }
0xb8: {  	[sflag:s25] =	ssyncset.done $0x0  }
0xb9: {  	s4 =	sadd.s32 $0x500, s4;
	s13 =	sadd.s32 $0x800, s13;
	[sflag:s25] =	ssyncadd.s32 $0xFFFFF000  }
0xba: {  	[tilespmem:s26], [sflag:$0x3] =	stream.indirect.gather [spmem:s3], $0x20, s4, s20, $0xb8;
	[tilespmem:$0x12C60] =	vst v63  }
.LBB2_11:
0xbb: {  	_ =	sfence.sel $0x180000  }
0xbc: {  	[bflag:$0x0] =	sbarrier.arrive $0xFFFF  }
0xbd: {  	_ =	strace $0x9000004A  }
0xbe: {  	[bflag:$0x2] =	sbarrier.arrive $0xFFFF  }
0xbf: {  	p0 =	sne.s32 s0, $0x0;
	s0 =	rddreg [dreg:$0x3]  }
0xc0: {  	s0 =	sadd.s32 @!p0 $0x100000, s0  }
0xc1: {  	[sflag:s0] =	ssyncadd.tile.s32 @!p0 $0x1;
	_ =	shalt  }
.Lfunc_end2:
_tile_overlayer_lowered:
.L_overlay_start_2:
0xc2: {  	(tag) =	ssettag $0x2  }
0xc3: {  	s0 =	rddreg [dreg:$0x0];
	s2 =	stileid.u32  }
0xc4: {  	s1 =	rddreg [dreg:$0x1];
	p0 =	sne.s32 s2, $0x0  }
0xc5: {  	s3 =	rddreg [dreg:$0x2];
	[bflag:$0x3] =	sbarrier.arrive $0xFFFF;
	s2 =	simm.s32 @!p0 $0x1C09  }
0xc6: {  	[timem:s3], [sflag:s2] =	dma.local @!p0 [hbm:s0], s1  }
0xc7: {  	s0 =	simm.s32 @!p0 $0x9  }
0xc8: {  	_ =	swait.ge @!p0 [sflag:s0], s1  }
0xc9: {  	s1 =	ssub.s32 @!p0 $0x0, s1;
	[sflag:s0] =	ssyncset.done @!p0 $0x0  }
0xca: {  	[sflag:s0] =	ssyncadd.s32 @!p0 s1  }
0xcb: {  	[bflag:$0x3] =	sbarrier.arrive $0xFFFF  }
0xcc: {  	_ =	shalt  }

// kernel: kernel.16.cloned.1.call-start
scs
__scs_entry_jumppad:
0x0: {  	(pc) =	sbr.rel $0x88, $3  }
0x1: {  	(tag) =	ssettag $0x0;
	lr =	simm.s32 $0x1  }
0x2: {  	[smem:$0x3F96] =	sst lr;
	_ =	strace $0xD0000000  }
0x3: {  	_ = 	snop  }
0x4: {  	_ = 	snop  }
0x5: {  	_ = 	snop  }
0x6: {  	_ = 	snop  }
0x7: {  	_ = 	snop  }
__scs_overlays_trampoline_lowered:
0x8: {  	[smem:$0x3FA5] =	sst s0  }
0x9: {  	[smem:$0x3FA6] =	sst s1  }
0xa: {  	[smem:$0x3FA7] =	sst s2  }
0xb: {  	[smem:$0x3FA8] =	sst s3  }
0xc: {  	[smem:$0x3FA9] =	sst s4  }
0xd: {  	[smem:$0x3FAA] =	sst s5  }
0xe: {  	[smem:$0x3FAB] =	sst s6  }
0xf: {  	[smem:$0x3FAC] =	sst s7  }
0x10: {  	[smem:$0x3FAD] =	sst s8  }
0x11: {  	[smem:$0x3FAE] =	sst s9;
	s0 =	simm.s32 @!p0 $0x0  }
0x12: {  	s1 =	sld [smem:$0x3F94];
	s0 =	simm.s32 @p0 $0x1  }
0x13: {  	[smem:$0x3FAF] =	sst s0;
	s0 =	simm.s32 @!p1 $0x0  }
0x14: {  	s2 =	sld [smem:$0x3F93];
	s0 =	simm.s32 @p1 $0x1  }
0x15: {  	[smem:$0x3FB0] =	sst s0;
	s0 =	simm.s32 @!p2 $0x0  }
0x16: {  	s3 =	sld [smem:$0x3FDB];
	s0 =	simm.s32 @p2 $0x1  }
0x17: {  	s4 =	simm.s32 $0x1BF5;
	[smem:$0x3FB2] =	sst s0  }
0x18: {  	s0 =	sld [smem:$0x3F95];
	_ =	swait.ge [sflag:s4], $0x0  }
0x19: {  	s7 =	sld [smem:$0x3F96]  }
0x1a: {  	s8 =	sadd.s32 $0xFFFFE003, lr  }
0x1b: {  	s9 =	sadd.s32 $0xFFFFFEF7, lr;
	s5 =	simm.s32 $0xFFFFFFFF;
	p2 =	slt.u32 s8, $0xFFFFF086  }
0x1c: {  	p1 =	slt.u32 s9, $0xF7A;
	s5 =	simm.s32 @!p2 $0x0  }
0x1d: {  	s5 =	simm.s32 @p1 $0x1;
	p0 =	seq.s32 s7, s2  }
0x1e: {  	s7 =	smul.u32 @!p0 $0xF7A, s2;
	p2 =	seq.s32 @!p0 s5, $0x0  }
0x1f: {  	s9 =	smul.u32 $0xF7A, s1;
	s8 =	simm.s32 @!p0 $0x1BF5;
	p2 =	por !p2, p0  }
0x20: {  	[sflag:s8] =	ssyncset.s32 @!p0 $0xFFFFF086;
	s6 =	sadd.s32 @!p0 s3, s7;
	s7 =	simm.s32 @!p0 $0x108  }
0x21: {  	s3 =	sadd.s32 s3, s9;
	s6 =	sadd.s32 @!p0 $0x88, s6;
	s7 =	simm.s32 @p2 $0x1082  }
0x22: {  	[simem:s7], [sflag:s8] =	dma.local @!p0 [hbm:s6], $0xF7A  }
0x23: {  	s9 =	sor.u32 $0xD0000000, s2;
	s6 =	simm.s32 $0x108;
	_ =	swait.ge @!p0 [sflag:s8], $0x0  }
0x24: {  	s3 =	sadd.s32 $0x88, s3;
	s6 =	simm.s32 @!p1 $0x1082;
	[sflag:s4] =	ssyncset.s32 $0xFFFFF086  }
0x25: {  	[simem:s6], [sflag:s4] =	dma.local [hbm:s3], $0xF7A  }
0x26: {  	[smem:$0x3F96] =	sst s1;
	(tag) =	ssettag s2;
	_ =	strace s9  }
0x27: {  	s1 =	sld [smem:$0x3FA6]  }
0x28: {  	s2 =	sld [smem:$0x3FA7]  }
0x29: {  	s4 =	sld [smem:$0x3FA9]  }
0x2a: {  	p0 =	seq.s32 s5, $0x0;
	s5 =	sld [smem:$0x3FAA]  }
0x2b: {  	s6 =	sld [smem:$0x3FAB]  }
0x2c: {  	s7 =	sld [smem:$0x3FAC]  }
0x2d: {  	s3 =	simm.s32 $0x108;
	s8 =	sld [smem:$0x3FAD]  }
0x2e: {  	s3 =	simm.s32 @!p0 $0x1082;
	s9 =	sld [smem:$0x3FAE]  }
0x2f: {  	lr =	sadd.s32 s0, s3;
	s0 =	sld [smem:$0x3FA5]  }
0x30: {  	s3 =	sld [smem:$0x3FA8]  }
0x31: {  	[smem:$0x3FB1] =	sst s10  }
0x32: {  	s10 =	sld [smem:$0x3FAF];
	_ =	sdelay $0x3  }
0x33: {  	p0 =	seq.s32 s10, $0x1;
	s10 =	sld [smem:$0x3FB1];
	_ =	sdelay $0x3  }
0x34: {  	[smem:$0x3FB1] =	sst s10  }
0x35: {  	s10 =	sld [smem:$0x3FB0];
	_ =	sdelay $0x3  }
0x36: {  	p1 =	seq.s32 s10, $0x1;
	s10 =	sld [smem:$0x3FB1];
	_ =	sdelay $0x3  }
0x37: {  	[smem:$0x3FB1] =	sst s10  }
0x38: {  	s10 =	sld [smem:$0x3FB2]  }
0x39: {  	_ = 	snop;
	(pc) =	sbr.ind lr, $3  }
0x3a: {  	_ = 	snop  }
0x3b: {  	_ = 	snop  }
0x3c: {  	p2 =	seq.s32 s10, $0x1;
	s10 =	sld [smem:$0x3FB1]  }
0x3d: {  	_ =	shalt  }
0x3e: {  	_ =	shalt  }
0x3f: {  	_ =	shalt  }
0x40: {  	_ =	shalt  }
0x41: {  	_ =	shalt  }
0x42: {  	_ =	shalt  }
0x43: {  	_ =	shalt  }
0x44: {  	_ =	shalt  }
0x45: {  	_ =	shalt  }
0x46: {  	_ =	shalt  }
0x47: {  	_ =	shalt  }
0x48: {  	_ =	shalt  }
0x49: {  	_ =	shalt  }
0x4a: {  	_ =	shalt  }
0x4b: {  	_ =	shalt  }
0x4c: {  	_ =	shalt  }
0x4d: {  	_ =	shalt  }
0x4e: {  	_ =	shalt  }
0x4f: {  	_ =	shalt  }
0x50: {  	_ =	shalt  }
0x51: {  	_ =	shalt  }
0x52: {  	_ =	shalt  }
0x53: {  	_ =	shalt  }
0x54: {  	_ =	shalt  }
0x55: {  	_ =	shalt  }
0x56: {  	_ =	shalt  }
0x57: {  	_ =	shalt  }
0x58: {  	_ =	shalt  }
0x59: {  	_ =	shalt  }
0x5a: {  	_ =	shalt  }
0x5b: {  	_ =	shalt  }
0x5c: {  	_ =	shalt  }
0x5d: {  	_ =	shalt  }
0x5e: {  	_ =	shalt  }
0x5f: {  	_ =	shalt  }
0x60: {  	_ =	shalt  }
0x61: {  	_ =	shalt  }
0x62: {  	_ =	shalt  }
0x63: {  	_ =	shalt  }
0x64: {  	_ =	shalt  }
0x65: {  	_ =	shalt  }
0x66: {  	_ =	shalt  }
0x67: {  	_ =	shalt  }
0x68: {  	_ =	shalt  }
0x69: {  	_ =	shalt  }
0x6a: {  	_ =	shalt  }
0x6b: {  	_ =	shalt  }
0x6c: {  	_ =	shalt  }
0x6d: {  	_ =	shalt  }
0x6e: {  	_ =	shalt  }
0x6f: {  	_ =	shalt  }
0x70: {  	_ =	shalt  }
0x71: {  	_ =	shalt  }
0x72: {  	_ =	shalt  }
0x73: {  	_ =	shalt  }
0x74: {  	_ =	shalt  }
0x75: {  	_ =	shalt  }
0x76: {  	_ =	shalt  }
0x77: {  	_ =	shalt  }
0x78: {  	_ =	shalt  }
0x79: {  	_ =	shalt  }
0x7a: {  	_ =	shalt  }
0x7b: {  	_ =	shalt  }
0x7c: {  	_ =	shalt  }
0x7d: {  	_ =	shalt  }
0x7e: {  	_ =	shalt  }
0x7f: {  	_ =	shalt  }
0x80: {  	_ =	shalt  }
0x81: {  	_ =	shalt  }
0x82: {  	_ =	shalt  }
0x83: {  	_ =	shalt  }
0x84: {  	_ =	shalt  }
0x85: {  	_ =	shalt  }
0x86: {  	_ =	shalt  }
0x87: {  	_ =	shalt  }
.Lfunc_end0:
.L_simem_size_0:
called_computation.2_lowered:
.L_overlay_start_0:
0x88: {  	s2 =	sld [smem:$0x3FD9]  }
0x89: {  	s3 =	sld [smem:$0x3FFE];
	_ =	sdelay $0x1  }
0x8a: {  	s1 =	srdreg.scid  }
0x8b: {  	s0 =	sand.u32 $0x1, s1  }
0x8c: {  	s16 =	sshll.u32 s0, $0xA;
	s2 =	sadd.s32 s3, s2  }
0x8d: {  	s2 =	sadd.s32 s2, s16  }
0x8e: {  	[smem:$0x3FBD] =	sst s2  }
0x8f: {  	_ = 	snop  }
0x90: {  	(tm) =	ssettm $0x1  }
0x91: {  	s17 =	sld [smem:$0x3FFB];
	_ =	sdelay $0x3  }
0x92: {  	_ =	strace s17  }
0x93: {  	s2 =	sld [smem:$0x3FFC];
	_ =	sdelay $0x3  }
0x94: {  	_ =	strace s2  }
0x95: {  	s2 =	sld [smem:$0x3FFD];
	_ =	sdelay $0x3  }
0x96: {  	_ =	strace s2  }
0x97: {  	_ =	strace $0x8FFFFFFF  }
0x98: {  	s18 =	sld [smem:$0x3FDB];
	_ =	sdelay $0x1  }
0x99: {  	s19 =	simm.s32 $_scs_section_size  }
0x9a: {  	s4 =	simm.s32 $_size__tile_overlayer_lowered;
	s5 =	simm.s32 $_tile_overlayer_lowered  }
0x9b: {  	s22 =	simm.s32 $0x1BFF;
	s21 =	sshll.u32 s5, $0x1;
	s2 =	sadd.s32 s19, s18  }
0x9c: {  	s6 =	simm.s32 $0x0;
	s20 =	sshll.u32 s4, $0x1;
	s4 =	sadd.s32 s21, s2  }
0x9d: {  	[timem:s6], [sflag:s22] =	dma.local [hbm:s4], s20  }
0x9e: {  	_ =	swait.ge [sflag:s22], s20  }
0x9f: {  	s3 =	ssub.s32 $0x0, s20;
	[sflag:s22] =	ssyncset.done $0x0  }
0xa0: {  	[sflag:s22] =	ssyncadd.s32 s3;
	_ =	sdelay $0x1  }
0xa1: {  	s23 =	simm.s32 $0x1B8B  }
0xa2: {  	_ =	swait.ge [sflag:s23], $0x1  }
0xa3: {  	[sflag:s23] =	ssyncset.done $0x0  }
0xa4: {  	s25 =	simm.s32 $0x1B8E;
	s24 =	sld [smem:$0x3FFE];
	[sflag:s23] =	ssyncadd.s32 $0xFFFFFFFF  }
0xa5: {  	s26 =	simm.s32 $execute0_lowered;
	[smem:$0x3FD2] =	sst s25  }
0xa6: {  	s4 =	sshll.u32 s26, $0x1;
	_ =	strace $0x8000004C;
	[dreg:$0x1] =	wrdreg $0xFFFFFFFF  }
0xa7: {  	s28 =	simm.s32 $_size_execute0_lowered;
	s2 =	sadd.s32 s2, s4;
	[dreg:$0x0] =	wrdreg $0x0  }
0xa8: {  	s4 =	sshll.u32 s28, $0x1;
	[dreg:$0x2] =	wrdreg s2  }
0xa9: {  	[dreg:$0x3] =	wrdreg s4  }
0xaa: {  	[dreg:$0x4] =	wrdreg $0xC0  }
0xab: {  	_ =	task [dreg:s6], $0x5FFFF  }
0xac: {  	[dreg:$0x1] =	wrdreg $0xFFFFFFFF  }
0xad: {  	[dreg:$0x0] =	wrdreg $0x60  }
0xae: {  	[dreg:$0x2] =	wrdreg s24  }
0xaf: {  	[dreg:$0x3] =	wrdreg $0x90000  }
0xb0: {  	[dreg:$0x4] =	wrdreg $0xDE300  }
0xb1: {  	[dreg:$0x5] =	wrdreg $0x9  }
0xb2: {  	_ =	task.clear_ibuf [dreg:s6], $0x6FFFF;
	_ =	strace $0x9000004C  }
0xb3: {  	s29 =	simm.s32 $0x9;
	_ =	strace $0x8000004E  }
0xb4: {  	_ =	swait.ge [sflag:s29], $0x1  }
0xb5: {  	[sflag:s29] =	ssyncadd.s32 $0xFFFFFFFF  }
0xb6: {  	_ =	strace $0x9000004E  }
0xb7: {  	_ =	sfence  }
0xb8: {  	s30 =	sld [smem:$0x0];
	_ =	sdelay $0x2  }
0xb9: {  	s31 =	sshll.u32 s1, $0xD;
	s1 =	sshrl.u32 s1, $0x2  }
0xba: {  	s3 =	sand.u32 $0x4000, s31;
	s1 =	sadd.s32 s1, s30  }
0xbb: {  	s0 =	sor.u32 s3, s0;
	s1 =	sshll.u32 s1, $0x11  }
0xbc: {  	s0 =	sor.u32 s1, s0  }
0xbd: {  	s0 =	sadd.s32 $0x8F2B, s0  }
0xbe: {  	[sflag:s0] =	ssyncadd.remote.s32 $0x1  }
0xbf: {  	_ =	sfence.sel $0xFFFF  }
0xc0: {  	[dreg:$0x0] =	wrdreg $0xFFFFFFFF;
	(pc) =	sbr.abs _section_cstart, $3  }
0xc1: {  	[dreg:$0x1] =	wrdreg $0xFFFFFFFF  }
0xc2: {  	_ =	task.clear_ibuf [dreg:s6], $0x2FFFF;
	_ =	strace $0x9FFFFFFF  }
0xc3: {  	(tm) =	ssettm $0x7FFFFFFF  }
tec
execute0_lowered:
.L_overlay_start_1:
0x0: {  	(tag) =	ssettag $0x1  }
0x1: {  	s1 =	rddreg [dreg:$0x0]  }
0x2: {  	s0 =	srdreg.scid;
	s2 =	rddreg [dreg:$0x1]  }
0x3: {  	s3 =	rddreg [dreg:$0x2];
	s6 =	simm.s32 $0x0;
	s17 =	simm.s32 $0x9  }
0x4: {  	s28 =	simm.s32 $0x1;
	s30 =	simm.s32 $0x8000;
	s31 =	simm.s32 $0x2  }
0x5: {  	s29 =	simm.s32 $0x8;
	s4 =	sand.u32 $0x1, s0;
	s0 =	stileid.u32  }
0x6: {  	[smem:$0x7FF] =	sst s6;
	s13 =	sadd.s32 $0x17400, s1;
	s14 =	sadd.s32 $0x2B000, s1  }
0x7: {  	s9 =	sadd.s32 $0x4E000, s2;
	s10 =	sadd.s32 $0x21000, s1;
	s25 =	sadd.s32 $0x4E000, s3  }
0x8: {  	s5 =	sshll.u32 s4, $0x4;
	s12 =	smul.u32 $0x9C00, s0;
	_ =	strace $0x8000004D  }
0x9: {  	s19 =	ssub.s32 $0x2, s4;
	p0 =	slt.u32 s0, $0x8;
	p1 =	seq.s32 s4, $0x0  }
0xa: {  	p3 =	seq.s32 s0, $0x0;
	p4 =	seq.s32 s4, $0x1;
	s26 =	sshrl.u32 s25, $0x3  }
0xb: {  	p6 =	sgt.u32 s0, $0x7;
	s25 =	simm.s32 $0x7;
	s5 =	sor.u32 s0, s5  }
0xc: {  	s7 =	sshrl.u32 s19, $0x1;
	p1 =	por !p0, !p1;
	p2 =	por !p0, !p4  }
0xd: {  	p3 =	por !p3, !p4;
	[dreg:$0xb] =	wrdreg s26;
	s26 =	simm.s32 $0x7000  }
0xe: {  	s5 =	smul.u32 $0x500, s5;
	s8 =	sshrl.u32 s12, $0x3;
	s16 =	ssub.s32 s19, s7  }
0xf: {  	p1 =	por !p1, !p1;
	s7 =	sadd.s32 s12, s2;
	s19 =	sor.u32 s4, s0  }
0x10: {  	p2 =	por !p2, !p2;
	s15 =	sadd.s32 $0xFFFB2000, s12;
	s4 =	smul.u32 $0x4E300, s4  }
0x11: {  	s11 =	sadd.s32 s8, s1;
	s22 =	sadd.s32 s13, s8;
	s16 =	smax.u32 s16, $0x1  }
0x12: {  	p5 =	sne.s32 s19, $0x0;
	s19 =	simm.s32 $0x5;
	s18 =	sadd.s32 s5, s1  }
0x13: {  	[dreg:$0x6] =	wrdreg s22;
	s23 =	sadd.s32 $0x21200, s11;
	s5 =	simm.s32 @!p3 $0x0  }
0x14: {  	s12 =	sadd.s32 s12, s4;
	s4 =	sshrl.u32 s4, $0x3;
	s1 =	sadd.s32 $0x2AE00, s1  }
0x15: {  	s22 =	simm.s32 $0x6000;
	s20 =	sadd.s32 $0xD400, s18;
	[dreg:$0x7] =	wrdreg s23  }
0x16: {  	s21 =	sadd.s32 $0x2400, s18;
	s5 =	simm.s32 @p3 $0x1;
	[dreg:$0x9] =	wrdreg s1  }
0x17: {  	p3 =	por !p3, !p3;
	s23 =	sadd.s32 s15, s3;
	[dreg:$0x4] =	wrdreg s20  }
0x18: {  	s15 =	sshrl.u32 s15, $0x3;
	s12 =	sshrl.u32 s12, $0x3;
	[dreg:$0x5] =	wrdreg s21  }
0x19: {  	s4 =	sadd.s32 s14, s4;
	s18 =	simm.s32 $0x2800;
	[smem:$0x7FB] =	sst s5  }
0x1a: {  	s5 =	simm.s32 @!p3 $0x0;
	s24 =	sadd.s32 s13, s15;
	s14 =	sadd.s32 s14, s12  }
0x1b: {  	s15 =	sadd.s32 $0x9C00, s4;
	s20 =	simm.s32 $0x80;
	s21 =	simm.s32 $0x5000  }
.Ltmp0:
0x1c: {  	s5 =	simm.s32 @p3 $0x1;
	p3 =	sne.s32 @!p0 s0, $0x8;
	(pc) =	sbr.rel .LBB2_1-.Ltmp0, $4  }
0x1d: {  	s1 =	sshrl.u32 @!p0 s23, $0x3;
	[dreg:$0x8] =	wrdreg s24;
	p3 =	por p0, p3  }
0x1e: {  	s12 =	simm.s32 $0x3;
	[dreg:$0xa] =	wrdreg s1;
	s1 =	simm.s32 @!p3 $0x0  }
0x1f: {  	s23 =	simm.s32 $0x6;
	[smem:$0x7FC] =	sst s5;
	s1 =	simm.s32 @p3 $0x1  }
0x20: {  	s24 =	simm.s32 $0x4;
	[smem:$0x7FD] =	sst s1;
	s1 =	simm.s32 $0x0  }
.LBB2_10:
0x21: {  	_ =	swait.ge [sflag:s19], $0x1000  }
0x22: {  	[sflag:s19] =	ssyncset.done $0x0  }
0x23: {  	[sflag:s19] =	ssyncadd.s32 $0xFFFFF000  }
0x24: {  	_ =	swait.ge [sflag:s23], $0x1000  }
0x25: {  	[sflag:s23] =	ssyncset.done $0x0  }
0x26: {  	[sflag:s23] =	ssyncadd.s32 $0xFFFFF000  }
0x27: {  	_ =	swait.ge [sflag:s25], $0x1000  }
0x28: {  	[sflag:s25] =	ssyncset.done $0x0  }
0x29: {  	[sflag:s25] =	ssyncadd.s32 $0xFFFFF000  }
0x2a: {  	_ =	swait.ge [sflag:s29], $0x1000  }
0x2b: {  	[sflag:s29] =	ssyncset.done $0x0  }
0x2c: {  	s4 =	sshll.u32 @!p6 s0, $0x6;
	[sflag:s29] =	ssyncadd.s32 $0xFFFFF000  }
0x2d: {  	s5 =	sshrl.u32 @!p6 s7, $0x3;
	s4 =	sor.u32 @!p6 $0x1C09, s4;
	[bflag:$0x0] =	sbarrier.arrive $0xFFFF  }
0x2e: {  	[hbm:s14], [sflag:s4] =	dma.local @!p6 [spmem:s5], $0x1380  }
0x2f: {  	s4 =	simm.s32 @!p6 $0x9  }
0x30: {  	s1 =	sadd.s32 $0x1, s1;
	_ =	swait.ge @!p6 [sflag:s4], $0x1380  }
0x31: {  	p4 =	sne.s32 s1, s16;
	s5 =	sshll.u32 @p3 s0, $0x6;
	[sflag:s4] =	ssyncset.done @!p6 $0x0  }
0x32: {  	[sflag:s4] =	ssyncadd.s32 @!p6 $0xFFFFEC80;
	s4 =	sor.u32 @p3 $0x1C09, s5;
	s5 =	sshrl.u32 @p3 s9, $0x3  }
0x33: {  	[hbm:s15], [sflag:s4] =	dma.local @p3 [spmem:s5], $0x60  }
.Ltmp1:
0x34: {  	_ = 	snop;
	(pc) =	sbr.rel @!p4 .LBB2_11-.Ltmp1, $4  }
0x35: {  	s4 =	simm.s32 @p3 $0x9  }
0x36: {  	_ =	swait.ge @p3 [sflag:s4], $0x60  }
0x37: {  	[sflag:s4] =	ssyncset.done @p3 $0x0  }
0x38: {  	[sflag:s4] =	ssyncadd.s32 @p3 $0xFFFFFFA0  }
.LBB2_1:
0x39: {  	s4 =	simm.s32 $0x0;
	s5 =	rddreg [dreg:$0x4]  }
0x3a: {  	[tilespmem:s4], [sflag:$0x9] =	stream.linear.gather [hbm4b:s5+s4], $0x2800, $0x38;
	[tilespmem:$0x12C60] =	vst v63  }
0x3b: {  	_ =	swait.ge [sflag:s17], $0x2800  }
0x3c: {  	[sflag:s17] =	ssyncset.done $0x0  }
0x3d: {  	s11 =	rddreg [dreg:$0x5];
	[sflag:s17] =	ssyncadd.s32 $0xFFFFD800  }
0x3e: {  	[tilespmem:s18], [sflag:$0x9] =	stream.linear.gather [hbm4b:s11+s4], $0x2800, $0x38;
	[tilespmem:$0x12C60] =	vst v63  }
0x3f: {  	_ =	swait.ge [sflag:s17], $0x2800  }
0x40: {  	s13 =	sshrl.u32 @p1 s7, $0x3;
	s4 =	sshll.u32 @p1 s0, $0x6;
	[sflag:s17] =	ssyncset.done $0x0  }
0x41: {  	s4 =	sor.u32 @p1 $0x1C09, s4;
	s5 =	rddreg [dreg:$0x6];
	[sflag:s17] =	ssyncadd.s32 $0xFFFFD800  }
0x42: {  	[spmem:s13], [sflag:s4] =	dma.local @p1 [hbm:s5], $0x1380  }
0x43: {  	s4 =	simm.s32 @p1 $0x9  }
0x44: {  	_ =	swait.ge @p1 [sflag:s4], $0x1380  }
0x45: {  	s13 =	sshll.u32 @!p5 s0, $0x6;
	[sflag:s4] =	ssyncset.done @p1 $0x0  }
0x46: {  	[sflag:s4] =	ssyncadd.s32 @p1 $0xFFFFEC80;
	s4 =	sor.u32 @!p5 $0x1C09, s13;
	s13 =	sshrl.u32 @!p5 s9, $0x3  }
0x47: {  	[spmem:s13], [sflag:s4] =	dma.local @!p5 [hbm:s10], $0x60  }
0x48: {  	s4 =	simm.s32 @!p5 $0x9  }
0x49: {  	_ =	swait.ge @!p5 [sflag:s4], $0x60  }
0x4a: {  	s13 =	sshll.u32 @p2 s0, $0x6;
	[sflag:s4] =	ssyncset.done @!p5 $0x0;
	s5 =	rddreg [dreg:$0x7]  }
0x4b: {  	[sflag:s4] =	ssyncadd.s32 @!p5 $0xFFFFFFA0;
	s4 =	sor.u32 @p2 $0x1C09, s13;
	s13 =	sshrl.u32 @p2 s7, $0x3  }
0x4c: {  	[spmem:s13], [sflag:s4] =	dma.local @p2 [hbm:s5], $0x1380  }
0x4d: {  	s4 =	simm.s32 @p2 $0x9  }
0x4e: {  	_ =	swait.ge @p2 [sflag:s4], $0x1380  }
0x4f: {  	s13 =	sld [smem:$0x7FC];
	_ =	sdelay $0x2  }
0x50: {  	p3 =	seq.s32 s13, $0x1  }
.Ltmp2:
0x51: {  	_ = 	snop;
	(pc) =	sbr.rel @!p3 .LBB2_3-.Ltmp2, $3  }
0x52: {  	_ =	sdelay $0x1  }
0x53: {  	[sflag:s4] =	ssyncset.done @p2 $0x0  }
0x54: {  	[sflag:s4] =	ssyncadd.s32 @p2 $0xFFFFEC80  }
.Ltmp3:
0x55: {  	(pc) =	sbr.rel .LBB2_6-.Ltmp3, $3  }
0x56: {  	_ =	sdelay $0x1  }
0x57: {  	s4 =	sshrl.u32 s9, $0x3;
	s5 =	rddreg [dreg:$0x9];
	s6 =	simm.s32 $0x1C09  }
0x58: {  	[spmem:s4], [sflag:s6] =	dma.local [hbm:s5], $0x60  }
.LBB2_3:
0x59: {  	s4 =	sshll.u32 @!p0 s0, $0x6;
	s5 =	rddreg [dreg:$0x8]  }
0x5a: {  	s6 =	rddreg [dreg:$0xa];
	s4 =	sor.u32 @!p0 $0x1C09, s4  }
0x5b: {  	[spmem:s6], [sflag:s4] =	dma.local @!p0 [hbm:s5], $0x1380  }
0x5c: {  	s4 =	simm.s32 @!p0 $0x9  }
0x5d: {  	_ =	swait.ge @!p0 [sflag:s4], $0x1380  }
0x5e: {  	s13 =	sld [smem:$0x7FD];
	_ =	sdelay $0x2  }
0x5f: {  	p3 =	seq.s32 s13, $0x1  }
.Ltmp4:
0x60: {  	_ = 	snop;
	(pc) =	sbr.rel @p3 .LBB2_4-.Ltmp4, $3  }
0x61: {  	_ =	sdelay $0x1  }
0x62: {  	[sflag:s4] =	ssyncset.done @!p0 $0x0  }
0x63: {  	[sflag:s4] =	ssyncadd.s32 @!p0 $0xFFFFEC80  }
0x64: {  	s4 =	rddreg [dreg:$0xb];
	s5 =	simm.s32 $0x1E09  }
0x65: {  	[spmem:s4], [sflag:s5] =	dma.local [hbm:s10], $0x60  }
.LBB2_6:
.Ltmp5:
0x66: {  	_ =	swait.ge [sflag:s17], $0x60;
	(pc) =	sbr.rel .LBB2_7-.Ltmp5, $3  }
0x67: {  	s4 =	sld [smem:$0x7FB];
	_ =	sdelay $0x1  }
0x68: {  	[sflag:s17] =	ssyncset.done $0x0  }
0x69: {  	[sflag:s17] =	ssyncadd.s32 $0xFFFFFFA0;
	p3 =	seq.s32 s4, $0x1  }
.LBB2_4:
0x6a: {  	p4 =	por @!p0 $0x0, $0x0;
	p3 =	por $0x0, $0x0  }
0x6b: {  	p3 =	por @!p0 p4, p4  }
.LBB2_7:
0x6c: {  	[bflag:$0x0] =	sbarrier.arrive $0xFFFF;
	s13 =	simm.s32 $0x0  }
0x6d: {  	[tilespmem:s21], [sflag:$0x1] =	stream.indirect.gather [spmem:s3], $0x20, s13, s20, $0xb8;
	[tilespmem:$0x12C60] =	vst v63  }
0x6e: {  	_ = 	snop  }
0x6f: {  	[tilespmem:s22], [sflag:$0x2] =	stream.indirect.gather [spmem:s3], $0x20, s20, s20, $0xb8;
	[tilespmem:$0x12C60] =	vst v63  }
0x70: {  	s4 =	simm.s32 $0x100  }
0x71: {  	[tilespmem:s26], [sflag:$0x3] =	stream.indirect.gather [spmem:s3], $0x20, s4, s20, $0xb8;
	[tilespmem:$0x12C60] =	vst v63  }
0x72: {  	_ =	swait.ge [sflag:s28], $0x1000  }
0x73: {  	[sflag:s28] =	ssyncset.done $0x0  }
0x74: {  	[sflag:s28] =	ssyncadd.s32 $0xFFFFF000  }
0x75: {  	[spmem:s2] =	stream.indirect.scatter.add.f32 [tilespmem:s21], [sflag:$0x5], $0x20, s18, s20, $0xb8;
	[tilespmem:$0x12C60] =	vst v63  }
0x76: {  	s6 =	simm.s32 $0x180  }
0x77: {  	[tilespmem:s30], [sflag:$0x4] =	stream.indirect.gather [spmem:s3], $0x20, s6, s20, $0xb8;
	[tilespmem:$0x12C60] =	vst v63  }
0x78: {  	_ =	swait.ge [sflag:s31], $0x1000  }
0x79: {  	[sflag:s31] =	ssyncset.done $0x0  }
0x7a: {  	s8 =	simm.s32 $0x2880;
	[sflag:s31] =	ssyncadd.s32 $0xFFFFF000  }
0x7b: {  	[spmem:s2] =	stream.indirect.scatter.add.f32 [tilespmem:s22], [sflag:$0x6], $0x20, s8, s20, $0xb8;
	[tilespmem:$0x12C60] =	vst v63  }
0x7c: {  	_ =	swait.ge [sflag:s19], $0x1000  }
0x7d: {  	[sflag:s19] =	ssyncset.done $0x0  }
0x7e: {  	s11 =	simm.s32 $0x200;
	[sflag:s19] =	ssyncadd.s32 $0xFFFFF000  }
0x7f: {  	[tilespmem:s21], [sflag:$0x1] =	stream.indirect.gather [spmem:s3], $0x20, s11, s20, $0xb8;
	[tilespmem:$0x12C60] =	vst v63  }
0x80: {  	_ =	swait.ge [sflag:s12], $0x1000  }
0x81: {  	[sflag:s12] =	ssyncset.done $0x0  }
0x82: {  	s5 =	simm.s32 $0x2900;
	[sflag:s12] =	ssyncadd.s32 $0xFFFFF000  }
0x83: {  	[spmem:s2] =	stream.indirect.scatter.add.f32 [tilespmem:s26], [sflag:$0x7], $0x20, s5, s20, $0xb8;
	[tilespmem:$0x12C60] =	vst v63  }
0x84: {  	_ =	swait.ge [sflag:s23], $0x1000  }
0x85: {  	[sflag:s23] =	ssyncset.done $0x0  }
0x86: {  	s6 =	simm.s32 $0x280;
	[sflag:s23] =	ssyncadd.s32 $0xFFFFF000  }
0x87: {  	[tilespmem:s22], [sflag:$0x2] =	stream.indirect.gather [spmem:s3], $0x20, s6, s20, $0xb8;
	[tilespmem:$0x12C60] =	vst v63  }
0x88: {  	_ =	swait.ge [sflag:s24], $0x1000  }
0x89: {  	[sflag:s24] =	ssyncset.done $0x0  }
0x8a: {  	s8 =	simm.s32 $0x2980;
	[sflag:s24] =	ssyncadd.s32 $0xFFFFF000  }
0x8b: {  	[spmem:s2] =	stream.indirect.scatter.add.f32 [tilespmem:s30], [sflag:$0x8], $0x20, s8, s20, $0xb8;
	[tilespmem:$0x12C60] =	vst v63  }
0x8c: {  	_ =	swait.ge [sflag:s25], $0x1000  }
0x8d: {  	[sflag:s25] =	ssyncset.done $0x0  }
0x8e: {  	s11 =	simm.s32 $0x300;
	[sflag:s25] =	ssyncadd.s32 $0xFFFFF000  }
0x8f: {  	[tilespmem:s26], [sflag:$0x3] =	stream.indirect.gather [spmem:s3], $0x20, s11, s20, $0xb8;
	[tilespmem:$0x12C60] =	vst v63  }
.LBB2_8:
0x90: {  	_ =	swait.ge [sflag:s28], $0x1000  }
0x91: {  	s4 =	sshra.s32 s13, $0x2;
	[sflag:s28] =	ssyncset.done $0x0  }
0x92: {  	s5 =	sadd.s32 $0x2A00, s4;
	[sflag:s28] =	ssyncadd.s32 $0xFFFFF000  }
0x93: {  	[spmem:s2] =	stream.indirect.scatter.add.f32 [tilespmem:s21], [sflag:$0x5], $0x20, s5, s20, $0xb8;
	[tilespmem:$0x12C60] =	vst v63  }
0x94: {  	_ =	swait.ge [sflag:s29], $0x1000  }
0x95: {  	[sflag:s29] =	ssyncset.done $0x0  }
0x96: {  	s6 =	sadd.s32 $0x380, s4;
	[sflag:s29] =	ssyncadd.s32 $0xFFFFF000  }
0x97: {  	[tilespmem:s30], [sflag:$0x4] =	stream.indirect.gather [spmem:s3], $0x20, s6, s20, $0xb8;
	[tilespmem:$0x12C60] =	vst v63  }
0x98: {  	_ =	swait.ge [sflag:s31], $0x1000  }
0x99: {  	p4 =	seq.s32 s13, $0x9000;
	[sflag:s31] =	ssyncset.done $0x0  }
0x9a: {  	s8 =	sadd.s32 $0x2A80, s4;
	s5 =	simm.s32 @p4 $0x3;
	[sflag:s31] =	ssyncadd.s32 $0xFFFFF000  }
0x9b: {  	[spmem:s2] =	stream.indirect.scatter.add.f32 [tilespmem:s22], [sflag:$0x6], $0x20, s8, s20, $0xb8;
	[tilespmem:$0x12C60] =	vst v63  }
0x9c: {  	_ =	swait.ge @p4 [sflag:s5], $0x1000  }
0x9d: {  	[sflag:s5] =	ssyncset.done @p4 $0x0  }
0x9e: {  	[sflag:s5] =	ssyncadd.s32 @p4 $0xFFFFF000;
	s5 =	sshra.s32 @p4 s13, $0x2  }
0x9f: {  	s6 =	simm.s32 @p4 $0x80;
	s8 =	simm.s32 @p4 $0x7000;
	s5 =	sadd.s32 @p4 $0x2B00, s5  }
0xa0: {  	[spmem:s2] =	stream.indirect.scatter.add.f32 @p4 [tilespmem:s8], [sflag:$0x7], $0x20, s5, s6, $0xb8;
	[tilespmem:$0x12C60] =	vst v63  }
0xa1: {  	s5 =	simm.s32 @!p4 $0x5  }
0xa2: {  	_ =	swait.ge @!p4 [sflag:s5], $0x1000  }
0xa3: {  	[sflag:s5] =	ssyncset.done @!p4 $0x0  }
0xa4: {  	[sflag:s5] =	ssyncadd.s32 @!p4 $0xFFFFF000;
	s5 =	sshra.s32 @!p4 s13, $0x2  }
0xa5: {  	s11 =	simm.s32 @!p4 $0x5000;
	s8 =	simm.s32 @!p4 $0x80;
	s6 =	sadd.s32 @!p4 $0x400, s5  }
0xa6: {  	[tilespmem:s11], [sflag:$0x1] =	stream.indirect.gather @!p4 [spmem:s3], $0x20, s6, s8, $0xb8;
	[tilespmem:$0x12C60] =	vst v63  }
0xa7: {  	s6 =	simm.s32 @!p4 $0x3  }
0xa8: {  	_ =	swait.ge @!p4 [sflag:s6], $0x1000  }
0xa9: {  	[sflag:s6] =	ssyncset.done @!p4 $0x0  }
0xaa: {  	s11 =	simm.s32 @!p4 $0x7000;
	[sflag:s6] =	ssyncadd.s32 @!p4 $0xFFFFF000;
	s6 =	sadd.s32 @!p4 $0x2B00, s5  }
0xab: {  	[spmem:s2] =	stream.indirect.scatter.add.f32 @!p4 [tilespmem:s11], [sflag:$0x7], $0x20, s6, s8, $0xb8;
	[tilespmem:$0x12C60] =	vst v63  }
0xac: {  	s6 =	simm.s32 @!p4 $0x6  }
0xad: {  	_ =	swait.ge @!p4 [sflag:s6], $0x1000  }
0xae: {  	[sflag:s6] =	ssyncset.done @!p4 $0x0  }
0xaf: {  	s5 =	sadd.s32 @!p4 $0x480, s5;
	[sflag:s6] =	ssyncadd.s32 @!p4 $0xFFFFF000;
	s6 =	simm.s32 @!p4 $0x6000  }
0xb0: {  	[tilespmem:s6], [sflag:$0x2] =	stream.indirect.gather @!p4 [spmem:s3], $0x20, s5, s8, $0xb8;
	[tilespmem:$0x12C60] =	vst v63  }
.Ltmp6:
0xb1: {  	_ = 	snop;
	(pc) =	sbr.rel @p4 .LBB2_10-.Ltmp6, $4  }
0xb2: {  	_ =	swait.ge [sflag:s24], $0x1000  }
0xb3: {  	[sflag:s24] =	ssyncset.done $0x0  }
0xb4: {  	s11 =	sadd.s32 $0x2B80, s4;
	[sflag:s24] =	ssyncadd.s32 $0xFFFFF000  }
0xb5: {  	[spmem:s2] =	stream.indirect.scatter.add.f32 [tilespmem:s30], [sflag:$0x8], $0x20, s11, s20, $0xb8;
	[tilespmem:$0x12C60] =	vst v63  }
.Ltmp7:
0xb6: {  	(pc) =	sbr.rel .LBB2_8-.Ltmp7, $4  }
0xb7: {  	_ =	swait.ge [sflag:s25], $0x1000  }
0xb8: {  	[sflag:s25] =	ssyncset.done $0x0  }
0xb9: {  	s4 =	sadd.s32 $0x500, s4;
	s13 =	sadd.s32 $0x800, s13;
	[sflag:s25] =	ssyncadd.s32 $0xFFFFF000  }
0xba: {  	[tilespmem:s26], [sflag:$0x3] =	stream.indirect.gather [spmem:s3], $0x20, s4, s20, $0xb8;
	[tilespmem:$0x12C60] =	vst v63  }
.LBB2_11:
0xbb: {  	_ =	sfence.sel $0x180000  }
0xbc: {  	[bflag:$0x0] =	sbarrier.arrive $0xFFFF  }
0xbd: {  	_ =	strace $0x9000004D  }
0xbe: {  	[bflag:$0x2] =	sbarrier.arrive $0xFFFF  }
0xbf: {  	p0 =	sne.s32 s0, $0x0;
	s0 =	rddreg [dreg:$0x3]  }
0xc0: {  	s0 =	sadd.s32 @!p0 $0x100000, s0  }
0xc1: {  	[sflag:s0] =	ssyncadd.tile.s32 @!p0 $0x1;
	_ =	shalt  }
.Lfunc_end2:
_tile_overlayer_lowered:
.L_overlay_start_2:
0xc2: {  	(tag) =	ssettag $0x2  }
0xc3: {  	s0 =	rddreg [dreg:$0x0];
	s2 =	stileid.u32  }
0xc4: {  	s1 =	rddreg [dreg:$0x1];
	p0 =	sne.s32 s2, $0x0  }
0xc5: {  	s3 =	rddreg [dreg:$0x2];
	[bflag:$0x3] =	sbarrier.arrive $0xFFFF;
	s2 =	simm.s32 @!p0 $0x1C09  }
0xc6: {  	[timem:s3], [sflag:s2] =	dma.local @!p0 [hbm:s0], s1  }
0xc7: {  	s0 =	simm.s32 @!p0 $0x9  }
0xc8: {  	_ =	swait.ge @!p0 [sflag:s0], s1  }
0xc9: {  	s1 =	ssub.s32 @!p0 $0x0, s1;
	[sflag:s0] =	ssyncset.done @!p0 $0x0  }
0xca: {  	[sflag:s0] =	ssyncadd.s32 @!p0 s1  }
0xcb: {  	[bflag:$0x3] =	sbarrier.arrive $0xFFFF  }
0xcc: {  	_ =	shalt  }

// kernel: kernel.19.cloned.1.call-start
scs
__scs_entry_jumppad:
0x0: {  	(pc) =	sbr.rel $0x88, $3  }
0x1: {  	(tag) =	ssettag $0x0;
	lr =	simm.s32 $0x1  }
0x2: {  	[smem:$0x3F96] =	sst lr;
	_ =	strace $0xD0000000  }
0x3: {  	_ = 	snop  }
0x4: {  	_ = 	snop  }
0x5: {  	_ = 	snop  }
0x6: {  	_ = 	snop  }
0x7: {  	_ = 	snop  }
__scs_overlays_trampoline_lowered:
0x8: {  	[smem:$0x3FA5] =	sst s0  }
0x9: {  	[smem:$0x3FA6] =	sst s1  }
0xa: {  	[smem:$0x3FA7] =	sst s2  }
0xb: {  	[smem:$0x3FA8] =	sst s3  }
0xc: {  	[smem:$0x3FA9] =	sst s4  }
0xd: {  	[smem:$0x3FAA] =	sst s5  }
0xe: {  	[smem:$0x3FAB] =	sst s6  }
0xf: {  	[smem:$0x3FAC] =	sst s7  }
0x10: {  	[smem:$0x3FAD] =	sst s8  }
0x11: {  	[smem:$0x3FAE] =	sst s9;
	s0 =	simm.s32 @!p0 $0x0  }
0x12: {  	s1 =	sld [smem:$0x3F94];
	s0 =	simm.s32 @p0 $0x1  }
0x13: {  	[smem:$0x3FAF] =	sst s0;
	s0 =	simm.s32 @!p1 $0x0  }
0x14: {  	s2 =	sld [smem:$0x3F93];
	s0 =	simm.s32 @p1 $0x1  }
0x15: {  	[smem:$0x3FB0] =	sst s0;
	s0 =	simm.s32 @!p2 $0x0  }
0x16: {  	s3 =	sld [smem:$0x3FDB];
	s0 =	simm.s32 @p2 $0x1  }
0x17: {  	s4 =	simm.s32 $0x1BF5;
	[smem:$0x3FB2] =	sst s0  }
0x18: {  	s0 =	sld [smem:$0x3F95];
	_ =	swait.ge [sflag:s4], $0x0  }
0x19: {  	s7 =	sld [smem:$0x3F96]  }
0x1a: {  	s8 =	sadd.s32 $0xFFFFE003, lr  }
0x1b: {  	s9 =	sadd.s32 $0xFFFFFEF7, lr;
	s5 =	simm.s32 $0xFFFFFFFF;
	p2 =	slt.u32 s8, $0xFFFFF086  }
0x1c: {  	p1 =	slt.u32 s9, $0xF7A;
	s5 =	simm.s32 @!p2 $0x0  }
0x1d: {  	s5 =	simm.s32 @p1 $0x1;
	p0 =	seq.s32 s7, s2  }
0x1e: {  	s7 =	smul.u32 @!p0 $0xF7A, s2;
	p2 =	seq.s32 @!p0 s5, $0x0  }
0x1f: {  	s9 =	smul.u32 $0xF7A, s1;
	s8 =	simm.s32 @!p0 $0x1BF5;
	p2 =	por !p2, p0  }
0x20: {  	[sflag:s8] =	ssyncset.s32 @!p0 $0xFFFFF086;
	s6 =	sadd.s32 @!p0 s3, s7;
	s7 =	simm.s32 @!p0 $0x108  }
0x21: {  	s3 =	sadd.s32 s3, s9;
	s6 =	sadd.s32 @!p0 $0x88, s6;
	s7 =	simm.s32 @p2 $0x1082  }
0x22: {  	[simem:s7], [sflag:s8] =	dma.local @!p0 [hbm:s6], $0xF7A  }
0x23: {  	s9 =	sor.u32 $0xD0000000, s2;
	s6 =	simm.s32 $0x108;
	_ =	swait.ge @!p0 [sflag:s8], $0x0  }
0x24: {  	s3 =	sadd.s32 $0x88, s3;
	s6 =	simm.s32 @!p1 $0x1082;
	[sflag:s4] =	ssyncset.s32 $0xFFFFF086  }
0x25: {  	[simem:s6], [sflag:s4] =	dma.local [hbm:s3], $0xF7A  }
0x26: {  	[smem:$0x3F96] =	sst s1;
	(tag) =	ssettag s2;
	_ =	strace s9  }
0x27: {  	s1 =	sld [smem:$0x3FA6]  }
0x28: {  	s2 =	sld [smem:$0x3FA7]  }
0x29: {  	s4 =	sld [smem:$0x3FA9]  }
0x2a: {  	p0 =	seq.s32 s5, $0x0;
	s5 =	sld [smem:$0x3FAA]  }
0x2b: {  	s6 =	sld [smem:$0x3FAB]  }
0x2c: {  	s7 =	sld [smem:$0x3FAC]  }
0x2d: {  	s3 =	simm.s32 $0x108;
	s8 =	sld [smem:$0x3FAD]  }
0x2e: {  	s3 =	simm.s32 @!p0 $0x1082;
	s9 =	sld [smem:$0x3FAE]  }
0x2f: {  	lr =	sadd.s32 s0, s3;
	s0 =	sld [smem:$0x3FA5]  }
0x30: {  	s3 =	sld [smem:$0x3FA8]  }
0x31: {  	[smem:$0x3FB1] =	sst s10  }
0x32: {  	s10 =	sld [smem:$0x3FAF];
	_ =	sdelay $0x3  }
0x33: {  	p0 =	seq.s32 s10, $0x1;
	s10 =	sld [smem:$0x3FB1];
	_ =	sdelay $0x3  }
0x34: {  	[smem:$0x3FB1] =	sst s10  }
0x35: {  	s10 =	sld [smem:$0x3FB0];
	_ =	sdelay $0x3  }
0x36: {  	p1 =	seq.s32 s10, $0x1;
	s10 =	sld [smem:$0x3FB1];
	_ =	sdelay $0x3  }
0x37: {  	[smem:$0x3FB1] =	sst s10  }
0x38: {  	s10 =	sld [smem:$0x3FB2]  }
0x39: {  	_ = 	snop;
	(pc) =	sbr.ind lr, $3  }
0x3a: {  	_ = 	snop  }
0x3b: {  	_ = 	snop  }
0x3c: {  	p2 =	seq.s32 s10, $0x1;
	s10 =	sld [smem:$0x3FB1]  }
0x3d: {  	_ =	shalt  }
0x3e: {  	_ =	shalt  }
0x3f: {  	_ =	shalt  }
0x40: {  	_ =	shalt  }
0x41: {  	_ =	shalt  }
0x42: {  	_ =	shalt  }
0x43: {  	_ =	shalt  }
0x44: {  	_ =	shalt  }
0x45: {  	_ =	shalt  }
0x46: {  	_ =	shalt  }
0x47: {  	_ =	shalt  }
0x48: {  	_ =	shalt  }
0x49: {  	_ =	shalt  }
0x4a: {  	_ =	shalt  }
0x4b: {  	_ =	shalt  }
0x4c: {  	_ =	shalt  }
0x4d: {  	_ =	shalt  }
0x4e: {  	_ =	shalt  }
0x4f: {  	_ =	shalt  }
0x50: {  	_ =	shalt  }
0x51: {  	_ =	shalt  }
0x52: {  	_ =	shalt  }
0x53: {  	_ =	shalt  }
0x54: {  	_ =	shalt  }
0x55: {  	_ =	shalt  }
0x56: {  	_ =	shalt  }
0x57: {  	_ =	shalt  }
0x58: {  	_ =	shalt  }
0x59: {  	_ =	shalt  }
0x5a: {  	_ =	shalt  }
0x5b: {  	_ =	shalt  }
0x5c: {  	_ =	shalt  }
0x5d: {  	_ =	shalt  }
0x5e: {  	_ =	shalt  }
0x5f: {  	_ =	shalt  }
0x60: {  	_ =	shalt  }
0x61: {  	_ =	shalt  }
0x62: {  	_ =	shalt  }
0x63: {  	_ =	shalt  }
0x64: {  	_ =	shalt  }
0x65: {  	_ =	shalt  }
0x66: {  	_ =	shalt  }
0x67: {  	_ =	shalt  }
0x68: {  	_ =	shalt  }
0x69: {  	_ =	shalt  }
0x6a: {  	_ =	shalt  }
0x6b: {  	_ =	shalt  }
0x6c: {  	_ =	shalt  }
0x6d: {  	_ =	shalt  }
0x6e: {  	_ =	shalt  }
0x6f: {  	_ =	shalt  }
0x70: {  	_ =	shalt  }
0x71: {  	_ =	shalt  }
0x72: {  	_ =	shalt  }
0x73: {  	_ =	shalt  }
0x74: {  	_ =	shalt  }
0x75: {  	_ =	shalt  }
0x76: {  	_ =	shalt  }
0x77: {  	_ =	shalt  }
0x78: {  	_ =	shalt  }
0x79: {  	_ =	shalt  }
0x7a: {  	_ =	shalt  }
0x7b: {  	_ =	shalt  }
0x7c: {  	_ =	shalt  }
0x7d: {  	_ =	shalt  }
0x7e: {  	_ =	shalt  }
0x7f: {  	_ =	shalt  }
0x80: {  	_ =	shalt  }
0x81: {  	_ =	shalt  }
0x82: {  	_ =	shalt  }
0x83: {  	_ =	shalt  }
0x84: {  	_ =	shalt  }
0x85: {  	_ =	shalt  }
0x86: {  	_ =	shalt  }
0x87: {  	_ =	shalt  }
.Lfunc_end0:
.L_simem_size_0:
called_computation.3_lowered:
.L_overlay_start_0:
0x88: {  	s2 =	sld [smem:$0x3FD9]  }
0x89: {  	s3 =	sld [smem:$0x3FFE];
	_ =	sdelay $0x1  }
0x8a: {  	s1 =	srdreg.scid  }
0x8b: {  	s0 =	sand.u32 $0x1, s1  }
0x8c: {  	s16 =	sshll.u32 s0, $0xA;
	s2 =	sadd.s32 s3, s2  }
0x8d: {  	s2 =	sadd.s32 s2, s16  }
0x8e: {  	[smem:$0x3FBD] =	sst s2  }
0x8f: {  	_ = 	snop  }
0x90: {  	(tm) =	ssettm $0x1  }
0x91: {  	s17 =	sld [smem:$0x3FFB];
	_ =	sdelay $0x3  }
0x92: {  	_ =	strace s17  }
0x93: {  	s2 =	sld [smem:$0x3FFC];
	_ =	sdelay $0x3  }
0x94: {  	_ =	strace s2  }
0x95: {  	s2 =	sld [smem:$0x3FFD];
	_ =	sdelay $0x3  }
0x96: {  	_ =	strace s2  }
0x97: {  	_ =	strace $0x8FFFFFFF  }
0x98: {  	s18 =	sld [smem:$0x3FDB];
	_ =	sdelay $0x1  }
0x99: {  	s19 =	simm.s32 $_scs_section_size  }
0x9a: {  	s4 =	simm.s32 $_size__tile_overlayer_lowered;
	s5 =	simm.s32 $_tile_overlayer_lowered  }
0x9b: {  	s22 =	simm.s32 $0x1BFF;
	s21 =	sshll.u32 s5, $0x1;
	s2 =	sadd.s32 s19, s18  }
0x9c: {  	s6 =	simm.s32 $0x0;
	s20 =	sshll.u32 s4, $0x1;
	s4 =	sadd.s32 s21, s2  }
0x9d: {  	[timem:s6], [sflag:s22] =	dma.local [hbm:s4], s20  }
0x9e: {  	_ =	swait.ge [sflag:s22], s20  }
0x9f: {  	s3 =	ssub.s32 $0x0, s20;
	[sflag:s22] =	ssyncset.done $0x0  }
0xa0: {  	[sflag:s22] =	ssyncadd.s32 s3;
	_ =	sdelay $0x1  }
0xa1: {  	s23 =	simm.s32 $0x1B8B  }
0xa2: {  	_ =	swait.ge [sflag:s23], $0x1  }
0xa3: {  	[sflag:s23] =	ssyncset.done $0x0  }
0xa4: {  	s25 =	simm.s32 $0x1B8E;
	s24 =	sld [smem:$0x3FFE];
	[sflag:s23] =	ssyncadd.s32 $0xFFFFFFFF  }
0xa5: {  	s26 =	simm.s32 $execute0_lowered;
	[smem:$0x3FD2] =	sst s25  }
0xa6: {  	s4 =	sshll.u32 s26, $0x1;
	_ =	strace $0x8000004F;
	[dreg:$0x1] =	wrdreg $0xFFFFFFFF  }
0xa7: {  	s28 =	simm.s32 $_size_execute0_lowered;
	s2 =	sadd.s32 s2, s4;
	[dreg:$0x0] =	wrdreg $0x0  }
0xa8: {  	s4 =	sshll.u32 s28, $0x1;
	[dreg:$0x2] =	wrdreg s2  }
0xa9: {  	[dreg:$0x3] =	wrdreg s4  }
0xaa: {  	[dreg:$0x4] =	wrdreg $0xC0  }
0xab: {  	_ =	task [dreg:s6], $0x5FFFF  }
0xac: {  	[dreg:$0x1] =	wrdreg $0xFFFFFFFF  }
0xad: {  	[dreg:$0x0] =	wrdreg $0x60  }
0xae: {  	[dreg:$0x2] =	wrdreg s24  }
0xaf: {  	[dreg:$0x3] =	wrdreg $0x90000  }
0xb0: {  	[dreg:$0x4] =	wrdreg $0xDE300  }
0xb1: {  	[dreg:$0x5] =	wrdreg $0x9  }
0xb2: {  	_ =	task.clear_ibuf [dreg:s6], $0x6FFFF;
	_ =	strace $0x9000004F  }
0xb3: {  	s29 =	simm.s32 $0x9;
	_ =	strace $0x80000051  }
0xb4: {  	_ =	swait.ge [sflag:s29], $0x1  }
0xb5: {  	[sflag:s29] =	ssyncadd.s32 $0xFFFFFFFF  }
0xb6: {  	_ =	strace $0x90000051  }
0xb7: {  	_ =	sfence  }
0xb8: {  	s30 =	sld [smem:$0x0];
	_ =	sdelay $0x2  }
0xb9: {  	s31 =	sshll.u32 s1, $0xD;
	s1 =	sshrl.u32 s1, $0x2  }
0xba: {  	s3 =	sand.u32 $0x4000, s31;
	s1 =	sadd.s32 s1, s30  }
0xbb: {  	s0 =	sor.u32 s3, s0;
	s1 =	sshll.u32 s1, $0x11  }
0xbc: {  	s0 =	sor.u32 s1, s0  }
0xbd: {  	s0 =	sadd.s32 $0x8F2B, s0  }
0xbe: {  	[sflag:s0] =	ssyncadd.remote.s32 $0x1  }
0xbf: {  	_ =	sfence.sel $0xFFFF  }
0xc0: {  	[dreg:$0x0] =	wrdreg $0xFFFFFFFF;
	(pc) =	sbr.abs _section_cstart, $3  }
0xc1: {  	[dreg:$0x1] =	wrdreg $0xFFFFFFFF  }
0xc2: {  	_ =	task.clear_ibuf [dreg:s6], $0x2FFFF;
	_ =	strace $0x9FFFFFFF  }
0xc3: {  	(tm) =	ssettm $0x7FFFFFFF  }
tec
execute0_lowered:
.L_overlay_start_1:
0x0: {  	(tag) =	ssettag $0x1  }
0x1: {  	s1 =	rddreg [dreg:$0x0]  }
0x2: {  	s0 =	srdreg.scid;
	s2 =	rddreg [dreg:$0x1]  }
0x3: {  	s3 =	rddreg [dreg:$0x2];
	s6 =	simm.s32 $0x0;
	s17 =	simm.s32 $0x9  }
0x4: {  	s28 =	simm.s32 $0x1;
	s30 =	simm.s32 $0x8000;
	s31 =	simm.s32 $0x2  }
0x5: {  	s29 =	simm.s32 $0x8;
	s4 =	sand.u32 $0x1, s0;
	s0 =	stileid.u32  }
0x6: {  	[smem:$0x7FF] =	sst s6;
	s13 =	sadd.s32 $0x17400, s1;
	s14 =	sadd.s32 $0x2B000, s1  }
0x7: {  	s9 =	sadd.s32 $0x4E000, s2;
	s10 =	sadd.s32 $0x21000, s1;
	s25 =	sadd.s32 $0x4E000, s3  }
0x8: {  	s5 =	sshll.u32 s4, $0x4;
	s12 =	smul.u32 $0x9C00, s0;
	_ =	strace $0x80000050  }
0x9: {  	s19 =	ssub.s32 $0x2, s4;
	p0 =	slt.u32 s0, $0x8;
	p1 =	seq.s32 s4, $0x0  }
0xa: {  	p3 =	seq.s32 s0, $0x0;
	p4 =	seq.s32 s4, $0x1;
	s26 =	sshrl.u32 s25, $0x3  }
0xb: {  	p6 =	sgt.u32 s0, $0x7;
	s25 =	simm.s32 $0x7;
	s5 =	sor.u32 s0, s5  }
0xc: {  	s7 =	sshrl.u32 s19, $0x1;
	p1 =	por !p0, !p1;
	p2 =	por !p0, !p4  }
0xd: {  	p3 =	por !p3, !p4;
	[dreg:$0xb] =	wrdreg s26;
	s26 =	simm.s32 $0x7000  }
0xe: {  	s5 =	smul.u32 $0x500, s5;
	s8 =	sshrl.u32 s12, $0x3;
	s16 =	ssub.s32 s19, s7  }
0xf: {  	p1 =	por !p1, !p1;
	s7 =	sadd.s32 s12, s2;
	s19 =	sor.u32 s4, s0  }
0x10: {  	p2 =	por !p2, !p2;
	s15 =	sadd.s32 $0xFFFB2000, s12;
	s4 =	smul.u32 $0x4E300, s4  }
0x11: {  	s11 =	sadd.s32 s8, s1;
	s22 =	sadd.s32 s13, s8;
	s16 =	smax.u32 s16, $0x1  }
0x12: {  	p5 =	sne.s32 s19, $0x0;
	s19 =	simm.s32 $0x5;
	s18 =	sadd.s32 s5, s1  }
0x13: {  	[dreg:$0x6] =	wrdreg s22;
	s23 =	sadd.s32 $0x21200, s11;
	s5 =	simm.s32 @!p3 $0x0  }
0x14: {  	s12 =	sadd.s32 s12, s4;
	s4 =	sshrl.u32 s4, $0x3;
	s1 =	sadd.s32 $0x2AE00, s1  }
0x15: {  	s22 =	simm.s32 $0x6000;
	s20 =	sadd.s32 $0xD400, s18;
	[dreg:$0x7] =	wrdreg s23  }
0x16: {  	s21 =	sadd.s32 $0x2400, s18;
	s5 =	simm.s32 @p3 $0x1;
	[dreg:$0x9] =	wrdreg s1  }
0x17: {  	p3 =	por !p3, !p3;
	s23 =	sadd.s32 s15, s3;
	[dreg:$0x4] =	wrdreg s20  }
0x18: {  	s15 =	sshrl.u32 s15, $0x3;
	s12 =	sshrl.u32 s12, $0x3;
	[dreg:$0x5] =	wrdreg s21  }
0x19: {  	s4 =	sadd.s32 s14, s4;
	s18 =	simm.s32 $0x2800;
	[smem:$0x7FB] =	sst s5  }
0x1a: {  	s5 =	simm.s32 @!p3 $0x0;
	s24 =	sadd.s32 s13, s15;
	s14 =	sadd.s32 s14, s12  }
0x1b: {  	s15 =	sadd.s32 $0x9C00, s4;
	s20 =	simm.s32 $0x80;
	s21 =	simm.s32 $0x5000  }
.Ltmp0:
0x1c: {  	s5 =	simm.s32 @p3 $0x1;
	p3 =	sne.s32 @!p0 s0, $0x8;
	(pc) =	sbr.rel .LBB2_1-.Ltmp0, $4  }
0x1d: {  	s1 =	sshrl.u32 @!p0 s23, $0x3;
	[dreg:$0x8] =	wrdreg s24;
	p3 =	por p0, p3  }
0x1e: {  	s12 =	simm.s32 $0x3;
	[dreg:$0xa] =	wrdreg s1;
	s1 =	simm.s32 @!p3 $0x0  }
0x1f: {  	s23 =	simm.s32 $0x6;
	[smem:$0x7FC] =	sst s5;
	s1 =	simm.s32 @p3 $0x1  }
0x20: {  	s24 =	simm.s32 $0x4;
	[smem:$0x7FD] =	sst s1;
	s1 =	simm.s32 $0x0  }
.LBB2_10:
0x21: {  	_ =	swait.ge [sflag:s19], $0x1000  }
0x22: {  	[sflag:s19] =	ssyncset.done $0x0  }
0x23: {  	[sflag:s19] =	ssyncadd.s32 $0xFFFFF000  }
0x24: {  	_ =	swait.ge [sflag:s23], $0x1000  }
0x25: {  	[sflag:s23] =	ssyncset.done $0x0  }
0x26: {  	[sflag:s23] =	ssyncadd.s32 $0xFFFFF000  }
0x27: {  	_ =	swait.ge [sflag:s25], $0x1000  }
0x28: {  	[sflag:s25] =	ssyncset.done $0x0  }
0x29: {  	[sflag:s25] =	ssyncadd.s32 $0xFFFFF000  }
0x2a: {  	_ =	swait.ge [sflag:s29], $0x1000  }
0x2b: {  	[sflag:s29] =	ssyncset.done $0x0  }
0x2c: {  	s4 =	sshll.u32 @!p6 s0, $0x6;
	[sflag:s29] =	ssyncadd.s32 $0xFFFFF000  }
0x2d: {  	s5 =	sshrl.u32 @!p6 s7, $0x3;
	s4 =	sor.u32 @!p6 $0x1C09, s4;
	[bflag:$0x0] =	sbarrier.arrive $0xFFFF  }
0x2e: {  	[hbm:s14], [sflag:s4] =	dma.local @!p6 [spmem:s5], $0x1380  }
0x2f: {  	s4 =	simm.s32 @!p6 $0x9  }
0x30: {  	s1 =	sadd.s32 $0x1, s1;
	_ =	swait.ge @!p6 [sflag:s4], $0x1380  }
0x31: {  	p4 =	sne.s32 s1, s16;
	s5 =	sshll.u32 @p3 s0, $0x6;
	[sflag:s4] =	ssyncset.done @!p6 $0x0  }
0x32: {  	[sflag:s4] =	ssyncadd.s32 @!p6 $0xFFFFEC80;
	s4 =	sor.u32 @p3 $0x1C09, s5;
	s5 =	sshrl.u32 @p3 s9, $0x3  }
0x33: {  	[hbm:s15], [sflag:s4] =	dma.local @p3 [spmem:s5], $0x60  }
.Ltmp1:
0x34: {  	_ = 	snop;
	(pc) =	sbr.rel @!p4 .LBB2_11-.Ltmp1, $4  }
0x35: {  	s4 =	simm.s32 @p3 $0x9  }
0x36: {  	_ =	swait.ge @p3 [sflag:s4], $0x60  }
0x37: {  	[sflag:s4] =	ssyncset.done @p3 $0x0  }
0x38: {  	[sflag:s4] =	ssyncadd.s32 @p3 $0xFFFFFFA0  }
.LBB2_1:
0x39: {  	s4 =	simm.s32 $0x0;
	s5 =	rddreg [dreg:$0x4]  }
0x3a: {  	[tilespmem:s4], [sflag:$0x9] =	stream.linear.gather [hbm4b:s5+s4], $0x2800, $0x38;
	[tilespmem:$0x12C60] =	vst v63  }
0x3b: {  	_ =	swait.ge [sflag:s17], $0x2800  }
0x3c: {  	[sflag:s17] =	ssyncset.done $0x0  }
0x3d: {  	s11 =	rddreg [dreg:$0x5];
	[sflag:s17] =	ssyncadd.s32 $0xFFFFD800  }
0x3e: {  	[tilespmem:s18], [sflag:$0x9] =	stream.linear.gather [hbm4b:s11+s4], $0x2800, $0x38;
	[tilespmem:$0x12C60] =	vst v63  }
0x3f: {  	_ =	swait.ge [sflag:s17], $0x2800  }
0x40: {  	s13 =	sshrl.u32 @p1 s7, $0x3;
	s4 =	sshll.u32 @p1 s0, $0x6;
	[sflag:s17] =	ssyncset.done $0x0  }
0x41: {  	s4 =	sor.u32 @p1 $0x1C09, s4;
	s5 =	rddreg [dreg:$0x6];
	[sflag:s17] =	ssyncadd.s32 $0xFFFFD800  }
0x42: {  	[spmem:s13], [sflag:s4] =	dma.local @p1 [hbm:s5], $0x1380  }
0x43: {  	s4 =	simm.s32 @p1 $0x9  }
0x44: {  	_ =	swait.ge @p1 [sflag:s4], $0x1380  }
0x45: {  	s13 =	sshll.u32 @!p5 s0, $0x6;
	[sflag:s4] =	ssyncset.done @p1 $0x0  }
0x46: {  	[sflag:s4] =	ssyncadd.s32 @p1 $0xFFFFEC80;
	s4 =	sor.u32 @!p5 $0x1C09, s13;
	s13 =	sshrl.u32 @!p5 s9, $0x3  }
0x47: {  	[spmem:s13], [sflag:s4] =	dma.local @!p5 [hbm:s10], $0x60  }
0x48: {  	s4 =	simm.s32 @!p5 $0x9  }
0x49: {  	_ =	swait.ge @!p5 [sflag:s4], $0x60  }
0x4a: {  	s13 =	sshll.u32 @p2 s0, $0x6;
	[sflag:s4] =	ssyncset.done @!p5 $0x0;
	s5 =	rddreg [dreg:$0x7]  }
0x4b: {  	[sflag:s4] =	ssyncadd.s32 @!p5 $0xFFFFFFA0;
	s4 =	sor.u32 @p2 $0x1C09, s13;
	s13 =	sshrl.u32 @p2 s7, $0x3  }
0x4c: {  	[spmem:s13], [sflag:s4] =	dma.local @p2 [hbm:s5], $0x1380  }
0x4d: {  	s4 =	simm.s32 @p2 $0x9  }
0x4e: {  	_ =	swait.ge @p2 [sflag:s4], $0x1380  }
0x4f: {  	s13 =	sld [smem:$0x7FC];
	_ =	sdelay $0x2  }
0x50: {  	p3 =	seq.s32 s13, $0x1  }
.Ltmp2:
0x51: {  	_ = 	snop;
	(pc) =	sbr.rel @!p3 .LBB2_3-.Ltmp2, $3  }
0x52: {  	_ =	sdelay $0x1  }
0x53: {  	[sflag:s4] =	ssyncset.done @p2 $0x0  }
0x54: {  	[sflag:s4] =	ssyncadd.s32 @p2 $0xFFFFEC80  }
.Ltmp3:
0x55: {  	(pc) =	sbr.rel .LBB2_6-.Ltmp3, $3  }
0x56: {  	_ =	sdelay $0x1  }
0x57: {  	s4 =	sshrl.u32 s9, $0x3;
	s5 =	rddreg [dreg:$0x9];
	s6 =	simm.s32 $0x1C09  }
0x58: {  	[spmem:s4], [sflag:s6] =	dma.local [hbm:s5], $0x60  }
.LBB2_3:
0x59: {  	s4 =	sshll.u32 @!p0 s0, $0x6;
	s5 =	rddreg [dreg:$0x8]  }
0x5a: {  	s6 =	rddreg [dreg:$0xa];
	s4 =	sor.u32 @!p0 $0x1C09, s4  }
0x5b: {  	[spmem:s6], [sflag:s4] =	dma.local @!p0 [hbm:s5], $0x1380  }
0x5c: {  	s4 =	simm.s32 @!p0 $0x9  }
0x5d: {  	_ =	swait.ge @!p0 [sflag:s4], $0x1380  }
0x5e: {  	s13 =	sld [smem:$0x7FD];
	_ =	sdelay $0x2  }
0x5f: {  	p3 =	seq.s32 s13, $0x1  }
.Ltmp4:
0x60: {  	_ = 	snop;
	(pc) =	sbr.rel @p3 .LBB2_4-.Ltmp4, $3  }
0x61: {  	_ =	sdelay $0x1  }
0x62: {  	[sflag:s4] =	ssyncset.done @!p0 $0x0  }
0x63: {  	[sflag:s4] =	ssyncadd.s32 @!p0 $0xFFFFEC80  }
0x64: {  	s4 =	rddreg [dreg:$0xb];
	s5 =	simm.s32 $0x1E09  }
0x65: {  	[spmem:s4], [sflag:s5] =	dma.local [hbm:s10], $0x60  }
.LBB2_6:
.Ltmp5:
0x66: {  	_ =	swait.ge [sflag:s17], $0x60;
	(pc) =	sbr.rel .LBB2_7-.Ltmp5, $3  }
0x67: {  	s4 =	sld [smem:$0x7FB];
	_ =	sdelay $0x1  }
0x68: {  	[sflag:s17] =	ssyncset.done $0x0  }
0x69: {  	[sflag:s17] =	ssyncadd.s32 $0xFFFFFFA0;
	p3 =	seq.s32 s4, $0x1  }
.LBB2_4:
0x6a: {  	p4 =	por @!p0 $0x0, $0x0;
	p3 =	por $0x0, $0x0  }
0x6b: {  	p3 =	por @!p0 p4, p4  }
.LBB2_7:
0x6c: {  	[bflag:$0x0] =	sbarrier.arrive $0xFFFF;
	s13 =	simm.s32 $0x0  }
0x6d: {  	[tilespmem:s21], [sflag:$0x1] =	stream.indirect.gather [spmem:s3], $0x20, s13, s20, $0xb8;
	[tilespmem:$0x12C60] =	vst v63  }
0x6e: {  	_ = 	snop  }
0x6f: {  	[tilespmem:s22], [sflag:$0x2] =	stream.indirect.gather [spmem:s3], $0x20, s20, s20, $0xb8;
	[tilespmem:$0x12C60] =	vst v63  }
0x70: {  	s4 =	simm.s32 $0x100  }
0x71: {  	[tilespmem:s26], [sflag:$0x3] =	stream.indirect.gather [spmem:s3], $0x20, s4, s20, $0xb8;
	[tilespmem:$0x12C60] =	vst v63  }
0x72: {  	_ =	swait.ge [sflag:s28], $0x1000  }
0x73: {  	[sflag:s28] =	ssyncset.done $0x0  }
0x74: {  	[sflag:s28] =	ssyncadd.s32 $0xFFFFF000  }
0x75: {  	[spmem:s2] =	stream.indirect.scatter.add.f32 [tilespmem:s21], [sflag:$0x5], $0x20, s18, s20, $0xb8;
	[tilespmem:$0x12C60] =	vst v63  }
0x76: {  	s6 =	simm.s32 $0x180  }
0x77: {  	[tilespmem:s30], [sflag:$0x4] =	stream.indirect.gather [spmem:s3], $0x20, s6, s20, $0xb8;
	[tilespmem:$0x12C60] =	vst v63  }
0x78: {  	_ =	swait.ge [sflag:s31], $0x1000  }
0x79: {  	[sflag:s31] =	ssyncset.done $0x0  }
0x7a: {  	s8 =	simm.s32 $0x2880;
	[sflag:s31] =	ssyncadd.s32 $0xFFFFF000  }
0x7b: {  	[spmem:s2] =	stream.indirect.scatter.add.f32 [tilespmem:s22], [sflag:$0x6], $0x20, s8, s20, $0xb8;
	[tilespmem:$0x12C60] =	vst v63  }
0x7c: {  	_ =	swait.ge [sflag:s19], $0x1000  }
0x7d: {  	[sflag:s19] =	ssyncset.done $0x0  }
0x7e: {  	s11 =	simm.s32 $0x200;
	[sflag:s19] =	ssyncadd.s32 $0xFFFFF000  }
0x7f: {  	[tilespmem:s21], [sflag:$0x1] =	stream.indirect.gather [spmem:s3], $0x20, s11, s20, $0xb8;
	[tilespmem:$0x12C60] =	vst v63  }
0x80: {  	_ =	swait.ge [sflag:s12], $0x1000  }
0x81: {  	[sflag:s12] =	ssyncset.done $0x0  }
0x82: {  	s5 =	simm.s32 $0x2900;
	[sflag:s12] =	ssyncadd.s32 $0xFFFFF000  }
0x83: {  	[spmem:s2] =	stream.indirect.scatter.add.f32 [tilespmem:s26], [sflag:$0x7], $0x20, s5, s20, $0xb8;
	[tilespmem:$0x12C60] =	vst v63  }
0x84: {  	_ =	swait.ge [sflag:s23], $0x1000  }
0x85: {  	[sflag:s23] =	ssyncset.done $0x0  }
0x86: {  	s6 =	simm.s32 $0x280;
	[sflag:s23] =	ssyncadd.s32 $0xFFFFF000  }
0x87: {  	[tilespmem:s22], [sflag:$0x2] =	stream.indirect.gather [spmem:s3], $0x20, s6, s20, $0xb8;
	[tilespmem:$0x12C60] =	vst v63  }
0x88: {  	_ =	swait.ge [sflag:s24], $0x1000  }
0x89: {  	[sflag:s24] =	ssyncset.done $0x0  }
0x8a: {  	s8 =	simm.s32 $0x2980;
	[sflag:s24] =	ssyncadd.s32 $0xFFFFF000  }
0x8b: {  	[spmem:s2] =	stream.indirect.scatter.add.f32 [tilespmem:s30], [sflag:$0x8], $0x20, s8, s20, $0xb8;
	[tilespmem:$0x12C60] =	vst v63  }
0x8c: {  	_ =	swait.ge [sflag:s25], $0x1000  }
0x8d: {  	[sflag:s25] =	ssyncset.done $0x0  }
0x8e: {  	s11 =	simm.s32 $0x300;
	[sflag:s25] =	ssyncadd.s32 $0xFFFFF000  }
0x8f: {  	[tilespmem:s26], [sflag:$0x3] =	stream.indirect.gather [spmem:s3], $0x20, s11, s20, $0xb8;
	[tilespmem:$0x12C60] =	vst v63  }
.LBB2_8:
0x90: {  	_ =	swait.ge [sflag:s28], $0x1000  }
0x91: {  	s4 =	sshra.s32 s13, $0x2;
	[sflag:s28] =	ssyncset.done $0x0  }
0x92: {  	s5 =	sadd.s32 $0x2A00, s4;
	[sflag:s28] =	ssyncadd.s32 $0xFFFFF000  }
0x93: {  	[spmem:s2] =	stream.indirect.scatter.add.f32 [tilespmem:s21], [sflag:$0x5], $0x20, s5, s20, $0xb8;
	[tilespmem:$0x12C60] =	vst v63  }
0x94: {  	_ =	swait.ge [sflag:s29], $0x1000  }
0x95: {  	[sflag:s29] =	ssyncset.done $0x0  }
0x96: {  	s6 =	sadd.s32 $0x380, s4;
	[sflag:s29] =	ssyncadd.s32 $0xFFFFF000  }
0x97: {  	[tilespmem:s30], [sflag:$0x4] =	stream.indirect.gather [spmem:s3], $0x20, s6, s20, $0xb8;
	[tilespmem:$0x12C60] =	vst v63  }
0x98: {  	_ =	swait.ge [sflag:s31], $0x1000  }
0x99: {  	p4 =	seq.s32 s13, $0x9000;
	[sflag:s31] =	ssyncset.done $0x0  }
0x9a: {  	s8 =	sadd.s32 $0x2A80, s4;
	s5 =	simm.s32 @p4 $0x3;
	[sflag:s31] =	ssyncadd.s32 $0xFFFFF000  }
0x9b: {  	[spmem:s2] =	stream.indirect.scatter.add.f32 [tilespmem:s22], [sflag:$0x6], $0x20, s8, s20, $0xb8;
	[tilespmem:$0x12C60] =	vst v63  }
0x9c: {  	_ =	swait.ge @p4 [sflag:s5], $0x1000  }
0x9d: {  	[sflag:s5] =	ssyncset.done @p4 $0x0  }
0x9e: {  	[sflag:s5] =	ssyncadd.s32 @p4 $0xFFFFF000;
	s5 =	sshra.s32 @p4 s13, $0x2  }
0x9f: {  	s6 =	simm.s32 @p4 $0x80;
	s8 =	simm.s32 @p4 $0x7000;
	s5 =	sadd.s32 @p4 $0x2B00, s5  }
0xa0: {  	[spmem:s2] =	stream.indirect.scatter.add.f32 @p4 [tilespmem:s8], [sflag:$0x7], $0x20, s5, s6, $0xb8;
	[tilespmem:$0x12C60] =	vst v63  }
0xa1: {  	s5 =	simm.s32 @!p4 $0x5  }
0xa2: {  	_ =	swait.ge @!p4 [sflag:s5], $0x1000  }
0xa3: {  	[sflag:s5] =	ssyncset.done @!p4 $0x0  }
0xa4: {  	[sflag:s5] =	ssyncadd.s32 @!p4 $0xFFFFF000;
	s5 =	sshra.s32 @!p4 s13, $0x2  }
0xa5: {  	s11 =	simm.s32 @!p4 $0x5000;
	s8 =	simm.s32 @!p4 $0x80;
	s6 =	sadd.s32 @!p4 $0x400, s5  }
0xa6: {  	[tilespmem:s11], [sflag:$0x1] =	stream.indirect.gather @!p4 [spmem:s3], $0x20, s6, s8, $0xb8;
	[tilespmem:$0x12C60] =	vst v63  }
0xa7: {  	s6 =	simm.s32 @!p4 $0x3  }
0xa8: {  	_ =	swait.ge @!p4 [sflag:s6], $0x1000  }
0xa9: {  	[sflag:s6] =	ssyncset.done @!p4 $0x0  }
0xaa: {  	s11 =	simm.s32 @!p4 $0x7000;
	[sflag:s6] =	ssyncadd.s32 @!p4 $0xFFFFF000;
	s6 =	sadd.s32 @!p4 $0x2B00, s5  }
0xab: {  	[spmem:s2] =	stream.indirect.scatter.add.f32 @!p4 [tilespmem:s11], [sflag:$0x7], $0x20, s6, s8, $0xb8;
	[tilespmem:$0x12C60] =	vst v63  }
0xac: {  	s6 =	simm.s32 @!p4 $0x6  }
0xad: {  	_ =	swait.ge @!p4 [sflag:s6], $0x1000  }
0xae: {  	[sflag:s6] =	ssyncset.done @!p4 $0x0  }
0xaf: {  	s5 =	sadd.s32 @!p4 $0x480, s5;
	[sflag:s6] =	ssyncadd.s32 @!p4 $0xFFFFF000;
	s6 =	simm.s32 @!p4 $0x6000  }
0xb0: {  	[tilespmem:s6], [sflag:$0x2] =	stream.indirect.gather @!p4 [spmem:s3], $0x20, s5, s8, $0xb8;
	[tilespmem:$0x12C60] =	vst v63  }
.Ltmp6:
0xb1: {  	_ = 	snop;
	(pc) =	sbr.rel @p4 .LBB2_10-.Ltmp6, $4  }
0xb2: {  	_ =	swait.ge [sflag:s24], $0x1000  }
0xb3: {  	[sflag:s24] =	ssyncset.done $0x0  }
0xb4: {  	s11 =	sadd.s32 $0x2B80, s4;
	[sflag:s24] =	ssyncadd.s32 $0xFFFFF000  }
0xb5: {  	[spmem:s2] =	stream.indirect.scatter.add.f32 [tilespmem:s30], [sflag:$0x8], $0x20, s11, s20, $0xb8;
	[tilespmem:$0x12C60] =	vst v63  }
.Ltmp7:
0xb6: {  	(pc) =	sbr.rel .LBB2_8-.Ltmp7, $4  }
0xb7: {  	_ =	swait.ge [sflag:s25], $0x1000  }
0xb8: {  	[sflag:s25] =	ssyncset.done $0x0  }
0xb9: {  	s4 =	sadd.s32 $0x500, s4;
	s13 =	sadd.s32 $0x800, s13;
	[sflag:s25] =	ssyncadd.s32 $0xFFFFF000  }
0xba: {  	[tilespmem:s26], [sflag:$0x3] =	stream.indirect.gather [spmem:s3], $0x20, s4, s20, $0xb8;
	[tilespmem:$0x12C60] =	vst v63  }
.LBB2_11:
0xbb: {  	_ =	sfence.sel $0x180000  }
0xbc: {  	[bflag:$0x0] =	sbarrier.arrive $0xFFFF  }
0xbd: {  	_ =	strace $0x90000050  }
0xbe: {  	[bflag:$0x2] =	sbarrier.arrive $0xFFFF  }
0xbf: {  	p0 =	sne.s32 s0, $0x0;
	s0 =	rddreg [dreg:$0x3]  }
0xc0: {  	s0 =	sadd.s32 @!p0 $0x100000, s0  }
0xc1: {  	[sflag:s0] =	ssyncadd.tile.s32 @!p0 $0x1;
	_ =	shalt  }
.Lfunc_end2:
_tile_overlayer_lowered:
.L_overlay_start_2:
0xc2: {  	(tag) =	ssettag $0x2  }
0xc3: {  	s0 =	rddreg [dreg:$0x0];
	s2 =	stileid.u32  }
0xc4: {  	s1 =	rddreg [dreg:$0x1];
	p0 =	sne.s32 s2, $0x0  }
0xc5: {  	s3 =	rddreg [dreg:$0x2];
	[bflag:$0x3] =	sbarrier.arrive $0xFFFF;
	s2 =	simm.s32 @!p0 $0x1C09  }
0xc6: {  	[timem:s3], [sflag:s2] =	dma.local @!p0 [hbm:s0], s1  }
0xc7: {  	s0 =	simm.s32 @!p0 $0x9  }
0xc8: {  	_ =	swait.ge @!p0 [sflag:s0], s1  }
0xc9: {  	s1 =	ssub.s32 @!p0 $0x0, s1;
	[sflag:s0] =	ssyncset.done @!p0 $0x0  }
0xca: {  	[sflag:s0] =	ssyncadd.s32 @!p0 s1  }
0xcb: {  	[bflag:$0x3] =	sbarrier.arrive $0xFFFF  }
0xcc: {  	_ =	shalt  }

</sc_bundles>
